<compile_context>
chip_gen: v7x
topology: tpu7x:2x2x1
jax: 0.10.2.dev20260603
libtpu: 0.0.44.dev20260713+nightly
codegen_flags: <defaults>
</compile_context>

<pallas_src>
import jax
import jax.numpy as jnp
from jax import lax
from jax.experimental import pallas as pl
from jax.experimental.pallas import tpu as pltpu
from jax.experimental.pallas import tpu_sc as plsc

NSEL = 100
NKP = 17
KP = NKP * 3
KP_PAD = 52
SC_PAD = 112
L = 16
NBINS = 8192
SHIFT = 19
CAP = 1024
CAP_EFF = CAP - L
CH = 200


def _sortable(v):
    u = lax.bitcast_convert_type(v, jnp.int32)
    return jnp.where(u < 0, ~(u & 0x7FFFFFFF), u)


def _sel_body(logits_hbm, cidx_hbm, cnt_hbm,
              buf0_v, buf1_v, keys_v, hist_v, cand_i_v, cnt_v, sem0, sem1):
    cid = lax.axis_index("c")
    sid = lax.axis_index("s")
    wid = sid * 2 + cid
    nb = logits_hbm.shape[0]
    nq = logits_hbm.shape[1]
    nflat = nq * 2
    nchunk = nq // CH

    @pl.when(wid < nb)
    def _():
        b = wid
        iota = lax.iota(jnp.int32, L)
        zeros_i = jnp.zeros((L,), jnp.int32)
        ones_i = jnp.ones((L,), jnp.int32)

        def clr(g, _):
            hist_v[pl.ds(g * L, L)] = zeros_i
            return 0

        lax.fori_loop(0, NBINS // L, clr, 0)

        def proc(j, buf):
            def inner(g, _):
                f = g * L + iota
                v = plsc.load_gather(buf, [f >> 1, f & 1])
                s = _sortable(v)
                keys_v[pl.ds(j * (2 * CH) + g * L, L)] = s
                plsc.addupdate_scatter(hist_v, [(s >> SHIFT) + NBINS // 2],
                                       ones_i)
                return 0

            lax.fori_loop(0, 2 * CH // L, inner, 0)

        def fire(j, buf, sem):
            pltpu.async_copy(logits_hbm.at[b, pl.ds(j * CH, CH)], buf, sem)

        def wait(buf, sem):
            pltpu.make_async_copy(logits_hbm.at[b, pl.ds(0, CH)], buf,
                                  sem).wait()

        fire(0, buf0_v, sem0)

        def chunk_pair(j2, _):
            j0 = j2 * 2
            wait(buf0_v, sem0)
            fire(j0 + 1, buf1_v, sem1)
            proc(j0, buf0_v)
            wait(buf1_v, sem1)

            @pl.when(j0 + 2 < nchunk)
            def _():
                fire(j0 + 2, buf0_v, sem0)

            proc(j0 + 1, buf1_v)
            return 0

        lax.fori_loop(0, nchunk // 2, chunk_pair, 0)

        def scan_step(j, carry):
            acc, found, bbin = carry
            base = NBINS - (j + 1) * L
            h = hist_v[pl.ds(base, L)]
            rev = lax.rev(h, (0,))
            cum = plsc.cumsum(rev) + acc
            hit = cum >= NSEL
            npop = jnp.max(plsc.all_reduce_population_count(hit))
            b_here = base + npop - 1
            upd = (found == 0) & (npop > 0)
            bbin = jnp.where(upd, b_here, bbin)
            found = jnp.where(npop > 0, 1, found)
            return acc + jnp.sum(h), found, bbin

        _, _, bbin = lax.fori_loop(0, NBINS // L, scan_step, (0, 0, 0))
        thresh = (jnp.maximum(bbin - 1, 0) - NBINS // 2) << SHIFT

        def coll(g, cnt):
            s = keys_v[pl.ds(g * L, L)]
            msk = s >= thresh
            pcs = plsc.cumsum(jnp.where(msk, 1, 0))
            pos = cnt + pcs - 1
            okm = msk & (pos < CAP_EFF)
            plsc.store_scatter(cand_i_v, [pos], g * L + iota, mask=okm)
            return cnt + jnp.max(pcs)

        cnt = lax.fori_loop(0, nflat // L, coll, 0)

        cnt_v[pl.ds(0, L)] = zeros_i + jnp.minimum(cnt, CAP_EFF)
        pltpu.sync_copy(cand_i_v, cidx_hbm.at[b])
        pltpu.sync_copy(cnt_v, cnt_hbm.at[b])


def _rank_body(pv_hbm, cidx_hbm, cnt_hbm, boxes_hbm, kpts_hbm, swh_hbm,
               scores_hbm, boxes_out_hbm, kpts_out_hbm,
               pv_v, ci_v, cnt_v, swh_v, scores_v, qsel_v,
               bx_raw_v, kp_raw_v, bx_out_v, kp_out_v, sem_b, sem_k):
    cid = lax.axis_index("c")
    sid = lax.axis_index("s")
    wid = sid * 2 + cid
    nb = pv_hbm.shape[0]

    @pl.when(wid < nb)
    def _():
        b = wid
        pltpu.sync_copy(pv_hbm.at[b], pv_v)
        pltpu.sync_copy(cidx_hbm.at[b], ci_v)
        pltpu.sync_copy(cnt_hbm.at[b], cnt_v)
        pltpu.sync_copy(swh_hbm.at[b], swh_v)

        iota = lax.iota(jnp.int32, L)
        zeros_i = jnp.zeros((L,), jnp.int32)
        ncand = cnt_v[pl.ds(0, L)][0]

        def zsc(g, _):
            scores_v[pl.ds(g * L, L)] = jnp.zeros((L,), jnp.float32)
            return 0

        lax.fori_loop(0, SC_PAD // L, zsc, 0)

        def rank_chunk(t, _):
            post = t * L + iota
            pt = pv_v[pl.ds(t * L, L)]
            kt = lax.bitcast_convert_type(pt, jnp.int32)

            def inner(j, r):
                kj = lax.bitcast_convert_type(pv_v[pl.ds(j, L)][0], jnp.int32)
                return (r + jnp.where(kj > kt, 1, 0)
                        + jnp.where((kj == kt) & (j < post), 1, 0))

            rank = lax.fori_loop(0, ncand, inner, zeros_i)
            msk = (post < ncand) & (rank < NSEL)
            plsc.store_scatter(scores_v, [rank], pt, mask=msk)
            qi = ci_v[pl.ds(t * L, L)]
            plsc.store_scatter(qsel_v, [rank], qi >> 1, mask=msk)
            return 0

        lax.fori_loop(0, (ncand + L - 1) // L, rank_chunk, 0)

        def fire(r, _):
            q = qsel_v[pl.ds(r, L)][0]
            pltpu.async_copy(boxes_hbm.at[b, q], bx_raw_v.at[r, pl.ds(0, 4)],
                             sem_b)
            pltpu.async_copy(kpts_hbm.at[b, q], kp_raw_v.at[r, pl.ds(0, KP)],
                             sem_k)
            return 0

        lax.fori_loop(0, NSEL, fire, 0)

        def drain(r, _):
            q = qsel_v[pl.ds(r, L)][0]
            pltpu.make_async_copy(boxes_hbm.at[b, q],
                                  bx_raw_v.at[r, pl.ds(0, 4)], sem_b).wait()
            pltpu.make_async_copy(kpts_hbm.at[b, q],
                                  kp_raw_v.at[r, pl.ds(0, KP)], sem_k).wait()
            return 0

        lax.fori_loop(0, NSEL, drain, 0)

        svec = swh_v[...]

        def bx(g, _):
            o = g * L + iota
            r = o >> 2
            cc = o & 3
            p = o & 1
            a = plsc.load_gather(bx_raw_v, [r, p])
            wd = plsc.load_gather(bx_raw_v, [r, p + 2])
            sgn = jnp.where(cc < 2, -0.5, 0.5)
            plsc.store_scatter(bx_out_v, [r, cc], (a + sgn * wd) * svec)
            return 0

        lax.fori_loop(0, NSEL * 4 // L, bx, 0)

        w_s = svec[0]
        h_s = svec[1]

        def kp(g, _):
            o = g * L + iota
            r = o // KP_PAD
            cc = o - r * KP_PAD
            c3 = cc % 3
            cd3 = cc // 3
            j = jnp.where(c3 == 0, 2 * cd3,
                          jnp.where(c3 == 1, 2 * cd3 + 1, 34 + cd3))
            val = plsc.load_gather(kp_raw_v, [r, jnp.minimum(j, KP - 1)])
            scv = jnp.where(c3 == 0, w_s, jnp.where(c3 == 1, h_s, 1.0))
            scv = jnp.where(cc == KP, 0.0, scv)
            plsc.store_scatter(kp_out_v, [r, cc], val * scv)
            return 0

        lax.fori_loop(0, NSEL * KP_PAD // L, kp, 0)

        pltpu.sync_copy(scores_v, scores_hbm.at[b])
        pltpu.sync_copy(bx_out_v, boxes_out_hbm.at[b])
        pltpu.sync_copy(kp_out_v, kpts_out_hbm.at[b])


_SC_PARAMS = None


def _mesh_and_params():
    mesh = plsc.VectorSubcoreMesh(core_axis_name="c", subcore_axis_name="s")
    params = pltpu.CompilerParams(
        needs_layout_passes=False, use_tc_tiling_on_sc=True)
    return mesh, params


def _select_call(pred_logits):
    bs = pred_logits.shape[0]
    mesh, params = _mesh_and_params()
    fn = pl.kernel(
        _sel_body,
        out_type=(
            jax.ShapeDtypeStruct((bs, CAP), jnp.int32),
            jax.ShapeDtypeStruct((bs, L), jnp.int32),
        ),
        mesh=mesh,
        compiler_params=params,
        scratch_types=[
            pltpu.VMEM((CH, 2), jnp.float32),
            pltpu.VMEM((CH, 2), jnp.float32),
            pltpu.VMEM((pred_logits.shape[1] * 2,), jnp.int32),
            pltpu.VMEM((NBINS,), jnp.int32),
            pltpu.VMEM((CAP,), jnp.int32),
            pltpu.VMEM((L,), jnp.int32),
            pltpu.SemaphoreType.DMA,
            pltpu.SemaphoreType.DMA,
        ],
    )
    return fn(pred_logits)


def _rank_call(pv, cidx, cnt, boxes, kpts, swh):
    bs = pv.shape[0]
    mesh, params = _mesh_and_params()
    fn = pl.kernel(
        _rank_body,
        out_type=(
            jax.ShapeDtypeStruct((bs, SC_PAD), jnp.float32),
            jax.ShapeDtypeStruct((bs, NSEL, 4), jnp.float32),
            jax.ShapeDtypeStruct((bs, NSEL, KP_PAD), jnp.float32),
        ),
        mesh=mesh,
        compiler_params=params,
        scratch_types=[
            pltpu.VMEM((CAP,), jnp.float32),
            pltpu.VMEM((CAP,), jnp.int32),
            pltpu.VMEM((L,), jnp.int32),
            pltpu.VMEM((L,), jnp.float32),
            pltpu.VMEM((SC_PAD,), jnp.float32),
            pltpu.VMEM((NSEL + L,), jnp.int32),
            pltpu.VMEM((NSEL, 8), jnp.float32),
            pltpu.VMEM((NSEL, 56), jnp.float32),
            pltpu.VMEM((NSEL, 4), jnp.float32),
            pltpu.VMEM((NSEL, KP_PAD), jnp.float32),
            pltpu.SemaphoreType.DMA,
            pltpu.SemaphoreType.DMA,
        ],
    )
    return fn(pv, cidx, cnt, boxes, kpts, swh)


def kernel(pred_logits, pred_boxes, pred_keypoints, orig_target_sizes, target_sizes):
    bs, nq, nc = pred_logits.shape

    cidx, cnt = _select_call(pred_logits)

    ci = jnp.clip(cidx, 0, nq * nc - 1)
    q = ci >> 1
    c = ci & 1
    pl2 = jnp.take_along_axis(pred_logits, q[..., None], axis=1)
    lv = jnp.where(c == 1, pl2[..., 1], pl2[..., 0])
    pv = jax.nn.sigmoid(lv)

    whf = orig_target_sizes.astype(jnp.float32)
    swh = jnp.tile(jnp.stack([whf[:, 1], whf[:, 0]], axis=1), (1, L // 2))

    scores_p, boxes, kpts_p = _rank_call(pv, cidx, cnt, pred_boxes,
                                         pred_keypoints, swh)

    scores = scores_p[:, :NSEL]
    kpts = kpts_p[:, :, :KP]
    labels = jnp.ones((bs, NSEL), jnp.int32)
    return scores, labels, boxes, kpts, kpts[:, 0]

# --- scband reference (transcript-rebuilt; emitter-appended) ---
"""Pipeline reference for scband-post-process-82858509074983 (READ-ONLY COPY).

The authoritative reference and input builder live on the scoring server;
editing this copy changes nothing except your own understanding.
"""

import jax, jax.numpy as jnp
import numpy as np

NUM_SELECT = 100
NUM_BODY_POINTS = 17


def setup_inputs(seed: int = 0) -> dict:
    key = jax.random.key(seed)
    k1, k2, k3, k4, k5 = jax.random.split(key, 5)
    bs, nq, nc = 16, 20000, 2
    pred_logits = jax.random.normal(k1, (bs, nq, nc), dtype=jnp.float32)
    pred_boxes = jax.random.uniform(k2, (bs, nq, 4), dtype=jnp.float32)
    pred_keypoints = jax.random.uniform(k3, (bs, nq, NUM_BODY_POINTS * 3), dtype=jnp.float32)
    orig_target_sizes = jax.random.randint(k4, (bs, 2), 1, 1333).astype(jnp.int32)
    target_sizes = jax.random.randint(k5, (bs, 2), 1, 1333).astype(jnp.int32)
    return {
        "pred_logits": pred_logits,
        "pred_boxes": pred_boxes,
        "pred_keypoints": pred_keypoints,
        "orig_target_sizes": orig_target_sizes,
        "target_sizes": target_sizes,
    }


def _box_cxcywh_to_xyxy(b):
    cx, cy, w, h = b[..., 0], b[..., 1], b[..., 2], b[..., 3]
    return jnp.stack([cx - 0.5 * w, cy - 0.5 * h, cx + 0.5 * w, cy + 0.5 * h], axis=-1)


def reference(pred_logits, pred_boxes, pred_keypoints, orig_target_sizes, target_sizes):
    assert target_sizes.shape[1] == 2
    origin_h = orig_target_sizes[:, 0].astype(jnp.float32)
    origin_w = orig_target_sizes[:, 1].astype(jnp.float32)
    bs, num_queries, num_classes = pred_logits.shape
    num_select = min(NUM_SELECT, num_queries)

    prob = jax.nn.sigmoid(pred_logits)
    flat = prob.reshape(bs, -1)
    topk_values, topk_indexes = jax.lax.top_k(flat, min(num_select, num_queries))
    scores = topk_values
    labels = topk_indexes % num_classes
    topk_boxes = topk_indexes // num_classes

    boxes = _box_cxcywh_to_xyxy(pred_boxes)
    idx_b = jnp.broadcast_to(topk_boxes[..., None], (bs, num_select, 4))
    boxes = jnp.take_along_axis(boxes, idx_b, axis=1)
    scale_fct = jnp.stack([origin_w, origin_h, origin_w, origin_h], axis=1)
    boxes = boxes * scale_fct[:, None, :]

    topk_keypoints = topk_indexes // num_classes
    idx_k = jnp.broadcast_to(topk_keypoints[..., None], (bs, num_select, NUM_BODY_POINTS * 3))
    keypoints = jnp.take_along_axis(pred_keypoints, idx_k, axis=1)
    Z_pred = keypoints[:, :, : NUM_BODY_POINTS * 2]
    V_pred = keypoints[:, :, NUM_BODY_POINTS * 2 :]
    wh = jnp.tile(jnp.stack([origin_w, origin_h], axis=1), (1, NUM_BODY_POINTS))
    Z_pred = Z_pred * wh[:, None, :]

    keypoints_res = jnp.zeros_like(keypoints)
    keypoints_res = keypoints_res.at[..., 0::3].set(Z_pred[..., 0::2])
    keypoints_res = keypoints_res.at[..., 1::3].set(Z_pred[..., 1::2])
    keypoints_res = keypoints_res.at[..., 2::3].set(V_pred[..., 0::1])

    labels_out = jnp.ones_like(labels)
    return scores, labels_out, boxes, keypoints_res, keypoints_res[:, 0]

if __name__ == "__main__":
    import jax
    _d = setup_inputs()
    print(jax.jit(kernel)(*tuple(_d.values())))

</pallas_src>

<mosaic_0001>
#map = affine_map<(d0, d1) -> (0, 0, 0)>
#map1 = affine_map<(d0, d1) -> (0, 0)>
module attributes {stable_mosaic.version = 14 : i64} {
  func.func @_sel_body(%arg0: i32, %arg1: i32, %arg2: memref<16x20000x2xf32, #tpu.memory_space<hbm>>, %arg3: memref<16x1024xi32, #tpu.memory_space<hbm>>, %arg4: memref<16x16xi32, #tpu.memory_space<hbm>>, %arg5: memref<200x2xf32, #tpu.memory_space<vmem>>, %arg6: memref<200x2xf32, #tpu.memory_space<vmem>>, %arg7: memref<40000xi32, #tpu.memory_space<vmem>>, %arg8: memref<8192xi32, #tpu.memory_space<vmem>>, %arg9: memref<1024xi32, #tpu.memory_space<vmem>>, %arg10: memref<16xi32, #tpu.memory_space<vmem>>, %arg11: memref<!tpu.dma_semaphore, #tpu.memory_space<semaphore_mem>>, %arg12: memref<!tpu.dma_semaphore, #tpu.memory_space<semaphore_mem>>) attributes {dimension_semantics = [#tpu.dimension_semantics<core_parallel>, #tpu.dimension_semantics<subcore_parallel>], iteration_bounds = array<i64: 2, 16>, scalar_prefetch = 0 : i64, scratch_operands = 8 : i64, tpu.core_type = #tpu.core_type<sc_vector_subcore>, window_params = [{transform_indices = #map}, {transform_indices = #map1}, {transform_indices = #map1}]} {
    %mul3A = arith.constant 2 : i32
    %mul3A_0 = arith.muli %arg1, %mul3A : i32
    %add3A = arith.addi %mul3A_0, %arg0 : i32
    %lt3A = arith.constant 16 : i32
    %lt3A_1 = arith.cmpi slt, %add3A, %lt3A : i32
    %convert_element_type3A = arith.extui %lt3A_1 : i1 to i32
    %cond3A = arith.constant 0 : i32
    %cond3A_2 = arith.cmpi ne, %convert_element_type3A, %cond3A : i32
    scf.if %cond3A_2 {
      %iota3A = tpu.iota {dimensions = array<i32: 0>} : vector<16xi32>
      %broadcast_in_dim3A = arith.constant 0 : i32
      %broadcast_in_dim3A_3 = vector.broadcast %broadcast_in_dim3A : i32 to vector<16xi32>
      %broadcast_in_dim3A_4 = arith.constant 1 : i32
      %broadcast_in_dim3A_5 = vector.broadcast %broadcast_in_dim3A_4 : i32 to vector<16xi32>
      %scan3A = arith.constant 0 : i32
      %scan3A_6 = arith.constant 0 : i32
      %scan3A_7 = arith.constant 512 : i32
      %scan3A_8 = arith.addi %scan3A_6, %scan3A_7 : i32
      %scan3A_9 = arith.constant 1 : i32
      %scan3A_10 = scf.for %scan3A_51 = %scan3A_6 to %scan3A_8 step %scan3A_9 iter_args(%scan3A_52 = %scan3A) -> (i32)  : i32 {
        %mul3A_53 = arith.constant 16 : i32
        %mul3A_54 = arith.muli %scan3A_51, %mul3A_53 : i32
        %swap3A_55 = arith.index_cast %mul3A_54 : i32 to index
        %swap3A_56 = tpu.vector_load %arg8[%swap3A_55] {strides = array<i32>} : memref<8192xi32, #tpu.memory_space<vmem>>, vector<16xi32>,
        tpu.vector_store %arg8[%swap3A_55], %broadcast_in_dim3A_3 {strides = array<i32>} : memref<8192xi32, #tpu.memory_space<vmem>>, vector<16xi32>,
        %scan3A_57 = arith.constant 0 : i32
        scf.yield %scan3A_57 : i32
      }
      %scan3A_11 = arith.constant 512 : i32
      %dma_start3A = arith.constant 0 : i32
      %dma_start3A_12 = arith.constant 0 : i32
      %dma_start3A_13 = tpu.memref_slice %arg2[%add3A, %dma_start3A, %dma_start3A_12] : memref<16x20000x2xf32, #tpu.memory_space<hbm>> -> memref<1x200x2xf32, #tpu.memory_space<hbm>>
      %dma_start3A_14 = tpu.memref_squeeze %dma_start3A_13 : memref<1x200x2xf32, #tpu.memory_space<hbm>> -> memref<200x2xf32, #tpu.memory_space<hbm>>
      %dma_start3A_15 = arith.constant 0 : i32
      %dma_start3A_16 = arith.constant 0 : i32
      %dma_start3A_17 = tpu.memref_slice %arg2[%add3A, %dma_start3A_15, %dma_start3A_16] : memref<16x20000x2xf32, #tpu.memory_space<hbm>> -> memref<1x200x2xf32, #tpu.memory_space<hbm>>
      %dma_start3A_18 = tpu.memref_squeeze %dma_start3A_17 : memref<1x200x2xf32, #tpu.memory_space<hbm>> -> memref<200x2xf32, #tpu.memory_space<hbm>>
      tpu.enqueue_dma source(%dma_start3A_18 : memref<200x2xf32, #tpu.memory_space<hbm>>) target(%arg5 : memref<200x2xf32, #tpu.memory_space<vmem>>) target_semaphore(%arg11 : memref<!tpu.dma_semaphore, #tpu.memory_space<semaphore_mem>>)
      %scan3A_19 = arith.constant 0 : i32
      %scan3A_20 = arith.constant 0 : i32
      %scan3A_21 = arith.constant 50 : i32
      %scan3A_22 = arith.addi %scan3A_20, %scan3A_21 : i32
      %scan3A_23 = arith.constant 1 : i32
      %scan3A_24 = scf.for %scan3A_51 = %scan3A_20 to %scan3A_22 step %scan3A_23 iter_args(%scan3A_52 = %scan3A_19) -> (i32)  : i32 {
        %mul3A_53 = arith.constant 2 : i32
        %mul3A_54 = arith.muli %scan3A_51, %mul3A_53 : i32
        %dma_wait3A = arith.constant 0 : i32
        %dma_wait3A_55 = arith.constant 0 : i32
        %dma_wait3A_56 = tpu.memref_slice %arg2[%add3A, %dma_wait3A, %dma_wait3A_55] : memref<16x20000x2xf32, #tpu.memory_space<hbm>> -> memref<1x200x2xf32, #tpu.memory_space<hbm>>
        %dma_wait3A_57 = tpu.memref_squeeze %dma_wait3A_56 : memref<1x200x2xf32, #tpu.memory_space<hbm>> -> memref<200x2xf32, #tpu.memory_space<hbm>>
        %dma_wait3A_58 = arith.constant 0 : i32
        %dma_wait3A_59 = arith.constant 0 : i32
        %dma_wait3A_60 = tpu.memref_slice %arg2[%add3A, %dma_wait3A_58, %dma_wait3A_59] : memref<16x20000x2xf32, #tpu.memory_space<hbm>> -> memref<1x200x2xf32, #tpu.memory_space<hbm>>
        %dma_wait3A_61 = tpu.memref_squeeze %dma_wait3A_60 : memref<1x200x2xf32, #tpu.memory_space<hbm>> -> memref<200x2xf32, #tpu.memory_space<hbm>>
        tpu.wait_dma2 semaphore(%arg11 : memref<!tpu.dma_semaphore, #tpu.memory_space<semaphore_mem>>) src(%dma_wait3A_61 : memref<200x2xf32, #tpu.memory_space<hbm>>) dst(%arg5 : memref<200x2xf32, #tpu.memory_space<vmem>>)
        %add3A_62 = arith.constant 1 : i32
        %add3A_63 = arith.addi %mul3A_54, %add3A_62 : i32
        %mul3A_64 = arith.constant 200 : i32
        %mul3A_65 = arith.muli %add3A_63, %mul3A_64 : i32
        %dma_start3A_66 = arith.constant 0 : i32
        %dma_start3A_67 = tpu.memref_slice %arg2[%add3A, %mul3A_65, %dma_start3A_66] : memref<16x20000x2xf32, #tpu.memory_space<hbm>> -> memref<1x200x2xf32, #tpu.memory_space<hbm>>
        %dma_start3A_68 = tpu.memref_squeeze %dma_start3A_67 : memref<1x200x2xf32, #tpu.memory_space<hbm>> -> memref<200x2xf32, #tpu.memory_space<hbm>>
        %dma_start3A_69 = arith.constant 0 : i32
        %dma_start3A_70 = tpu.memref_slice %arg2[%add3A, %mul3A_65, %dma_start3A_69] : memref<16x20000x2xf32, #tpu.memory_space<hbm>> -> memref<1x200x2xf32, #tpu.memory_space<hbm>>
        %dma_start3A_71 = tpu.memref_squeeze %dma_start3A_70 : memref<1x200x2xf32, #tpu.memory_space<hbm>> -> memref<200x2xf32, #tpu.memory_space<hbm>>
        tpu.enqueue_dma source(%dma_start3A_71 : memref<200x2xf32, #tpu.memory_space<hbm>>) target(%arg6 : memref<200x2xf32, #tpu.memory_space<vmem>>) target_semaphore(%arg12 : memref<!tpu.dma_semaphore, #tpu.memory_space<semaphore_mem>>)
        %scan3A_72 = arith.constant 0 : i32
        %scan3A_73 = arith.constant 0 : i32
        %scan3A_74 = arith.constant 25 : i32
        %scan3A_75 = arith.addi %scan3A_73, %scan3A_74 : i32
        %scan3A_76 = arith.constant 1 : i32
        %scan3A_77 = scf.for %scan3A_104 = %scan3A_73 to %scan3A_75 step %scan3A_76 iter_args(%scan3A_105 = %scan3A_72) -> (i32)  : i32 {
          %mul3A_106 = arith.constant 16 : i32
          %mul3A_107 = arith.muli %scan3A_104, %mul3A_106 : i32
          %add3A_108 = vector.broadcast %mul3A_107 : i32 to vector<16xi32>
          %add3A_109 = arith.addi %add3A_108, %iota3A : vector<16xi32>
          %shift_right_arithmetic3A = arith.constant 1 : i32
          %shift_right_arithmetic3A_110 = vector.broadcast %shift_right_arithmetic3A : i32 to vector<16xi32>
          %shift_right_arithmetic3A_111 = arith.shrsi %add3A_109, %shift_right_arithmetic3A_110 : vector<16xi32>
          %and3A = arith.constant 1 : i32
          %and3A_112 = vector.broadcast %and3A : i32 to vector<16xi32>
          %and3A_113 = arith.andi %add3A_109, %and3A_112 : vector<16xi32>
          %gather3A = tpu.vector_load_idx %arg5[%shift_right_arithmetic3A_111, %and3A_113] : memref<200x2xf32, #tpu.memory_space<vmem>>[vector<16xi32>, vector<16xi32>], vector<16xf32>,
          %bitcast_convert_type3A = tpu.bitcast %gather3A : vector<16xf32> -> vector<16xi32>
          %lt3A_114 = arith.constant 0 : i32
          %lt3A_115 = vector.broadcast %lt3A_114 : i32 to vector<16xi32>
          %lt3A_116 = arith.cmpi slt, %bitcast_convert_type3A, %lt3A_115 : vector<16xi32>
          %and3A_117 = arith.constant 2147483647 : i32
          %and3A_118 = vector.broadcast %and3A_117 : i32 to vector<16xi32>
          %and3A_119 = arith.andi %bitcast_convert_type3A, %and3A_118 : vector<16xi32>
          %not3A = arith.constant dense<-1> : vector<16xi32>
          %not3A_120 = arith.xori %and3A_119, %not3A : vector<16xi32>
          %select_n3A = arith.select %lt3A_116, %not3A_120, %bitcast_convert_type3A : vector<16xi1>, vector<16xi32>
          %mul3A_121 = arith.constant 400 : i32
          %mul3A_122 = arith.muli %mul3A_54, %mul3A_121 : i32
          %mul3A_123 = arith.constant 16 : i32
          %mul3A_124 = arith.muli %scan3A_104, %mul3A_123 : i32
          %add3A_125 = arith.addi %mul3A_122, %mul3A_124 : i32
          %swap3A_126 = arith.index_cast %add3A_125 : i32 to index
          %swap3A_127 = tpu.vector_load %arg7[%swap3A_126] {strides = array<i32>} : memref<40000xi32, #tpu.memory_space<vmem>>, vector<16xi32>,
          tpu.vector_store %arg7[%swap3A_126], %select_n3A {strides = array<i32>} : memref<40000xi32, #tpu.memory_space<vmem>>, vector<16xi32>,
          %shift_right_arithmetic3A_128 = arith.constant 19 : i32
          %shift_right_arithmetic3A_129 = vector.broadcast %shift_right_arithmetic3A_128 : i32 to vector<16xi32>
          %shift_right_arithmetic3A_130 = arith.shrsi %select_n3A, %shift_right_arithmetic3A_129 : vector<16xi32>
          %add3A_131 = arith.constant 4096 : i32
          %add3A_132 = vector.broadcast %add3A_131 : i32 to vector<16xi32>
          %add3A_133 = arith.addi %shift_right_arithmetic3A_130, %add3A_132 : vector<16xi32>
          tpu.vector_store_idx %arg8[%add3A_133], %broadcast_in_dim3A_5 {add = true} : memref<8192xi32, #tpu.memory_space<vmem>>[vector<16xi32>], vector<16xi32>,
          %scan3A_134 = arith.constant 0 : i32
          scf.yield %scan3A_134 : i32
        }
        %scan3A_78 = arith.constant 25 : i32
        %dma_wait3A_79 = arith.constant 0 : i32
        %dma_wait3A_80 = arith.constant 0 : i32
        %dma_wait3A_81 = tpu.memref_slice %arg2[%add3A, %dma_wait3A_79, %dma_wait3A_80] : memref<16x20000x2xf32, #tpu.memory_space<hbm>> -> memref<1x200x2xf32, #tpu.memory_space<hbm>>
        %dma_wait3A_82 = tpu.memref_squeeze %dma_wait3A_81 : memref<1x200x2xf32, #tpu.memory_space<hbm>> -> memref<200x2xf32, #tpu.memory_space<hbm>>
        %dma_wait3A_83 = arith.constant 0 : i32
        %dma_wait3A_84 = arith.constant 0 : i32
        %dma_wait3A_85 = tpu.memref_slice %arg2[%add3A, %dma_wait3A_83, %dma_wait3A_84] : memref<16x20000x2xf32, #tpu.memory_space<hbm>> -> memref<1x200x2xf32, #tpu.memory_space<hbm>>
        %dma_wait3A_86 = tpu.memref_squeeze %dma_wait3A_85 : memref<1x200x2xf32, #tpu.memory_space<hbm>> -> memref<200x2xf32, #tpu.memory_space<hbm>>
        tpu.wait_dma2 semaphore(%arg12 : memref<!tpu.dma_semaphore, #tpu.memory_space<semaphore_mem>>) src(%dma_wait3A_86 : memref<200x2xf32, #tpu.memory_space<hbm>>) dst(%arg6 : memref<200x2xf32, #tpu.memory_space<vmem>>)
        %add3A_87 = arith.constant 2 : i32
        %add3A_88 = arith.addi %mul3A_54, %add3A_87 : i32
        %lt3A_89 = arith.constant 100 : i32
        %lt3A_90 = arith.cmpi slt, %add3A_88, %lt3A_89 : i32
        %convert_element_type3A_91 = arith.extui %lt3A_90 : i1 to i32
        %cond3A_92 = arith.constant 0 : i32
        %cond3A_93 = arith.cmpi ne, %convert_element_type3A_91, %cond3A_92 : i32
        scf.if %cond3A_93 {
          %add3A_104 = arith.constant 2 : i32
          %add3A_105 = arith.addi %mul3A_54, %add3A_104 : i32
          %mul3A_106 = arith.constant 200 : i32
          %mul3A_107 = arith.muli %add3A_105, %mul3A_106 : i32
          %dma_start3A_108 = arith.constant 0 : i32
          %dma_start3A_109 = tpu.memref_slice %arg2[%add3A, %mul3A_107, %dma_start3A_108] : memref<16x20000x2xf32, #tpu.memory_space<hbm>> -> memref<1x200x2xf32, #tpu.memory_space<hbm>>
          %dma_start3A_110 = tpu.memref_squeeze %dma_start3A_109 : memref<1x200x2xf32, #tpu.memory_space<hbm>> -> memref<200x2xf32, #tpu.memory_space<hbm>>
          %dma_start3A_111 = arith.constant 0 : i32
          %dma_start3A_112 = tpu.memref_slice %arg2[%add3A, %mul3A_107, %dma_start3A_111] : memref<16x20000x2xf32, #tpu.memory_space<hbm>> -> memref<1x200x2xf32, #tpu.memory_space<hbm>>
          %dma_start3A_113 = tpu.memref_squeeze %dma_start3A_112 : memref<1x200x2xf32, #tpu.memory_space<hbm>> -> memref<200x2xf32, #tpu.memory_space<hbm>>
          tpu.enqueue_dma source(%dma_start3A_113 : memref<200x2xf32, #tpu.memory_space<hbm>>) target(%arg5 : memref<200x2xf32, #tpu.memory_space<vmem>>) target_semaphore(%arg11 : memref<!tpu.dma_semaphore, #tpu.memory_space<semaphore_mem>>)
        } else {
        }
        %add3A_94 = arith.constant 1 : i32
        %add3A_95 = arith.addi %mul3A_54, %add3A_94 : i32
        %scan3A_96 = arith.constant 0 : i32
        %scan3A_97 = arith.constant 0 : i32
        %scan3A_98 = arith.constant 25 : i32
        %scan3A_99 = arith.addi %scan3A_97, %scan3A_98 : i32
        %scan3A_100 = arith.constant 1 : i32
        %scan3A_101 = scf.for %scan3A_104 = %scan3A_97 to %scan3A_99 step %scan3A_100 iter_args(%scan3A_105 = %scan3A_96) -> (i32)  : i32 {
          %mul3A_106 = arith.constant 16 : i32
          %mul3A_107 = arith.muli %scan3A_104, %mul3A_106 : i32
          %add3A_108 = vector.broadcast %mul3A_107 : i32 to vector<16xi32>
          %add3A_109 = arith.addi %add3A_108, %iota3A : vector<16xi32>
          %shift_right_arithmetic3A = arith.constant 1 : i32
          %shift_right_arithmetic3A_110 = vector.broadcast %shift_right_arithmetic3A : i32 to vector<16xi32>
          %shift_right_arithmetic3A_111 = arith.shrsi %add3A_109, %shift_right_arithmetic3A_110 : vector<16xi32>
          %and3A = arith.constant 1 : i32
          %and3A_112 = vector.broadcast %and3A : i32 to vector<16xi32>
          %and3A_113 = arith.andi %add3A_109, %and3A_112 : vector<16xi32>
          %gather3A = tpu.vector_load_idx %arg6[%shift_right_arithmetic3A_111, %and3A_113] : memref<200x2xf32, #tpu.memory_space<vmem>>[vector<16xi32>, vector<16xi32>], vector<16xf32>,
          %bitcast_convert_type3A = tpu.bitcast %gather3A : vector<16xf32> -> vector<16xi32>
          %lt3A_114 = arith.constant 0 : i32
          %lt3A_115 = vector.broadcast %lt3A_114 : i32 to vector<16xi32>
          %lt3A_116 = arith.cmpi slt, %bitcast_convert_type3A, %lt3A_115 : vector<16xi32>
          %and3A_117 = arith.constant 2147483647 : i32
          %and3A_118 = vector.broadcast %and3A_117 : i32 to vector<16xi32>
          %and3A_119 = arith.andi %bitcast_convert_type3A, %and3A_118 : vector<16xi32>
          %not3A = arith.constant dense<-1> : vector<16xi32>
          %not3A_120 = arith.xori %and3A_119, %not3A : vector<16xi32>
          %select_n3A = arith.select %lt3A_116, %not3A_120, %bitcast_convert_type3A : vector<16xi1>, vector<16xi32>
          %mul3A_121 = arith.constant 400 : i32
          %mul3A_122 = arith.muli %add3A_95, %mul3A_121 : i32
          %mul3A_123 = arith.constant 16 : i32
          %mul3A_124 = arith.muli %scan3A_104, %mul3A_123 : i32
          %add3A_125 = arith.addi %mul3A_122, %mul3A_124 : i32
          %swap3A_126 = arith.index_cast %add3A_125 : i32 to index
          %swap3A_127 = tpu.vector_load %arg7[%swap3A_126] {strides = array<i32>} : memref<40000xi32, #tpu.memory_space<vmem>>, vector<16xi32>,
          tpu.vector_store %arg7[%swap3A_126], %select_n3A {strides = array<i32>} : memref<40000xi32, #tpu.memory_space<vmem>>, vector<16xi32>,
          %shift_right_arithmetic3A_128 = arith.constant 19 : i32
          %shift_right_arithmetic3A_129 = vector.broadcast %shift_right_arithmetic3A_128 : i32 to vector<16xi32>
          %shift_right_arithmetic3A_130 = arith.shrsi %select_n3A, %shift_right_arithmetic3A_129 : vector<16xi32>
          %add3A_131 = arith.constant 4096 : i32
          %add3A_132 = vector.broadcast %add3A_131 : i32 to vector<16xi32>
          %add3A_133 = arith.addi %shift_right_arithmetic3A_130, %add3A_132 : vector<16xi32>
          tpu.vector_store_idx %arg8[%add3A_133], %broadcast_in_dim3A_5 {add = true} : memref<8192xi32, #tpu.memory_space<vmem>>[vector<16xi32>], vector<16xi32>,
          %scan3A_134 = arith.constant 0 : i32
          scf.yield %scan3A_134 : i32
        }
        %scan3A_102 = arith.constant 25 : i32
        %scan3A_103 = arith.constant 0 : i32
        scf.yield %scan3A_103 : i32
      }
      %scan3A_25 = arith.constant 50 : i32
      %scan3A_26 = arith.constant 0 : i32
      %scan3A_27 = arith.constant 0 : i32
      %scan3A_28 = arith.constant 0 : i32
      %scan3A_29 = arith.constant 0 : i32
      %scan3A_30 = arith.constant 512 : i32
      %scan3A_31 = arith.addi %scan3A_29, %scan3A_30 : i32
      %scan3A_32 = arith.constant 1 : i32
      %scan3A_33:3 = scf.for %scan3A_51 = %scan3A_29 to %scan3A_31 step %scan3A_32 iter_args(%scan3A_52 = %scan3A_26, %scan3A_53 = %scan3A_27, %scan3A_54 = %scan3A_28) -> (i32, i32, i32)  : i32 {
        %add3A_55 = arith.constant 1 : i32
        %add3A_56 = arith.addi %scan3A_51, %add3A_55 : i32
        %mul3A_57 = arith.constant 16 : i32
        %mul3A_58 = arith.muli %add3A_56, %mul3A_57 : i32
        %sub3A_59 = arith.constant 8192 : i32
        %sub3A_60 = arith.subi %sub3A_59, %mul3A_58 : i32
        %get3A = arith.index_cast %sub3A_60 : i32 to index
        %get3A_61 = tpu.vector_load %arg8[%get3A] {strides = array<i32>} : memref<8192xi32, #tpu.memory_space<vmem>>, vector<16xi32>,
        %rev3A = arith.constant 15 : i32
        %rev3A_62 = vector.broadcast %rev3A : i32 to vector<16xi32>
        %rev3A_63 = tpu.iota {dimensions = array<i32: 0>} : vector<16xi32>
        %rev3A_64 = arith.subi %rev3A_62, %rev3A_63 : vector<16xi32>
        %rev3A_65 = tpu.dynamic_gather %get3A_61[%rev3A_64] in [0] : vector<16xi32>, vector<16xi32> -> vector<16xi32>
        %broadcast_in_dim3A_66 = arith.constant true
        %broadcast_in_dim3A_67 = vector.broadcast %broadcast_in_dim3A_66 : i1 to vector<16xi1>
        %masked_cumsum3A = tpu.scan <sum>, %rev3A_65 masked %broadcast_in_dim3A_67 : vector<16xi32>, vector<16xi1> -> vector<16xi32>
        %add3A_68 = vector.broadcast %scan3A_52 : i32 to vector<16xi32>
        %add3A_69 = arith.addi %masked_cumsum3A, %add3A_68 : vector<16xi32>
        %ge3A = arith.constant 100 : i32
        %ge3A_70 = vector.broadcast %ge3A : i32 to vector<16xi32>
        %ge3A_71 = arith.cmpi sge, %add3A_69, %ge3A_70 : vector<16xi32>
        %all_reduce_population_count3A = tpu.all_reduce %ge3A_71 {dim = 0 : i64, kind = #tpu.reduction_kind<sum>} : vector<16xi1> -> vector<16xi32>
        %reduce_max3A = arith.constant true
        %reduce_max3A_72 = vector.broadcast %reduce_max3A : i1 to vector<16xi1>
        %reduce_max3A_73 = arith.constant -2147483648 : i32
        %reduce_max3A_74 = vector.broadcast %reduce_max3A_73 : i32 to vector<16xi32>
        %reduce_max3A_75 = arith.xori %all_reduce_population_count3A, %reduce_max3A_74 : vector<16xi32>
        %reduce_max3A_76 = tpu.scan <max>, %reduce_max3A_75 masked %reduce_max3A_72 : vector<16xi32>, vector<16xi1> -> vector<16xi32>
        %reduce_max3A_77 = arith.xori %reduce_max3A_76, %reduce_max3A_74 : vector<16xi32>
        %reduce_max3A_78 = vector.extract %reduce_max3A_77[15] : i32 from vector<16xi32>
        %add3A_79 = arith.addi %sub3A_60, %reduce_max3A_78 : i32
        %sub3A_80 = arith.constant 1 : i32
        %sub3A_81 = arith.subi %add3A_79, %sub3A_80 : i32
        %eq3A = arith.constant 0 : i32
        %eq3A_82 = arith.cmpi eq, %scan3A_53, %eq3A : i32
        %gt3A = arith.constant 0 : i32
        %gt3A_83 = arith.cmpi sgt, %reduce_max3A_78, %gt3A : i32
        %and3A = arith.andi %eq3A_82, %gt3A_83 : i1
        %select_n3A = arith.select %and3A, %sub3A_81, %scan3A_54 : i32
        %gt3A_84 = arith.constant 0 : i32
        %gt3A_85 = arith.cmpi sgt, %reduce_max3A_78, %gt3A_84 : i32
        %jit3A = arith.constant 1 : i32
        %select_n3A_86 = arith.select %gt3A_85, %jit3A, %scan3A_53 : i32
        %reduce_sum3A = arith.constant true
        %reduce_sum3A_87 = vector.broadcast %reduce_sum3A : i1 to vector<16xi1>
        %reduce_sum3A_88 = tpu.scan <sum>, %get3A_61 masked %reduce_sum3A_87 : vector<16xi32>, vector<16xi1> -> vector<16xi32>
        %reduce_sum3A_89 = vector.extract %reduce_sum3A_88[15] : i32 from vector<16xi32>
        %add3A_90 = arith.addi %scan3A_52, %reduce_sum3A_89 : i32
        scf.yield %add3A_90, %select_n3A_86, %select_n3A : i32, i32, i32
      }
      %scan3A_34 = arith.constant 512 : i32
      %sub3A = arith.constant 1 : i32
      %sub3A_35 = arith.subi %scan3A_33#2, %sub3A : i32
      %max3A = arith.constant 0 : i32
      %max3A_36 = arith.maxsi %sub3A_35, %max3A : i32
      %sub3A_37 = arith.constant 4096 : i32
      %sub3A_38 = arith.subi %max3A_36, %sub3A_37 : i32
      %shift_left3A = arith.constant 19 : i32
      %shift_left3A_39 = arith.shli %sub3A_38, %shift_left3A : i32
      %scan3A_40 = arith.constant 0 : i32
      %scan3A_41 = arith.constant 0 : i32
      %scan3A_42 = arith.constant 2500 : i32
      %scan3A_43 = arith.addi %scan3A_41, %scan3A_42 : i32
      %scan3A_44 = arith.constant 1 : i32
      %scan3A_45 = scf.for %scan3A_51 = %scan3A_41 to %scan3A_43 step %scan3A_44 iter_args(%scan3A_52 = %scan3A_40) -> (i32)  : i32 {
        %mul3A_53 = arith.constant 16 : i32
        %mul3A_54 = arith.muli %scan3A_51, %mul3A_53 : i32
        %get3A = arith.index_cast %mul3A_54 : i32 to index
        %get3A_55 = tpu.vector_load %arg7[%get3A] {strides = array<i32>} : memref<40000xi32, #tpu.memory_space<vmem>>, vector<16xi32>,
        %ge3A = vector.broadcast %shift_left3A_39 : i32 to vector<16xi32>
        %ge3A_56 = arith.cmpi sge, %get3A_55, %ge3A : vector<16xi32>
        %jit3A = arith.constant 1 : i32
        %jit3A_57 = arith.constant 0 : i32
        %broadcast_in_dim3A_58 = vector.broadcast %jit3A : i32 to vector<16xi32>
        %broadcast_in_dim3A_59 = vector.broadcast %jit3A_57 : i32 to vector<16xi32>
        %select_n3A = arith.select %ge3A_56, %broadcast_in_dim3A_58, %broadcast_in_dim3A_59 : vector<16xi1>, vector<16xi32>
        %broadcast_in_dim3A_60 = arith.constant true
        %broadcast_in_dim3A_61 = vector.broadcast %broadcast_in_dim3A_60 : i1 to vector<16xi1>
        %masked_cumsum3A = tpu.scan <sum>, %select_n3A masked %broadcast_in_dim3A_61 : vector<16xi32>, vector<16xi1> -> vector<16xi32>
        %add3A_62 = vector.broadcast %scan3A_52 : i32 to vector<16xi32>
        %add3A_63 = arith.addi %add3A_62, %masked_cumsum3A : vector<16xi32>
        %sub3A_64 = arith.constant 1 : i32
        %sub3A_65 = vector.broadcast %sub3A_64 : i32 to vector<16xi32>
        %sub3A_66 = arith.subi %add3A_63, %sub3A_65 : vector<16xi32>
        %lt3A_67 = arith.constant 1008 : i32
        %lt3A_68 = vector.broadcast %lt3A_67 : i32 to vector<16xi32>
        %lt3A_69 = arith.cmpi slt, %sub3A_66, %lt3A_68 : vector<16xi32>
        %and3A = arith.andi %ge3A_56, %lt3A_69 : vector<16xi1>
        %mul3A_70 = arith.constant 16 : i32
        %mul3A_71 = arith.muli %scan3A_51, %mul3A_70 : i32
        %add3A_72 = vector.broadcast %mul3A_71 : i32 to vector<16xi32>
        %add3A_73 = arith.addi %add3A_72, %iota3A : vector<16xi32>
        tpu.vector_store_idx %arg9[%sub3A_66], %add3A_73 masked %and3A : memref<1024xi32, #tpu.memory_space<vmem>>[vector<16xi32>], vector<16xi32>, vector<16xi1>
        %reduce_max3A = arith.constant true
        %reduce_max3A_74 = vector.broadcast %reduce_max3A : i1 to vector<16xi1>
        %reduce_max3A_75 = arith.constant -2147483648 : i32
        %reduce_max3A_76 = vector.broadcast %reduce_max3A_75 : i32 to vector<16xi32>
        %reduce_max3A_77 = arith.xori %masked_cumsum3A, %reduce_max3A_76 : vector<16xi32>
        %reduce_max3A_78 = tpu.scan <max>, %reduce_max3A_77 masked %reduce_max3A_74 : vector<16xi32>, vector<16xi1> -> vector<16xi32>
        %reduce_max3A_79 = arith.xori %reduce_max3A_78, %reduce_max3A_76 : vector<16xi32>
        %reduce_max3A_80 = vector.extract %reduce_max3A_79[15] : i32 from vector<16xi32>
        %add3A_81 = arith.addi %scan3A_52, %reduce_max3A_80 : i32
        scf.yield %add3A_81 : i32
      }
      %scan3A_46 = arith.constant 2500 : i32
      %min3A = arith.constant 1008 : i32
      %min3A_47 = arith.minsi %scan3A_45, %min3A : i32
      %add3A_48 = vector.broadcast %min3A_47 : i32 to vector<16xi32>
      %add3A_49 = arith.addi %broadcast_in_dim3A_3, %add3A_48 : vector<16xi32>
      %swap3A = arith.constant 0 : index
      %swap3A_50 = tpu.vector_load %arg10[%swap3A] {strides = array<i32>} : memref<16xi32, #tpu.memory_space<vmem>>, vector<16xi32>,
      tpu.vector_store %arg10[%swap3A], %add3A_49 {strides = array<i32>} : memref<16xi32, #tpu.memory_space<vmem>>, vector<16xi32>,
      "tpu.region"() ({
        %run_scoped3A = tpu.sem_alloc : memref<!tpu.dma_semaphore, #tpu.memory_space<semaphore_mem>>
        %dma_start3A_51 = arith.constant 0 : i32
        %dma_start3A_52 = tpu.memref_slice %arg3[%add3A, %dma_start3A_51] : memref<16x1024xi32, #tpu.memory_space<hbm>> -> memref<1x1024xi32, #tpu.memory_space<hbm>>
        %dma_start3A_53 = tpu.memref_squeeze %dma_start3A_52 : memref<1x1024xi32, #tpu.memory_space<hbm>> -> memref<1024xi32, #tpu.memory_space<hbm>>
        %dma_start3A_54 = arith.constant 0 : i32
        %dma_start3A_55 = tpu.memref_slice %arg3[%add3A, %dma_start3A_54] : memref<16x1024xi32, #tpu.memory_space<hbm>> -> memref<1x1024xi32, #tpu.memory_space<hbm>>
        %dma_start3A_56 = tpu.memref_squeeze %dma_start3A_55 : memref<1x1024xi32, #tpu.memory_space<hbm>> -> memref<1024xi32, #tpu.memory_space<hbm>>
        tpu.enqueue_dma source(%arg9 : memref<1024xi32, #tpu.memory_space<vmem>>) target(%dma_start3A_56 : memref<1024xi32, #tpu.memory_space<hbm>>) target_semaphore(%run_scoped3A : memref<!tpu.dma_semaphore, #tpu.memory_space<semaphore_mem>>)
        %dma_wait3A = arith.constant 0 : i32
        %dma_wait3A_57 = tpu.memref_slice %arg3[%add3A, %dma_wait3A] : memref<16x1024xi32, #tpu.memory_space<hbm>> -> memref<1x1024xi32, #tpu.memory_space<hbm>>
        %dma_wait3A_58 = tpu.memref_squeeze %dma_wait3A_57 : memref<1x1024xi32, #tpu.memory_space<hbm>> -> memref<1024xi32, #tpu.memory_space<hbm>>
        %dma_wait3A_59 = arith.constant 0 : i32
        %dma_wait3A_60 = tpu.memref_slice %arg3[%add3A, %dma_wait3A_59] : memref<16x1024xi32, #tpu.memory_space<hbm>> -> memref<1x1024xi32, #tpu.memory_space<hbm>>
        %dma_wait3A_61 = tpu.memref_squeeze %dma_wait3A_60 : memref<1x1024xi32, #tpu.memory_space<hbm>> -> memref<1024xi32, #tpu.memory_space<hbm>>
        tpu.wait_dma2 semaphore(%run_scoped3A : memref<!tpu.dma_semaphore, #tpu.memory_space<semaphore_mem>>) src(%arg9 : memref<1024xi32, #tpu.memory_space<vmem>>) dst(%dma_wait3A_61 : memref<1024xi32, #tpu.memory_space<hbm>>)
        tpu.yield
      }) : () -> ()
      "tpu.region"() ({
        %run_scoped3A = tpu.sem_alloc : memref<!tpu.dma_semaphore, #tpu.memory_space<semaphore_mem>>
        %dma_start3A_51 = arith.constant 0 : i32
        %dma_start3A_52 = tpu.memref_slice %arg4[%add3A, %dma_start3A_51] : memref<16x16xi32, #tpu.memory_space<hbm>> -> memref<1x16xi32, #tpu.memory_space<hbm>>
        %dma_start3A_53 = tpu.memref_squeeze %dma_start3A_52 : memref<1x16xi32, #tpu.memory_space<hbm>> -> memref<16xi32, #tpu.memory_space<hbm>>
        %dma_start3A_54 = arith.constant 0 : i32
        %dma_start3A_55 = tpu.memref_slice %arg4[%add3A, %dma_start3A_54] : memref<16x16xi32, #tpu.memory_space<hbm>> -> memref<1x16xi32, #tpu.memory_space<hbm>>
        %dma_start3A_56 = tpu.memref_squeeze %dma_start3A_55 : memref<1x16xi32, #tpu.memory_space<hbm>> -> memref<16xi32, #tpu.memory_space<hbm>>
        tpu.enqueue_dma source(%arg10 : memref<16xi32, #tpu.memory_space<vmem>>) target(%dma_start3A_56 : memref<16xi32, #tpu.memory_space<hbm>>) target_semaphore(%run_scoped3A : memref<!tpu.dma_semaphore, #tpu.memory_space<semaphore_mem>>)
        %dma_wait3A = arith.constant 0 : i32
        %dma_wait3A_57 = tpu.memref_slice %arg4[%add3A, %dma_wait3A] : memref<16x16xi32, #tpu.memory_space<hbm>> -> memref<1x16xi32, #tpu.memory_space<hbm>>
        %dma_wait3A_58 = tpu.memref_squeeze %dma_wait3A_57 : memref<1x16xi32, #tpu.memory_space<hbm>> -> memref<16xi32, #tpu.memory_space<hbm>>
        %dma_wait3A_59 = arith.constant 0 : i32
        %dma_wait3A_60 = tpu.memref_slice %arg4[%add3A, %dma_wait3A_59] : memref<16x16xi32, #tpu.memory_space<hbm>> -> memref<1x16xi32, #tpu.memory_space<hbm>>
        %dma_wait3A_61 = tpu.memref_squeeze %dma_wait3A_60 : memref<1x16xi32, #tpu.memory_space<hbm>> -> memref<16xi32, #tpu.memory_space<hbm>>
        tpu.wait_dma2 semaphore(%run_scoped3A : memref<!tpu.dma_semaphore, #tpu.memory_space<semaphore_mem>>) src(%arg10 : memref<16xi32, #tpu.memory_space<vmem>>) dst(%dma_wait3A_61 : memref<16xi32, #tpu.memory_space<hbm>>)
        tpu.yield
      }) : () -> ()
    } else {
    }
    return
  }
}

#map = affine_map<(d0, d1) -> (0, 0)>
#map1 = affine_map<(d0, d1) -> (0, 0, 0)>
module attributes {stable_mosaic.version = 14 : i64} {
  func.func @_rank_body(%arg0: i32, %arg1: i32, %arg2: memref<16x1024xf32, #tpu.memory_space<hbm>>, %arg3: memref<16x1024xi32, #tpu.memory_space<hbm>>, %arg4: memref<16x16xi32, #tpu.memory_space<hbm>>, %arg5: memref<16x20000x4xf32, #tpu.memory_space<hbm>>, %arg6: memref<16x20000x51xf32, #tpu.memory_space<hbm>>, %arg7: memref<16x16xf32, #tpu.memory_space<hbm>>, %arg8: memref<16x112xf32, #tpu.memory_space<hbm>>, %arg9: memref<16x100x4xf32, #tpu.memory_space<hbm>>, %arg10: memref<16x100x52xf32, #tpu.memory_space<hbm>>, %arg11: memref<1024xf32, #tpu.memory_space<vmem>>, %arg12: memref<1024xi32, #tpu.memory_space<vmem>>, %arg13: memref<16xi32, #tpu.memory_space<vmem>>, %arg14: memref<16xf32, #tpu.memory_space<vmem>>, %arg15: memref<112xf32, #tpu.memory_space<vmem>>, %arg16: memref<116xi32, #tpu.memory_space<vmem>>, %arg17: memref<100x8xf32, #tpu.memory_space<vmem>>, %arg18: memref<100x56xf32, #tpu.memory_space<vmem>>, %arg19: memref<100x4xf32, #tpu.memory_space<vmem>>, %arg20: memref<100x52xf32, #tpu.memory_space<vmem>>, %arg21: memref<!tpu.dma_semaphore, #tpu.memory_space<semaphore_mem>>, %arg22: memref<!tpu.dma_semaphore, #tpu.memory_space<semaphore_mem>>) attributes {dimension_semantics = [#tpu.dimension_semantics<core_parallel>, #tpu.dimension_semantics<subcore_parallel>], iteration_bounds = array<i64: 2, 16>, scalar_prefetch = 0 : i64, scratch_operands = 12 : i64, tpu.core_type = #tpu.core_type<sc_vector_subcore>, window_params = [{transform_indices = #map}, {transform_indices = #map}, {transform_indices = #map}, {transform_indices = #map1}, {transform_indices = #map1}, {transform_indices = #map}, {transform_indices = #map}, {transform_indices = #map1}, {transform_indices = #map1}]} {
    %mul3A = arith.constant 2 : i32
    %mul3A_0 = arith.muli %arg1, %mul3A : i32
    %add3A = arith.addi %mul3A_0, %arg0 : i32
    %lt3A = arith.constant 16 : i32
    %lt3A_1 = arith.cmpi slt, %add3A, %lt3A : i32
    %convert_element_type3A = arith.extui %lt3A_1 : i1 to i32
    %cond3A = arith.constant 0 : i32
    %cond3A_2 = arith.cmpi ne, %convert_element_type3A, %cond3A : i32
    scf.if %cond3A_2 {
      "tpu.region"() ({
        %run_scoped3A = tpu.sem_alloc : memref<!tpu.dma_semaphore, #tpu.memory_space<semaphore_mem>>
        %dma_start3A = arith.constant 0 : i32
        %dma_start3A_76 = tpu.memref_slice %arg2[%add3A, %dma_start3A] : memref<16x1024xf32, #tpu.memory_space<hbm>> -> memref<1x1024xf32, #tpu.memory_space<hbm>>
        %dma_start3A_77 = tpu.memref_squeeze %dma_start3A_76 : memref<1x1024xf32, #tpu.memory_space<hbm>> -> memref<1024xf32, #tpu.memory_space<hbm>>
        %dma_start3A_78 = arith.constant 0 : i32
        %dma_start3A_79 = tpu.memref_slice %arg2[%add3A, %dma_start3A_78] : memref<16x1024xf32, #tpu.memory_space<hbm>> -> memref<1x1024xf32, #tpu.memory_space<hbm>>
        %dma_start3A_80 = tpu.memref_squeeze %dma_start3A_79 : memref<1x1024xf32, #tpu.memory_space<hbm>> -> memref<1024xf32, #tpu.memory_space<hbm>>
        tpu.enqueue_dma source(%dma_start3A_80 : memref<1024xf32, #tpu.memory_space<hbm>>) target(%arg11 : memref<1024xf32, #tpu.memory_space<vmem>>) target_semaphore(%run_scoped3A : memref<!tpu.dma_semaphore, #tpu.memory_space<semaphore_mem>>)
        %dma_wait3A = arith.constant 0 : i32
        %dma_wait3A_81 = tpu.memref_slice %arg2[%add3A, %dma_wait3A] : memref<16x1024xf32, #tpu.memory_space<hbm>> -> memref<1x1024xf32, #tpu.memory_space<hbm>>
        %dma_wait3A_82 = tpu.memref_squeeze %dma_wait3A_81 : memref<1x1024xf32, #tpu.memory_space<hbm>> -> memref<1024xf32, #tpu.memory_space<hbm>>
        %dma_wait3A_83 = arith.constant 0 : i32
        %dma_wait3A_84 = tpu.memref_slice %arg2[%add3A, %dma_wait3A_83] : memref<16x1024xf32, #tpu.memory_space<hbm>> -> memref<1x1024xf32, #tpu.memory_space<hbm>>
        %dma_wait3A_85 = tpu.memref_squeeze %dma_wait3A_84 : memref<1x1024xf32, #tpu.memory_space<hbm>> -> memref<1024xf32, #tpu.memory_space<hbm>>
        tpu.wait_dma2 semaphore(%run_scoped3A : memref<!tpu.dma_semaphore, #tpu.memory_space<semaphore_mem>>) src(%dma_wait3A_85 : memref<1024xf32, #tpu.memory_space<hbm>>) dst(%arg11 : memref<1024xf32, #tpu.memory_space<vmem>>)
        tpu.yield
      }) : () -> ()
      "tpu.region"() ({
        %run_scoped3A = tpu.sem_alloc : memref<!tpu.dma_semaphore, #tpu.memory_space<semaphore_mem>>
        %dma_start3A = arith.constant 0 : i32
        %dma_start3A_76 = tpu.memref_slice %arg3[%add3A, %dma_start3A] : memref<16x1024xi32, #tpu.memory_space<hbm>> -> memref<1x1024xi32, #tpu.memory_space<hbm>>
        %dma_start3A_77 = tpu.memref_squeeze %dma_start3A_76 : memref<1x1024xi32, #tpu.memory_space<hbm>> -> memref<1024xi32, #tpu.memory_space<hbm>>
        %dma_start3A_78 = arith.constant 0 : i32
        %dma_start3A_79 = tpu.memref_slice %arg3[%add3A, %dma_start3A_78] : memref<16x1024xi32, #tpu.memory_space<hbm>> -> memref<1x1024xi32, #tpu.memory_space<hbm>>
        %dma_start3A_80 = tpu.memref_squeeze %dma_start3A_79 : memref<1x1024xi32, #tpu.memory_space<hbm>> -> memref<1024xi32, #tpu.memory_space<hbm>>
        tpu.enqueue_dma source(%dma_start3A_80 : memref<1024xi32, #tpu.memory_space<hbm>>) target(%arg12 : memref<1024xi32, #tpu.memory_space<vmem>>) target_semaphore(%run_scoped3A : memref<!tpu.dma_semaphore, #tpu.memory_space<semaphore_mem>>)
        %dma_wait3A = arith.constant 0 : i32
        %dma_wait3A_81 = tpu.memref_slice %arg3[%add3A, %dma_wait3A] : memref<16x1024xi32, #tpu.memory_space<hbm>> -> memref<1x1024xi32, #tpu.memory_space<hbm>>
        %dma_wait3A_82 = tpu.memref_squeeze %dma_wait3A_81 : memref<1x1024xi32, #tpu.memory_space<hbm>> -> memref<1024xi32, #tpu.memory_space<hbm>>
        %dma_wait3A_83 = arith.constant 0 : i32
        %dma_wait3A_84 = tpu.memref_slice %arg3[%add3A, %dma_wait3A_83] : memref<16x1024xi32, #tpu.memory_space<hbm>> -> memref<1x1024xi32, #tpu.memory_space<hbm>>
        %dma_wait3A_85 = tpu.memref_squeeze %dma_wait3A_84 : memref<1x1024xi32, #tpu.memory_space<hbm>> -> memref<1024xi32, #tpu.memory_space<hbm>>
        tpu.wait_dma2 semaphore(%run_scoped3A : memref<!tpu.dma_semaphore, #tpu.memory_space<semaphore_mem>>) src(%dma_wait3A_85 : memref<1024xi32, #tpu.memory_space<hbm>>) dst(%arg12 : memref<1024xi32, #tpu.memory_space<vmem>>)
        tpu.yield
      }) : () -> ()
      "tpu.region"() ({
        %run_scoped3A = tpu.sem_alloc : memref<!tpu.dma_semaphore, #tpu.memory_space<semaphore_mem>>
        %dma_start3A = arith.constant 0 : i32
        %dma_start3A_76 = tpu.memref_slice %arg4[%add3A, %dma_start3A] : memref<16x16xi32, #tpu.memory_space<hbm>> -> memref<1x16xi32, #tpu.memory_space<hbm>>
        %dma_start3A_77 = tpu.memref_squeeze %dma_start3A_76 : memref<1x16xi32, #tpu.memory_space<hbm>> -> memref<16xi32, #tpu.memory_space<hbm>>
        %dma_start3A_78 = arith.constant 0 : i32
        %dma_start3A_79 = tpu.memref_slice %arg4[%add3A, %dma_start3A_78] : memref<16x16xi32, #tpu.memory_space<hbm>> -> memref<1x16xi32, #tpu.memory_space<hbm>>
        %dma_start3A_80 = tpu.memref_squeeze %dma_start3A_79 : memref<1x16xi32, #tpu.memory_space<hbm>> -> memref<16xi32, #tpu.memory_space<hbm>>
        tpu.enqueue_dma source(%dma_start3A_80 : memref<16xi32, #tpu.memory_space<hbm>>) target(%arg13 : memref<16xi32, #tpu.memory_space<vmem>>) target_semaphore(%run_scoped3A : memref<!tpu.dma_semaphore, #tpu.memory_space<semaphore_mem>>)
        %dma_wait3A = arith.constant 0 : i32
        %dma_wait3A_81 = tpu.memref_slice %arg4[%add3A, %dma_wait3A] : memref<16x16xi32, #tpu.memory_space<hbm>> -> memref<1x16xi32, #tpu.memory_space<hbm>>
        %dma_wait3A_82 = tpu.memref_squeeze %dma_wait3A_81 : memref<1x16xi32, #tpu.memory_space<hbm>> -> memref<16xi32, #tpu.memory_space<hbm>>
        %dma_wait3A_83 = arith.constant 0 : i32
        %dma_wait3A_84 = tpu.memref_slice %arg4[%add3A, %dma_wait3A_83] : memref<16x16xi32, #tpu.memory_space<hbm>> -> memref<1x16xi32, #tpu.memory_space<hbm>>
        %dma_wait3A_85 = tpu.memref_squeeze %dma_wait3A_84 : memref<1x16xi32, #tpu.memory_space<hbm>> -> memref<16xi32, #tpu.memory_space<hbm>>
        tpu.wait_dma2 semaphore(%run_scoped3A : memref<!tpu.dma_semaphore, #tpu.memory_space<semaphore_mem>>) src(%dma_wait3A_85 : memref<16xi32, #tpu.memory_space<hbm>>) dst(%arg13 : memref<16xi32, #tpu.memory_space<vmem>>)
        tpu.yield
      }) : () -> ()
      "tpu.region"() ({
        %run_scoped3A = tpu.sem_alloc : memref<!tpu.dma_semaphore, #tpu.memory_space<semaphore_mem>>
        %dma_start3A = arith.constant 0 : i32
        %dma_start3A_76 = tpu.memref_slice %arg7[%add3A, %dma_start3A] : memref<16x16xf32, #tpu.memory_space<hbm>> -> memref<1x16xf32, #tpu.memory_space<hbm>>
        %dma_start3A_77 = tpu.memref_squeeze %dma_start3A_76 : memref<1x16xf32, #tpu.memory_space<hbm>> -> memref<16xf32, #tpu.memory_space<hbm>>
        %dma_start3A_78 = arith.constant 0 : i32
        %dma_start3A_79 = tpu.memref_slice %arg7[%add3A, %dma_start3A_78] : memref<16x16xf32, #tpu.memory_space<hbm>> -> memref<1x16xf32, #tpu.memory_space<hbm>>
        %dma_start3A_80 = tpu.memref_squeeze %dma_start3A_79 : memref<1x16xf32, #tpu.memory_space<hbm>> -> memref<16xf32, #tpu.memory_space<hbm>>
        tpu.enqueue_dma source(%dma_start3A_80 : memref<16xf32, #tpu.memory_space<hbm>>) target(%arg14 : memref<16xf32, #tpu.memory_space<vmem>>) target_semaphore(%run_scoped3A : memref<!tpu.dma_semaphore, #tpu.memory_space<semaphore_mem>>)
        %dma_wait3A = arith.constant 0 : i32
        %dma_wait3A_81 = tpu.memref_slice %arg7[%add3A, %dma_wait3A] : memref<16x16xf32, #tpu.memory_space<hbm>> -> memref<1x16xf32, #tpu.memory_space<hbm>>
        %dma_wait3A_82 = tpu.memref_squeeze %dma_wait3A_81 : memref<1x16xf32, #tpu.memory_space<hbm>> -> memref<16xf32, #tpu.memory_space<hbm>>
        %dma_wait3A_83 = arith.constant 0 : i32
        %dma_wait3A_84 = tpu.memref_slice %arg7[%add3A, %dma_wait3A_83] : memref<16x16xf32, #tpu.memory_space<hbm>> -> memref<1x16xf32, #tpu.memory_space<hbm>>
        %dma_wait3A_85 = tpu.memref_squeeze %dma_wait3A_84 : memref<1x16xf32, #tpu.memory_space<hbm>> -> memref<16xf32, #tpu.memory_space<hbm>>
        tpu.wait_dma2 semaphore(%run_scoped3A : memref<!tpu.dma_semaphore, #tpu.memory_space<semaphore_mem>>) src(%dma_wait3A_85 : memref<16xf32, #tpu.memory_space<hbm>>) dst(%arg14 : memref<16xf32, #tpu.memory_space<vmem>>)
        tpu.yield
      }) : () -> ()
      %iota3A = tpu.iota {dimensions = array<i32: 0>} : vector<16xi32>
      %broadcast_in_dim3A = arith.constant 0 : i32
      %broadcast_in_dim3A_3 = vector.broadcast %broadcast_in_dim3A : i32 to vector<16xi32>
      %get3A = arith.constant 0 : index
      %get3A_4 = tpu.vector_load %arg13[%get3A] {strides = array<i32>} : memref<16xi32, #tpu.memory_space<vmem>>, vector<16xi32>,
      %slice3A = vector.extract_strided_slice %get3A_4 {offsets = [0], sizes = [1], strides = [1]} : vector<16xi32> to vector<1xi32>
      %squeeze3A = vector.extract %slice3A[0] : i32 from vector<1xi32>
      %scan3A = arith.constant 0 : i32
      %scan3A_5 = arith.constant 0 : i32
      %scan3A_6 = arith.constant 7 : i32
      %scan3A_7 = arith.addi %scan3A_5, %scan3A_6 : i32
      %scan3A_8 = arith.constant 1 : i32
      %scan3A_9 = scf.for %scan3A_76 = %scan3A_5 to %scan3A_7 step %scan3A_8 iter_args(%scan3A_77 = %scan3A) -> (i32)  : i32 {
        %broadcast_in_dim3A_78 = arith.constant 0.000000e+00 : f32
        %broadcast_in_dim3A_79 = vector.broadcast %broadcast_in_dim3A_78 : f32 to vector<16xf32>
        %mul3A_80 = arith.constant 16 : i32
        %mul3A_81 = arith.muli %scan3A_76, %mul3A_80 : i32
        %swap3A = arith.index_cast %mul3A_81 : i32 to index
        %swap3A_82 = tpu.vector_load %arg15[%swap3A] {strides = array<i32>} : memref<112xf32, #tpu.memory_space<vmem>>, vector<16xf32>,
        tpu.vector_store %arg15[%swap3A], %broadcast_in_dim3A_79 {strides = array<i32>} : memref<112xf32, #tpu.memory_space<vmem>>, vector<16xf32>,
        %scan3A_83 = arith.constant 0 : i32
        scf.yield %scan3A_83 : i32
      }
      %scan3A_10 = arith.constant 7 : i32
      %add3A_11 = arith.constant 16 : i32
      %add3A_12 = arith.addi %squeeze3A, %add3A_11 : i32
      %sub3A = arith.constant 1 : i32
      %sub3A_13 = arith.subi %add3A_12, %sub3A : i32
      %jit3A = arith.constant 16 : i32
      %div3A = arith.divsi %sub3A_13, %jit3A : i32
      %sign3A = arith.constant 0 : i32
      %sign3A_14 = arith.cmpi sgt, %sub3A_13, %sign3A : i32
      %sign3A_15 = arith.extui %sign3A_14 : i1 to i32
      %sign3A_16 = arith.constant 0 : i32
      %sign3A_17 = arith.cmpi slt, %sub3A_13, %sign3A_16 : i32
      %sign3A_18 = arith.extui %sign3A_17 : i1 to i32
      %sign3A_19 = arith.subi %sign3A_15, %sign3A_18 : i32
      %sign3A_20 = arith.constant 0 : i32
      %sign3A_21 = arith.cmpi sgt, %jit3A, %sign3A_20 : i32
      %sign3A_22 = arith.extui %sign3A_21 : i1 to i32
      %sign3A_23 = arith.constant 0 : i32
      %sign3A_24 = arith.cmpi slt, %jit3A, %sign3A_23 : i32
      %sign3A_25 = arith.extui %sign3A_24 : i1 to i32
      %sign3A_26 = arith.subi %sign3A_22, %sign3A_25 : i32
      %ne3A = arith.cmpi ne, %sign3A_19, %sign3A_26 : i32
      %rem3A = arith.remsi %sub3A_13, %jit3A : i32
      %ne3A_27 = arith.constant 0 : i32
      %ne3A_28 = arith.cmpi ne, %rem3A, %ne3A_27 : i32
      %and3A = arith.andi %ne3A, %ne3A_28 : i1
      %sub3A_29 = arith.constant 1 : i32
      %sub3A_30 = arith.subi %div3A, %sub3A_29 : i32
      %select_n3A = arith.select %and3A, %sub3A_30, %div3A : i32
      %while3A = arith.constant 0 : i32
      %while3A_31 = arith.constant 0 : i32
      %while3A_32 = arith.subi %select_n3A, %while3A : i32
      %while3A_33 = arith.addi %while3A, %while3A_32 : i32
      %while3A_34 = arith.constant 1 : i32
      %while3A_35 = arith.divsi %while3A_32, %while3A_34 : i32
      %while3A_36 = arith.muli %while3A_35, %while3A_34 : i32
      %while3A_37 = arith.addi %while3A, %while3A_36 : i32
      %while3A_38 = arith.constant 1 : i32
      %while3A_39 = scf.for %while3A_76 = %while3A to %while3A_37 step %while3A_38 iter_args(%while3A_77 = %while3A_31) -> (i32)  : i32 {
        %mul3A_78 = arith.constant 16 : i32
        %mul3A_79 = arith.muli %while3A_76, %mul3A_78 : i32
        %add3A_80 = vector.broadcast %mul3A_79 : i32 to vector<16xi32>
        %add3A_81 = arith.addi %add3A_80, %iota3A : vector<16xi32>
        %mul3A_82 = arith.constant 16 : i32
        %mul3A_83 = arith.muli %while3A_76, %mul3A_82 : i32
        %get3A_84 = arith.index_cast %mul3A_83 : i32 to index
        %get3A_85 = tpu.vector_load %arg11[%get3A_84] {strides = array<i32>} : memref<1024xf32, #tpu.memory_space<vmem>>, vector<16xf32>,
        %bitcast_convert_type3A = tpu.bitcast %get3A_85 : vector<16xf32> -> vector<16xi32>
        %while3A_86 = arith.constant 0 : i32
        %while3A_87 = arith.subi %squeeze3A, %while3A_86 : i32
        %while3A_88 = arith.addi %while3A_86, %while3A_87 : i32
        %while3A_89 = arith.constant 1 : i32
        %while3A_90 = arith.divsi %while3A_87, %while3A_89 : i32
        %while3A_91 = arith.muli %while3A_90, %while3A_89 : i32
        %while3A_92 = arith.addi %while3A_86, %while3A_91 : i32
        %while3A_93 = arith.constant 1 : i32
        %while3A_94 = scf.for %while3A_110 = %while3A_86 to %while3A_92 step %while3A_93 iter_args(%while3A_111 = %broadcast_in_dim3A_3) -> (vector<16xi32>)  : i32 {
          %get3A_112 = arith.index_cast %while3A_110 : i32 to index
          %get3A_113 = tpu.vector_load %arg11[%get3A_112] {strides = array<i32>} : memref<1024xf32, #tpu.memory_space<vmem>>, vector<16xf32>,
          %slice3A_114 = vector.extract_strided_slice %get3A_113 {offsets = [0], sizes = [1], strides = [1]} : vector<16xf32> to vector<1xf32>
          %squeeze3A_115 = vector.extract %slice3A_114[0] : f32 from vector<1xf32>
          %bitcast_convert_type3A_116 = arith.bitcast %squeeze3A_115 : f32 to i32
          %gt3A = vector.broadcast %bitcast_convert_type3A_116 : i32 to vector<16xi32>
          %gt3A_117 = arith.cmpi sgt, %gt3A, %bitcast_convert_type3A : vector<16xi32>
          %jit3A_118 = arith.constant 1 : i32
          %jit3A_119 = arith.constant 0 : i32
          %broadcast_in_dim3A_120 = vector.broadcast %jit3A_118 : i32 to vector<16xi32>
          %broadcast_in_dim3A_121 = vector.broadcast %jit3A_119 : i32 to vector<16xi32>
          %select_n3A_122 = arith.select %gt3A_117, %broadcast_in_dim3A_120, %broadcast_in_dim3A_121 : vector<16xi1>, vector<16xi32>
          %add3A_123 = arith.addi %while3A_111, %select_n3A_122 : vector<16xi32>
          %eq3A = vector.broadcast %bitcast_convert_type3A_116 : i32 to vector<16xi32>
          %eq3A_124 = arith.cmpi eq, %eq3A, %bitcast_convert_type3A : vector<16xi32>
          %lt3A_125 = vector.broadcast %while3A_110 : i32 to vector<16xi32>
          %lt3A_126 = arith.cmpi slt, %lt3A_125, %add3A_81 : vector<16xi32>
          %and3A_127 = arith.andi %eq3A_124, %lt3A_126 : vector<16xi1>
          %jit3A_128 = arith.constant 1 : i32
          %jit3A_129 = arith.constant 0 : i32
          %broadcast_in_dim3A_130 = vector.broadcast %jit3A_128 : i32 to vector<16xi32>
          %broadcast_in_dim3A_131 = vector.broadcast %jit3A_129 : i32 to vector<16xi32>
          %select_n3A_132 = arith.select %and3A_127, %broadcast_in_dim3A_130, %broadcast_in_dim3A_131 : vector<16xi1>, vector<16xi32>
          %add3A_133 = arith.addi %add3A_123, %select_n3A_132 : vector<16xi32>
          scf.yield %add3A_133 : vector<16xi32>
        }
        %while3A_95 = arith.constant 1 : i32
        %while3A_96 = scf.for %while3A_110 = %while3A_92 to %while3A_88 step %while3A_95 iter_args(%while3A_111 = %while3A_94) -> (vector<16xi32>)  : i32 {
          %get3A_112 = arith.index_cast %while3A_110 : i32 to index
          %get3A_113 = tpu.vector_load %arg11[%get3A_112] {strides = array<i32>} : memref<1024xf32, #tpu.memory_space<vmem>>, vector<16xf32>,
          %slice3A_114 = vector.extract_strided_slice %get3A_113 {offsets = [0], sizes = [1], strides = [1]} : vector<16xf32> to vector<1xf32>
          %squeeze3A_115 = vector.extract %slice3A_114[0] : f32 from vector<1xf32>
          %bitcast_convert_type3A_116 = arith.bitcast %squeeze3A_115 : f32 to i32
          %gt3A = vector.broadcast %bitcast_convert_type3A_116 : i32 to vector<16xi32>
          %gt3A_117 = arith.cmpi sgt, %gt3A, %bitcast_convert_type3A : vector<16xi32>
          %jit3A_118 = arith.constant 1 : i32
          %jit3A_119 = arith.constant 0 : i32
          %broadcast_in_dim3A_120 = vector.broadcast %jit3A_118 : i32 to vector<16xi32>
          %broadcast_in_dim3A_121 = vector.broadcast %jit3A_119 : i32 to vector<16xi32>
          %select_n3A_122 = arith.select %gt3A_117, %broadcast_in_dim3A_120, %broadcast_in_dim3A_121 : vector<16xi1>, vector<16xi32>
          %add3A_123 = arith.addi %while3A_111, %select_n3A_122 : vector<16xi32>
          %eq3A = vector.broadcast %bitcast_convert_type3A_116 : i32 to vector<16xi32>
          %eq3A_124 = arith.cmpi eq, %eq3A, %bitcast_convert_type3A : vector<16xi32>
          %lt3A_125 = vector.broadcast %while3A_110 : i32 to vector<16xi32>
          %lt3A_126 = arith.cmpi slt, %lt3A_125, %add3A_81 : vector<16xi32>
          %and3A_127 = arith.andi %eq3A_124, %lt3A_126 : vector<16xi1>
          %jit3A_128 = arith.constant 1 : i32
          %jit3A_129 = arith.constant 0 : i32
          %broadcast_in_dim3A_130 = vector.broadcast %jit3A_128 : i32 to vector<16xi32>
          %broadcast_in_dim3A_131 = vector.broadcast %jit3A_129 : i32 to vector<16xi32>
          %select_n3A_132 = arith.select %and3A_127, %broadcast_in_dim3A_130, %broadcast_in_dim3A_131 : vector<16xi1>, vector<16xi32>
          %add3A_133 = arith.addi %add3A_123, %select_n3A_132 : vector<16xi32>
          scf.yield %add3A_133 : vector<16xi32>
        }
        %lt3A_97 = vector.broadcast %squeeze3A : i32 to vector<16xi32>
        %lt3A_98 = arith.cmpi slt, %add3A_81, %lt3A_97 : vector<16xi32>
        %lt3A_99 = arith.constant 100 : i32
        %lt3A_100 = vector.broadcast %lt3A_99 : i32 to vector<16xi32>
        %lt3A_101 = arith.cmpi slt, %while3A_96, %lt3A_100 : vector<16xi32>
        %and3A_102 = arith.andi %lt3A_98, %lt3A_101 : vector<16xi1>
        tpu.vector_store_idx %arg15[%while3A_96], %get3A_85 masked %and3A_102 : memref<112xf32, #tpu.memory_space<vmem>>[vector<16xi32>], vector<16xf32>, vector<16xi1>
        %mul3A_103 = arith.constant 16 : i32
        %mul3A_104 = arith.muli %while3A_76, %mul3A_103 : i32
        %get3A_105 = arith.index_cast %mul3A_104 : i32 to index
        %get3A_106 = tpu.vector_load %arg12[%get3A_105] {strides = array<i32>} : memref<1024xi32, #tpu.memory_space<vmem>>, vector<16xi32>,
        %shift_right_arithmetic3A = arith.constant 1 : i32
        %shift_right_arithmetic3A_107 = vector.broadcast %shift_right_arithmetic3A : i32 to vector<16xi32>
        %shift_right_arithmetic3A_108 = arith.shrsi %get3A_106, %shift_right_arithmetic3A_107 : vector<16xi32>
        tpu.vector_store_idx %arg16[%while3A_96], %shift_right_arithmetic3A_108 masked %and3A_102 : memref<116xi32, #tpu.memory_space<vmem>>[vector<16xi32>], vector<16xi32>, vector<16xi1>
        %while3A_109 = arith.constant 0 : i32
        scf.yield %while3A_109 : i32
      }
      %while3A_40 = arith.constant 1 : i32
      %while3A_41 = scf.for %while3A_76 = %while3A_37 to %while3A_33 step %while3A_40 iter_args(%while3A_77 = %while3A_39) -> (i32)  : i32 {
        %mul3A_78 = arith.constant 16 : i32
        %mul3A_79 = arith.muli %while3A_76, %mul3A_78 : i32
        %add3A_80 = vector.broadcast %mul3A_79 : i32 to vector<16xi32>
        %add3A_81 = arith.addi %add3A_80, %iota3A : vector<16xi32>
        %mul3A_82 = arith.constant 16 : i32
        %mul3A_83 = arith.muli %while3A_76, %mul3A_82 : i32
        %get3A_84 = arith.index_cast %mul3A_83 : i32 to index
        %get3A_85 = tpu.vector_load %arg11[%get3A_84] {strides = array<i32>} : memref<1024xf32, #tpu.memory_space<vmem>>, vector<16xf32>,
        %bitcast_convert_type3A = tpu.bitcast %get3A_85 : vector<16xf32> -> vector<16xi32>
        %while3A_86 = arith.constant 0 : i32
        %while3A_87 = arith.subi %squeeze3A, %while3A_86 : i32
        %while3A_88 = arith.addi %while3A_86, %while3A_87 : i32
        %while3A_89 = arith.constant 1 : i32
        %while3A_90 = arith.divsi %while3A_87, %while3A_89 : i32
        %while3A_91 = arith.muli %while3A_90, %while3A_89 : i32
        %while3A_92 = arith.addi %while3A_86, %while3A_91 : i32
        %while3A_93 = arith.constant 1 : i32
        %while3A_94 = scf.for %while3A_110 = %while3A_86 to %while3A_92 step %while3A_93 iter_args(%while3A_111 = %broadcast_in_dim3A_3) -> (vector<16xi32>)  : i32 {
          %get3A_112 = arith.index_cast %while3A_110 : i32 to index
          %get3A_113 = tpu.vector_load %arg11[%get3A_112] {strides = array<i32>} : memref<1024xf32, #tpu.memory_space<vmem>>, vector<16xf32>,
          %slice3A_114 = vector.extract_strided_slice %get3A_113 {offsets = [0], sizes = [1], strides = [1]} : vector<16xf32> to vector<1xf32>
          %squeeze3A_115 = vector.extract %slice3A_114[0] : f32 from vector<1xf32>
          %bitcast_convert_type3A_116 = arith.bitcast %squeeze3A_115 : f32 to i32
          %gt3A = vector.broadcast %bitcast_convert_type3A_116 : i32 to vector<16xi32>
          %gt3A_117 = arith.cmpi sgt, %gt3A, %bitcast_convert_type3A : vector<16xi32>
          %jit3A_118 = arith.constant 1 : i32
          %jit3A_119 = arith.constant 0 : i32
          %broadcast_in_dim3A_120 = vector.broadcast %jit3A_118 : i32 to vector<16xi32>
          %broadcast_in_dim3A_121 = vector.broadcast %jit3A_119 : i32 to vector<16xi32>
          %select_n3A_122 = arith.select %gt3A_117, %broadcast_in_dim3A_120, %broadcast_in_dim3A_121 : vector<16xi1>, vector<16xi32>
          %add3A_123 = arith.addi %while3A_111, %select_n3A_122 : vector<16xi32>
          %eq3A = vector.broadcast %bitcast_convert_type3A_116 : i32 to vector<16xi32>
          %eq3A_124 = arith.cmpi eq, %eq3A, %bitcast_convert_type3A : vector<16xi32>
          %lt3A_125 = vector.broadcast %while3A_110 : i32 to vector<16xi32>
          %lt3A_126 = arith.cmpi slt, %lt3A_125, %add3A_81 : vector<16xi32>
          %and3A_127 = arith.andi %eq3A_124, %lt3A_126 : vector<16xi1>
          %jit3A_128 = arith.constant 1 : i32
          %jit3A_129 = arith.constant 0 : i32
          %broadcast_in_dim3A_130 = vector.broadcast %jit3A_128 : i32 to vector<16xi32>
          %broadcast_in_dim3A_131 = vector.broadcast %jit3A_129 : i32 to vector<16xi32>
          %select_n3A_132 = arith.select %and3A_127, %broadcast_in_dim3A_130, %broadcast_in_dim3A_131 : vector<16xi1>, vector<16xi32>
          %add3A_133 = arith.addi %add3A_123, %select_n3A_132 : vector<16xi32>
          scf.yield %add3A_133 : vector<16xi32>
        }
        %while3A_95 = arith.constant 1 : i32
        %while3A_96 = scf.for %while3A_110 = %while3A_92 to %while3A_88 step %while3A_95 iter_args(%while3A_111 = %while3A_94) -> (vector<16xi32>)  : i32 {
          %get3A_112 = arith.index_cast %while3A_110 : i32 to index
          %get3A_113 = tpu.vector_load %arg11[%get3A_112] {strides = array<i32>} : memref<1024xf32, #tpu.memory_space<vmem>>, vector<16xf32>,
          %slice3A_114 = vector.extract_strided_slice %get3A_113 {offsets = [0], sizes = [1], strides = [1]} : vector<16xf32> to vector<1xf32>
          %squeeze3A_115 = vector.extract %slice3A_114[0] : f32 from vector<1xf32>
          %bitcast_convert_type3A_116 = arith.bitcast %squeeze3A_115 : f32 to i32
          %gt3A = vector.broadcast %bitcast_convert_type3A_116 : i32 to vector<16xi32>
          %gt3A_117 = arith.cmpi sgt, %gt3A, %bitcast_convert_type3A : vector<16xi32>
          %jit3A_118 = arith.constant 1 : i32
          %jit3A_119 = arith.constant 0 : i32
          %broadcast_in_dim3A_120 = vector.broadcast %jit3A_118 : i32 to vector<16xi32>
          %broadcast_in_dim3A_121 = vector.broadcast %jit3A_119 : i32 to vector<16xi32>
          %select_n3A_122 = arith.select %gt3A_117, %broadcast_in_dim3A_120, %broadcast_in_dim3A_121 : vector<16xi1>, vector<16xi32>
          %add3A_123 = arith.addi %while3A_111, %select_n3A_122 : vector<16xi32>
          %eq3A = vector.broadcast %bitcast_convert_type3A_116 : i32 to vector<16xi32>
          %eq3A_124 = arith.cmpi eq, %eq3A, %bitcast_convert_type3A : vector<16xi32>
          %lt3A_125 = vector.broadcast %while3A_110 : i32 to vector<16xi32>
          %lt3A_126 = arith.cmpi slt, %lt3A_125, %add3A_81 : vector<16xi32>
          %and3A_127 = arith.andi %eq3A_124, %lt3A_126 : vector<16xi1>
          %jit3A_128 = arith.constant 1 : i32
          %jit3A_129 = arith.constant 0 : i32
          %broadcast_in_dim3A_130 = vector.broadcast %jit3A_128 : i32 to vector<16xi32>
          %broadcast_in_dim3A_131 = vector.broadcast %jit3A_129 : i32 to vector<16xi32>
          %select_n3A_132 = arith.select %and3A_127, %broadcast_in_dim3A_130, %broadcast_in_dim3A_131 : vector<16xi1>, vector<16xi32>
          %add3A_133 = arith.addi %add3A_123, %select_n3A_132 : vector<16xi32>
          scf.yield %add3A_133 : vector<16xi32>
        }
        %lt3A_97 = vector.broadcast %squeeze3A : i32 to vector<16xi32>
        %lt3A_98 = arith.cmpi slt, %add3A_81, %lt3A_97 : vector<16xi32>
        %lt3A_99 = arith.constant 100 : i32
        %lt3A_100 = vector.broadcast %lt3A_99 : i32 to vector<16xi32>
        %lt3A_101 = arith.cmpi slt, %while3A_96, %lt3A_100 : vector<16xi32>
        %and3A_102 = arith.andi %lt3A_98, %lt3A_101 : vector<16xi1>
        tpu.vector_store_idx %arg15[%while3A_96], %get3A_85 masked %and3A_102 : memref<112xf32, #tpu.memory_space<vmem>>[vector<16xi32>], vector<16xf32>, vector<16xi1>
        %mul3A_103 = arith.constant 16 : i32
        %mul3A_104 = arith.muli %while3A_76, %mul3A_103 : i32
        %get3A_105 = arith.index_cast %mul3A_104 : i32 to index
        %get3A_106 = tpu.vector_load %arg12[%get3A_105] {strides = array<i32>} : memref<1024xi32, #tpu.memory_space<vmem>>, vector<16xi32>,
        %shift_right_arithmetic3A = arith.constant 1 : i32
        %shift_right_arithmetic3A_107 = vector.broadcast %shift_right_arithmetic3A : i32 to vector<16xi32>
        %shift_right_arithmetic3A_108 = arith.shrsi %get3A_106, %shift_right_arithmetic3A_107 : vector<16xi32>
        tpu.vector_store_idx %arg16[%while3A_96], %shift_right_arithmetic3A_108 masked %and3A_102 : memref<116xi32, #tpu.memory_space<vmem>>[vector<16xi32>], vector<16xi32>, vector<16xi1>
        %while3A_109 = arith.constant 0 : i32
        scf.yield %while3A_109 : i32
      }
      %scan3A_42 = arith.constant 0 : i32
      %scan3A_43 = arith.constant 0 : i32
      %scan3A_44 = arith.constant 100 : i32
      %scan3A_45 = arith.addi %scan3A_43, %scan3A_44 : i32
      %scan3A_46 = arith.constant 1 : i32
      %scan3A_47 = scf.for %scan3A_76 = %scan3A_43 to %scan3A_45 step %scan3A_46 iter_args(%scan3A_77 = %scan3A_42) -> (i32)  : i32 {
        %get3A_78 = arith.index_cast %scan3A_76 : i32 to index
        %get3A_79 = tpu.vector_load %arg16[%get3A_78] {strides = array<i32>} : memref<116xi32, #tpu.memory_space<vmem>>, vector<16xi32>,
        %slice3A_80 = vector.extract_strided_slice %get3A_79 {offsets = [0], sizes = [1], strides = [1]} : vector<16xi32> to vector<1xi32>
        %squeeze3A_81 = vector.extract %slice3A_80[0] : i32 from vector<1xi32>
        %dma_start3A = arith.constant 0 : i32
        %dma_start3A_82 = tpu.memref_slice %arg17[%scan3A_76, %dma_start3A] : memref<100x8xf32, #tpu.memory_space<vmem>> -> memref<1x4xf32, #tpu.memory_space<vmem>>
        %dma_start3A_83 = tpu.memref_squeeze %dma_start3A_82 : memref<1x4xf32, #tpu.memory_space<vmem>> -> memref<4xf32, #tpu.memory_space<vmem>>
        %dma_start3A_84 = arith.constant 0 : i32
        %dma_start3A_85 = tpu.memref_slice %arg5[%add3A, %squeeze3A_81, %dma_start3A_84] : memref<16x20000x4xf32, #tpu.memory_space<hbm>> -> memref<1x1x4xf32, #tpu.memory_space<hbm>>
        %dma_start3A_86 = tpu.memref_squeeze %dma_start3A_85 : memref<1x1x4xf32, #tpu.memory_space<hbm>> -> memref<4xf32, #tpu.memory_space<hbm>>
        %dma_start3A_87 = arith.constant 0 : i32
        %dma_start3A_88 = tpu.memref_slice %arg17[%scan3A_76, %dma_start3A_87] : memref<100x8xf32, #tpu.memory_space<vmem>> -> memref<1x4xf32, #tpu.memory_space<vmem>>
        %dma_start3A_89 = tpu.memref_squeeze %dma_start3A_88 : memref<1x4xf32, #tpu.memory_space<vmem>> -> memref<4xf32, #tpu.memory_space<vmem>>
        %dma_start3A_90 = arith.constant 0 : i32
        %dma_start3A_91 = tpu.memref_slice %arg5[%add3A, %squeeze3A_81, %dma_start3A_90] : memref<16x20000x4xf32, #tpu.memory_space<hbm>> -> memref<1x1x4xf32, #tpu.memory_space<hbm>>
        %dma_start3A_92 = tpu.memref_squeeze %dma_start3A_91 : memref<1x1x4xf32, #tpu.memory_space<hbm>> -> memref<4xf32, #tpu.memory_space<hbm>>
        tpu.enqueue_dma source(%dma_start3A_92 : memref<4xf32, #tpu.memory_space<hbm>>) target(%dma_start3A_89 : memref<4xf32, #tpu.memory_space<vmem>>) target_semaphore(%arg21 : memref<!tpu.dma_semaphore, #tpu.memory_space<semaphore_mem>>)
        %dma_start3A_93 = arith.constant 0 : i32
        %dma_start3A_94 = tpu.memref_slice %arg18[%scan3A_76, %dma_start3A_93] : memref<100x56xf32, #tpu.memory_space<vmem>> -> memref<1x51xf32, #tpu.memory_space<vmem>>
        %dma_start3A_95 = tpu.memref_squeeze %dma_start3A_94 : memref<1x51xf32, #tpu.memory_space<vmem>> -> memref<51xf32, #tpu.memory_space<vmem>>
        %dma_start3A_96 = arith.constant 0 : i32
        %dma_start3A_97 = tpu.memref_slice %arg6[%add3A, %squeeze3A_81, %dma_start3A_96] : memref<16x20000x51xf32, #tpu.memory_space<hbm>> -> memref<1x1x51xf32, #tpu.memory_space<hbm>>
        %dma_start3A_98 = tpu.memref_squeeze %dma_start3A_97 : memref<1x1x51xf32, #tpu.memory_space<hbm>> -> memref<51xf32, #tpu.memory_space<hbm>>
        %dma_start3A_99 = arith.constant 0 : i32
        %dma_start3A_100 = tpu.memref_slice %arg18[%scan3A_76, %dma_start3A_99] : memref<100x56xf32, #tpu.memory_space<vmem>> -> memref<1x51xf32, #tpu.memory_space<vmem>>
        %dma_start3A_101 = tpu.memref_squeeze %dma_start3A_100 : memref<1x51xf32, #tpu.memory_space<vmem>> -> memref<51xf32, #tpu.memory_space<vmem>>
        %dma_start3A_102 = arith.constant 0 : i32
        %dma_start3A_103 = tpu.memref_slice %arg6[%add3A, %squeeze3A_81, %dma_start3A_102] : memref<16x20000x51xf32, #tpu.memory_space<hbm>> -> memref<1x1x51xf32, #tpu.memory_space<hbm>>
        %dma_start3A_104 = tpu.memref_squeeze %dma_start3A_103 : memref<1x1x51xf32, #tpu.memory_space<hbm>> -> memref<51xf32, #tpu.memory_space<hbm>>
        tpu.enqueue_dma source(%dma_start3A_104 : memref<51xf32, #tpu.memory_space<hbm>>) target(%dma_start3A_101 : memref<51xf32, #tpu.memory_space<vmem>>) target_semaphore(%arg22 : memref<!tpu.dma_semaphore, #tpu.memory_space<semaphore_mem>>)
        %scan3A_105 = arith.constant 0 : i32
        scf.yield %scan3A_105 : i32
      }
      %scan3A_48 = arith.constant 100 : i32
      %scan3A_49 = arith.constant 0 : i32
      %scan3A_50 = arith.constant 0 : i32
      %scan3A_51 = arith.constant 100 : i32
      %scan3A_52 = arith.addi %scan3A_50, %scan3A_51 : i32
      %scan3A_53 = arith.constant 1 : i32
      %scan3A_54 = scf.for %scan3A_76 = %scan3A_50 to %scan3A_52 step %scan3A_53 iter_args(%scan3A_77 = %scan3A_49) -> (i32)  : i32 {
        %get3A_78 = arith.index_cast %scan3A_76 : i32 to index
        %get3A_79 = tpu.vector_load %arg16[%get3A_78] {strides = array<i32>} : memref<116xi32, #tpu.memory_space<vmem>>, vector<16xi32>,
        %slice3A_80 = vector.extract_strided_slice %get3A_79 {offsets = [0], sizes = [1], strides = [1]} : vector<16xi32> to vector<1xi32>
        %squeeze3A_81 = vector.extract %slice3A_80[0] : i32 from vector<1xi32>
        %dma_wait3A = arith.constant 0 : i32
        %dma_wait3A_82 = tpu.memref_slice %arg17[%scan3A_76, %dma_wait3A] : memref<100x8xf32, #tpu.memory_space<vmem>> -> memref<1x4xf32, #tpu.memory_space<vmem>>
        %dma_wait3A_83 = tpu.memref_squeeze %dma_wait3A_82 : memref<1x4xf32, #tpu.memory_space<vmem>> -> memref<4xf32, #tpu.memory_space<vmem>>
        %dma_wait3A_84 = arith.constant 0 : i32
        %dma_wait3A_85 = tpu.memref_slice %arg5[%add3A, %squeeze3A_81, %dma_wait3A_84] : memref<16x20000x4xf32, #tpu.memory_space<hbm>> -> memref<1x1x4xf32, #tpu.memory_space<hbm>>
        %dma_wait3A_86 = tpu.memref_squeeze %dma_wait3A_85 : memref<1x1x4xf32, #tpu.memory_space<hbm>> -> memref<4xf32, #tpu.memory_space<hbm>>
        %dma_wait3A_87 = arith.constant 0 : i32
        %dma_wait3A_88 = tpu.memref_slice %arg17[%scan3A_76, %dma_wait3A_87] : memref<100x8xf32, #tpu.memory_space<vmem>> -> memref<1x4xf32, #tpu.memory_space<vmem>>
        %dma_wait3A_89 = tpu.memref_squeeze %dma_wait3A_88 : memref<1x4xf32, #tpu.memory_space<vmem>> -> memref<4xf32, #tpu.memory_space<vmem>>
        %dma_wait3A_90 = arith.constant 0 : i32
        %dma_wait3A_91 = tpu.memref_slice %arg5[%add3A, %squeeze3A_81, %dma_wait3A_90] : memref<16x20000x4xf32, #tpu.memory_space<hbm>> -> memref<1x1x4xf32, #tpu.memory_space<hbm>>
        %dma_wait3A_92 = tpu.memref_squeeze %dma_wait3A_91 : memref<1x1x4xf32, #tpu.memory_space<hbm>> -> memref<4xf32, #tpu.memory_space<hbm>>
        tpu.wait_dma2 semaphore(%arg21 : memref<!tpu.dma_semaphore, #tpu.memory_space<semaphore_mem>>) src(%dma_wait3A_92 : memref<4xf32, #tpu.memory_space<hbm>>) dst(%dma_wait3A_89 : memref<4xf32, #tpu.memory_space<vmem>>)
        %dma_wait3A_93 = arith.constant 0 : i32
        %dma_wait3A_94 = tpu.memref_slice %arg18[%scan3A_76, %dma_wait3A_93] : memref<100x56xf32, #tpu.memory_space<vmem>> -> memref<1x51xf32, #tpu.memory_space<vmem>>
        %dma_wait3A_95 = tpu.memref_squeeze %dma_wait3A_94 : memref<1x51xf32, #tpu.memory_space<vmem>> -> memref<51xf32, #tpu.memory_space<vmem>>
        %dma_wait3A_96 = arith.constant 0 : i32
        %dma_wait3A_97 = tpu.memref_slice %arg6[%add3A, %squeeze3A_81, %dma_wait3A_96] : memref<16x20000x51xf32, #tpu.memory_space<hbm>> -> memref<1x1x51xf32, #tpu.memory_space<hbm>>
        %dma_wait3A_98 = tpu.memref_squeeze %dma_wait3A_97 : memref<1x1x51xf32, #tpu.memory_space<hbm>> -> memref<51xf32, #tpu.memory_space<hbm>>
        %dma_wait3A_99 = arith.constant 0 : i32
        %dma_wait3A_100 = tpu.memref_slice %arg18[%scan3A_76, %dma_wait3A_99] : memref<100x56xf32, #tpu.memory_space<vmem>> -> memref<1x51xf32, #tpu.memory_space<vmem>>
        %dma_wait3A_101 = tpu.memref_squeeze %dma_wait3A_100 : memref<1x51xf32, #tpu.memory_space<vmem>> -> memref<51xf32, #tpu.memory_space<vmem>>
        %dma_wait3A_102 = arith.constant 0 : i32
        %dma_wait3A_103 = tpu.memref_slice %arg6[%add3A, %squeeze3A_81, %dma_wait3A_102] : memref<16x20000x51xf32, #tpu.memory_space<hbm>> -> memref<1x1x51xf32, #tpu.memory_space<hbm>>
        %dma_wait3A_104 = tpu.memref_squeeze %dma_wait3A_103 : memref<1x1x51xf32, #tpu.memory_space<hbm>> -> memref<51xf32, #tpu.memory_space<hbm>>
        tpu.wait_dma2 semaphore(%arg22 : memref<!tpu.dma_semaphore, #tpu.memory_space<semaphore_mem>>) src(%dma_wait3A_104 : memref<51xf32, #tpu.memory_space<hbm>>) dst(%dma_wait3A_101 : memref<51xf32, #tpu.memory_space<vmem>>)
        %scan3A_105 = arith.constant 0 : i32
        scf.yield %scan3A_105 : i32
      }
      %scan3A_55 = arith.constant 100 : i32
      %get3A_56 = arith.constant 0 : index
      %get3A_57 = tpu.vector_load %arg14[%get3A_56] {strides = array<i32>} : memref<16xf32, #tpu.memory_space<vmem>>, vector<16xf32>,
      %scan3A_58 = arith.constant 0 : i32
      %scan3A_59 = arith.constant 0 : i32
      %scan3A_60 = arith.constant 25 : i32
      %scan3A_61 = arith.addi %scan3A_59, %scan3A_60 : i32
      %scan3A_62 = arith.constant 1 : i32
      %scan3A_63 = scf.for %scan3A_76 = %scan3A_59 to %scan3A_61 step %scan3A_62 iter_args(%scan3A_77 = %scan3A_58) -> (i32)  : i32 {
        %mul3A_78 = arith.constant 16 : i32
        %mul3A_79 = arith.muli %scan3A_76, %mul3A_78 : i32
        %add3A_80 = vector.broadcast %mul3A_79 : i32 to vector<16xi32>
        %add3A_81 = arith.addi %add3A_80, %iota3A : vector<16xi32>
        %shift_right_arithmetic3A = arith.constant 2 : i32
        %shift_right_arithmetic3A_82 = vector.broadcast %shift_right_arithmetic3A : i32 to vector<16xi32>
        %shift_right_arithmetic3A_83 = arith.shrsi %add3A_81, %shift_right_arithmetic3A_82 : vector<16xi32>
        %and3A_84 = arith.constant 3 : i32
        %and3A_85 = vector.broadcast %and3A_84 : i32 to vector<16xi32>
        %and3A_86 = arith.andi %add3A_81, %and3A_85 : vector<16xi32>
        %and3A_87 = arith.constant 1 : i32
        %and3A_88 = vector.broadcast %and3A_87 : i32 to vector<16xi32>
        %and3A_89 = arith.andi %add3A_81, %and3A_88 : vector<16xi32>
        %gather3A = tpu.vector_load_idx %arg17[%shift_right_arithmetic3A_83, %and3A_89] : memref<100x8xf32, #tpu.memory_space<vmem>>[vector<16xi32>, vector<16xi32>], vector<16xf32>,
        %add3A_90 = arith.constant 2 : i32
        %add3A_91 = vector.broadcast %add3A_90 : i32 to vector<16xi32>
        %add3A_92 = arith.addi %and3A_89, %add3A_91 : vector<16xi32>
        %gather3A_93 = tpu.vector_load_idx %arg17[%shift_right_arithmetic3A_83, %add3A_92] : memref<100x8xf32, #tpu.memory_space<vmem>>[vector<16xi32>, vector<16xi32>], vector<16xf32>,
        %lt3A_94 = arith.constant 2 : i32
        %lt3A_95 = vector.broadcast %lt3A_94 : i32 to vector<16xi32>
        %lt3A_96 = arith.cmpi slt, %and3A_86, %lt3A_95 : vector<16xi32>
        %jit3A_97 = arith.constant -5.000000e-01 : f32
        %jit3A_98 = arith.constant 5.000000e-01 : f32
        %broadcast_in_dim3A_99 = vector.broadcast %jit3A_97 : f32 to vector<16xf32>
        %broadcast_in_dim3A_100 = vector.broadcast %jit3A_98 : f32 to vector<16xf32>
        %select_n3A_101 = arith.select %lt3A_96, %broadcast_in_dim3A_99, %broadcast_in_dim3A_100 : vector<16xi1>, vector<16xf32>
        %mul3A_102 = arith.mulf %select_n3A_101, %gather3A_93 : vector<16xf32>
        %add3A_103 = arith.addf %gather3A, %mul3A_102 : vector<16xf32>
        %mul3A_104 = arith.mulf %add3A_103, %get3A_57 : vector<16xf32>
        tpu.vector_store_idx %arg19[%shift_right_arithmetic3A_83, %and3A_86], %mul3A_104 : memref<100x4xf32, #tpu.memory_space<vmem>>[vector<16xi32>, vector<16xi32>], vector<16xf32>,
        %scan3A_105 = arith.constant 0 : i32
        scf.yield %scan3A_105 : i32
      }
      %scan3A_64 = arith.constant 25 : i32
      %slice3A_65 = vector.extract_strided_slice %get3A_57 {offsets = [0], sizes = [1], strides = [1]} : vector<16xf32> to vector<1xf32>
      %squeeze3A_66 = vector.extract %slice3A_65[0] : f32 from vector<1xf32>
      %slice3A_67 = vector.extract_strided_slice %get3A_57 {offsets = [1], sizes = [1], strides = [1]} : vector<16xf32> to vector<1xf32>
      %squeeze3A_68 = vector.extract %slice3A_67[0] : f32 from vector<1xf32>
      %scan3A_69 = arith.constant 0 : i32
      %scan3A_70 = arith.constant 0 : i32
      %scan3A_71 = arith.constant 325 : i32
      %scan3A_72 = arith.addi %scan3A_70, %scan3A_71 : i32
      %scan3A_73 = arith.constant 1 : i32
      %scan3A_74 = scf.for %scan3A_76 = %scan3A_70 to %scan3A_72 step %scan3A_73 iter_args(%scan3A_77 = %scan3A_69) -> (i32)  : i32 {
        %mul3A_78 = arith.constant 16 : i32
        %mul3A_79 = arith.muli %scan3A_76, %mul3A_78 : i32
        %add3A_80 = vector.broadcast %mul3A_79 : i32 to vector<16xi32>
        %add3A_81 = arith.addi %add3A_80, %iota3A : vector<16xi32>
        %jit3A_82 = arith.constant 52 : i32
        %div3A_83 = vector.broadcast %jit3A_82 : i32 to vector<16xi32>
        %div3A_84 = arith.divsi %add3A_81, %div3A_83 : vector<16xi32>
        %sign3A_85 = arith.constant 0 : i32
        %sign3A_86 = vector.broadcast %sign3A_85 : i32 to vector<16xi32>
        %sign3A_87 = arith.cmpi sgt, %add3A_81, %sign3A_86 : vector<16xi32>
        %sign3A_88 = arith.extui %sign3A_87 : vector<16xi1> to vector<16xi32>
        %sign3A_89 = arith.constant 0 : i32
        %sign3A_90 = vector.broadcast %sign3A_89 : i32 to vector<16xi32>
        %sign3A_91 = arith.cmpi slt, %add3A_81, %sign3A_90 : vector<16xi32>
        %sign3A_92 = arith.extui %sign3A_91 : vector<16xi1> to vector<16xi32>
        %sign3A_93 = arith.subi %sign3A_88, %sign3A_92 : vector<16xi32>
        %sign3A_94 = arith.constant 0 : i32
        %sign3A_95 = arith.cmpi sgt, %jit3A_82, %sign3A_94 : i32
        %sign3A_96 = arith.extui %sign3A_95 : i1 to i32
        %sign3A_97 = arith.constant 0 : i32
        %sign3A_98 = arith.cmpi slt, %jit3A_82, %sign3A_97 : i32
        %sign3A_99 = arith.extui %sign3A_98 : i1 to i32
        %sign3A_100 = arith.subi %sign3A_96, %sign3A_99 : i32
        %ne3A_101 = vector.broadcast %sign3A_100 : i32 to vector<16xi32>
        %ne3A_102 = arith.cmpi ne, %sign3A_93, %ne3A_101 : vector<16xi32>
        %rem3A_103 = vector.broadcast %jit3A_82 : i32 to vector<16xi32>
        %rem3A_104 = arith.remsi %add3A_81, %rem3A_103 : vector<16xi32>
        %ne3A_105 = arith.constant 0 : i32
        %ne3A_106 = vector.broadcast %ne3A_105 : i32 to vector<16xi32>
        %ne3A_107 = arith.cmpi ne, %rem3A_104, %ne3A_106 : vector<16xi32>
        %and3A_108 = arith.andi %ne3A_102, %ne3A_107 : vector<16xi1>
        %sub3A_109 = arith.constant 1 : i32
        %sub3A_110 = vector.broadcast %sub3A_109 : i32 to vector<16xi32>
        %sub3A_111 = arith.subi %div3A_84, %sub3A_110 : vector<16xi32>
        %select_n3A_112 = arith.select %and3A_108, %sub3A_111, %div3A_84 : vector<16xi1>, vector<16xi32>
        %mul3A_113 = arith.constant 52 : i32
        %mul3A_114 = vector.broadcast %mul3A_113 : i32 to vector<16xi32>
        %mul3A_115 = arith.muli %select_n3A_112, %mul3A_114 : vector<16xi32>
        %sub3A_116 = arith.subi %add3A_81, %mul3A_115 : vector<16xi32>
        %jit3A_117 = arith.constant 3 : i32
        %eq3A = arith.constant 0 : i32
        %eq3A_118 = arith.cmpi eq, %jit3A_117, %eq3A : i32
        %jit3A_119 = arith.constant 1 : i32
        %select_n3A_120 = arith.select %eq3A_118, %jit3A_119, %jit3A_117 : i32
        %rem3A_121 = vector.broadcast %select_n3A_120 : i32 to vector<16xi32>
        %rem3A_122 = arith.remsi %sub3A_116, %rem3A_121 : vector<16xi32>
        %ne3A_123 = arith.constant 0 : i32
        %ne3A_124 = vector.broadcast %ne3A_123 : i32 to vector<16xi32>
        %ne3A_125 = arith.cmpi ne, %rem3A_122, %ne3A_124 : vector<16xi32>
        %lt3A_126 = arith.constant 0 : i32
        %lt3A_127 = vector.broadcast %lt3A_126 : i32 to vector<16xi32>
        %lt3A_128 = arith.cmpi slt, %rem3A_122, %lt3A_127 : vector<16xi32>
        %lt3A_129 = arith.constant 0 : i32
        %lt3A_130 = arith.cmpi slt, %select_n3A_120, %lt3A_129 : i32
        %ne3A_131 = vector.broadcast %lt3A_130 : i1 to vector<16xi1>
        %ne3A_132 = vector.broadcast %ne3A_131 : vector<16xi1> to vector<16xi1>
        %ne3A_133 = arith.xori %lt3A_128, %ne3A_132 : vector<16xi1>
        %and3A_134 = arith.andi %ne3A_133, %ne3A_125 : vector<16xi1>
        %add3A_135 = vector.broadcast %select_n3A_120 : i32 to vector<16xi32>
        %add3A_136 = arith.addi %rem3A_122, %add3A_135 : vector<16xi32>
        %select_n3A_137 = arith.select %and3A_134, %add3A_136, %rem3A_122 : vector<16xi1>, vector<16xi32>
        %jit3A_138 = arith.constant 3 : i32
        %div3A_139 = vector.broadcast %jit3A_138 : i32 to vector<16xi32>
        %div3A_140 = arith.divsi %sub3A_116, %div3A_139 : vector<16xi32>
        %sign3A_141 = arith.constant 0 : i32
        %sign3A_142 = vector.broadcast %sign3A_141 : i32 to vector<16xi32>
        %sign3A_143 = arith.cmpi sgt, %sub3A_116, %sign3A_142 : vector<16xi32>
        %sign3A_144 = arith.extui %sign3A_143 : vector<16xi1> to vector<16xi32>
        %sign3A_145 = arith.constant 0 : i32
        %sign3A_146 = vector.broadcast %sign3A_145 : i32 to vector<16xi32>
        %sign3A_147 = arith.cmpi slt, %sub3A_116, %sign3A_146 : vector<16xi32>
        %sign3A_148 = arith.extui %sign3A_147 : vector<16xi1> to vector<16xi32>
        %sign3A_149 = arith.subi %sign3A_144, %sign3A_148 : vector<16xi32>
        %sign3A_150 = arith.constant 0 : i32
        %sign3A_151 = arith.cmpi sgt, %jit3A_138, %sign3A_150 : i32
        %sign3A_152 = arith.extui %sign3A_151 : i1 to i32
        %sign3A_153 = arith.constant 0 : i32
        %sign3A_154 = arith.cmpi slt, %jit3A_138, %sign3A_153 : i32
        %sign3A_155 = arith.extui %sign3A_154 : i1 to i32
        %sign3A_156 = arith.subi %sign3A_152, %sign3A_155 : i32
        %ne3A_157 = vector.broadcast %sign3A_156 : i32 to vector<16xi32>
        %ne3A_158 = arith.cmpi ne, %sign3A_149, %ne3A_157 : vector<16xi32>
        %rem3A_159 = vector.broadcast %jit3A_138 : i32 to vector<16xi32>
        %rem3A_160 = arith.remsi %sub3A_116, %rem3A_159 : vector<16xi32>
        %ne3A_161 = arith.constant 0 : i32
        %ne3A_162 = vector.broadcast %ne3A_161 : i32 to vector<16xi32>
        %ne3A_163 = arith.cmpi ne, %rem3A_160, %ne3A_162 : vector<16xi32>
        %and3A_164 = arith.andi %ne3A_158, %ne3A_163 : vector<16xi1>
        %sub3A_165 = arith.constant 1 : i32
        %sub3A_166 = vector.broadcast %sub3A_165 : i32 to vector<16xi32>
        %sub3A_167 = arith.subi %div3A_140, %sub3A_166 : vector<16xi32>
        %select_n3A_168 = arith.select %and3A_164, %sub3A_167, %div3A_140 : vector<16xi1>, vector<16xi32>
        %eq3A_169 = arith.constant 0 : i32
        %eq3A_170 = vector.broadcast %eq3A_169 : i32 to vector<16xi32>
        %eq3A_171 = arith.cmpi eq, %select_n3A_137, %eq3A_170 : vector<16xi32>
        %mul3A_172 = arith.constant 2 : i32
        %mul3A_173 = vector.broadcast %mul3A_172 : i32 to vector<16xi32>
        %mul3A_174 = arith.muli %mul3A_173, %select_n3A_168 : vector<16xi32>
        %eq3A_175 = arith.constant 1 : i32
        %eq3A_176 = vector.broadcast %eq3A_175 : i32 to vector<16xi32>
        %eq3A_177 = arith.cmpi eq, %select_n3A_137, %eq3A_176 : vector<16xi32>
        %mul3A_178 = arith.constant 2 : i32
        %mul3A_179 = vector.broadcast %mul3A_178 : i32 to vector<16xi32>
        %mul3A_180 = arith.muli %mul3A_179, %select_n3A_168 : vector<16xi32>
        %add3A_181 = arith.constant 1 : i32
        %add3A_182 = vector.broadcast %add3A_181 : i32 to vector<16xi32>
        %add3A_183 = arith.addi %mul3A_180, %add3A_182 : vector<16xi32>
        %add3A_184 = arith.constant 34 : i32
        %add3A_185 = vector.broadcast %add3A_184 : i32 to vector<16xi32>
        %add3A_186 = arith.addi %add3A_185, %select_n3A_168 : vector<16xi32>
        %select_n3A_187 = arith.select %eq3A_177, %add3A_183, %add3A_186 : vector<16xi1>, vector<16xi32>
        %select_n3A_188 = arith.select %eq3A_171, %mul3A_174, %select_n3A_187 : vector<16xi1>, vector<16xi32>
        %min3A = arith.constant 50 : i32
        %min3A_189 = vector.broadcast %min3A : i32 to vector<16xi32>
        %min3A_190 = arith.minsi %select_n3A_188, %min3A_189 : vector<16xi32>
        %gather3A = tpu.vector_load_idx %arg18[%select_n3A_112, %min3A_190] : memref<100x56xf32, #tpu.memory_space<vmem>>[vector<16xi32>, vector<16xi32>], vector<16xf32>,
        %eq3A_191 = arith.constant 0 : i32
        %eq3A_192 = vector.broadcast %eq3A_191 : i32 to vector<16xi32>
        %eq3A_193 = arith.cmpi eq, %select_n3A_137, %eq3A_192 : vector<16xi32>
        %eq3A_194 = arith.constant 1 : i32
        %eq3A_195 = vector.broadcast %eq3A_194 : i32 to vector<16xi32>
        %eq3A_196 = arith.cmpi eq, %select_n3A_137, %eq3A_195 : vector<16xi32>
        %jit3A_197 = arith.constant 1.000000e+00 : f32
        %broadcast_in_dim3A_198 = vector.broadcast %squeeze3A_68 : f32 to vector<16xf32>
        %broadcast_in_dim3A_199 = vector.broadcast %jit3A_197 : f32 to vector<16xf32>
        %select_n3A_200 = arith.select %eq3A_196, %broadcast_in_dim3A_198, %broadcast_in_dim3A_199 : vector<16xi1>, vector<16xf32>
        %broadcast_in_dim3A_201 = vector.broadcast %squeeze3A_66 : f32 to vector<16xf32>
        %select_n3A_202 = arith.select %eq3A_193, %broadcast_in_dim3A_201, %select_n3A_200 : vector<16xi1>, vector<16xf32>
        %eq3A_203 = arith.constant 51 : i32
        %eq3A_204 = vector.broadcast %eq3A_203 : i32 to vector<16xi32>
        %eq3A_205 = arith.cmpi eq, %sub3A_116, %eq3A_204 : vector<16xi32>
        %jit3A_206 = arith.constant 0.000000e+00 : f32
        %broadcast_in_dim3A_207 = vector.broadcast %jit3A_206 : f32 to vector<16xf32>
        %select_n3A_208 = arith.select %eq3A_205, %broadcast_in_dim3A_207, %select_n3A_202 : vector<16xi1>, vector<16xf32>
        %mul3A_209 = arith.mulf %gather3A, %select_n3A_208 : vector<16xf32>
        tpu.vector_store_idx %arg20[%select_n3A_112, %sub3A_116], %mul3A_209 : memref<100x52xf32, #tpu.memory_space<vmem>>[vector<16xi32>, vector<16xi32>], vector<16xf32>,
        %scan3A_210 = arith.constant 0 : i32
        scf.yield %scan3A_210 : i32
      }
      %scan3A_75 = arith.constant 325 : i32
      "tpu.region"() ({
        %run_scoped3A = tpu.sem_alloc : memref<!tpu.dma_semaphore, #tpu.memory_space<semaphore_mem>>
        %dma_start3A = arith.constant 0 : i32
        %dma_start3A_76 = tpu.memref_slice %arg8[%add3A, %dma_start3A] : memref<16x112xf32, #tpu.memory_space<hbm>> -> memref<1x112xf32, #tpu.memory_space<hbm>>
        %dma_start3A_77 = tpu.memref_squeeze %dma_start3A_76 : memref<1x112xf32, #tpu.memory_space<hbm>> -> memref<112xf32, #tpu.memory_space<hbm>>
        %dma_start3A_78 = arith.constant 0 : i32
        %dma_start3A_79 = tpu.memref_slice %arg8[%add3A, %dma_start3A_78] : memref<16x112xf32, #tpu.memory_space<hbm>> -> memref<1x112xf32, #tpu.memory_space<hbm>>
        %dma_start3A_80 = tpu.memref_squeeze %dma_start3A_79 : memref<1x112xf32, #tpu.memory_space<hbm>> -> memref<112xf32, #tpu.memory_space<hbm>>
        tpu.enqueue_dma source(%arg15 : memref<112xf32, #tpu.memory_space<vmem>>) target(%dma_start3A_80 : memref<112xf32, #tpu.memory_space<hbm>>) target_semaphore(%run_scoped3A : memref<!tpu.dma_semaphore, #tpu.memory_space<semaphore_mem>>)
        %dma_wait3A = arith.constant 0 : i32
        %dma_wait3A_81 = tpu.memref_slice %arg8[%add3A, %dma_wait3A] : memref<16x112xf32, #tpu.memory_space<hbm>> -> memref<1x112xf32, #tpu.memory_space<hbm>>
        %dma_wait3A_82 = tpu.memref_squeeze %dma_wait3A_81 : memref<1x112xf32, #tpu.memory_space<hbm>> -> memref<112xf32, #tpu.memory_space<hbm>>
        %dma_wait3A_83 = arith.constant 0 : i32
        %dma_wait3A_84 = tpu.memref_slice %arg8[%add3A, %dma_wait3A_83] : memref<16x112xf32, #tpu.memory_space<hbm>> -> memref<1x112xf32, #tpu.memory_space<hbm>>
        %dma_wait3A_85 = tpu.memref_squeeze %dma_wait3A_84 : memref<1x112xf32, #tpu.memory_space<hbm>> -> memref<112xf32, #tpu.memory_space<hbm>>
        tpu.wait_dma2 semaphore(%run_scoped3A : memref<!tpu.dma_semaphore, #tpu.memory_space<semaphore_mem>>) src(%arg15 : memref<112xf32, #tpu.memory_space<vmem>>) dst(%dma_wait3A_85 : memref<112xf32, #tpu.memory_space<hbm>>)
        tpu.yield
      }) : () -> ()
      "tpu.region"() ({
        %run_scoped3A = tpu.sem_alloc : memref<!tpu.dma_semaphore, #tpu.memory_space<semaphore_mem>>
        %dma_start3A = arith.constant 0 : i32
        %dma_start3A_76 = arith.constant 0 : i32
        %dma_start3A_77 = tpu.memref_slice %arg9[%add3A, %dma_start3A, %dma_start3A_76] : memref<16x100x4xf32, #tpu.memory_space<hbm>> -> memref<1x100x4xf32, #tpu.memory_space<hbm>>
        %dma_start3A_78 = tpu.memref_squeeze %dma_start3A_77 : memref<1x100x4xf32, #tpu.memory_space<hbm>> -> memref<100x4xf32, #tpu.memory_space<hbm>>
        %dma_start3A_79 = arith.constant 0 : i32
        %dma_start3A_80 = arith.constant 0 : i32
        %dma_start3A_81 = tpu.memref_slice %arg9[%add3A, %dma_start3A_79, %dma_start3A_80] : memref<16x100x4xf32, #tpu.memory_space<hbm>> -> memref<1x100x4xf32, #tpu.memory_space<hbm>>
        %dma_start3A_82 = tpu.memref_squeeze %dma_start3A_81 : memref<1x100x4xf32, #tpu.memory_space<hbm>> -> memref<100x4xf32, #tpu.memory_space<hbm>>
        tpu.enqueue_dma source(%arg19 : memref<100x4xf32, #tpu.memory_space<vmem>>) target(%dma_start3A_82 : memref<100x4xf32, #tpu.memory_space<hbm>>) target_semaphore(%run_scoped3A : memref<!tpu.dma_semaphore, #tpu.memory_space<semaphore_mem>>)
        %dma_wait3A = arith.constant 0 : i32
        %dma_wait3A_83 = arith.constant 0 : i32
        %dma_wait3A_84 = tpu.memref_slice %arg9[%add3A, %dma_wait3A, %dma_wait3A_83] : memref<16x100x4xf32, #tpu.memory_space<hbm>> -> memref<1x100x4xf32, #tpu.memory_space<hbm>>
        %dma_wait3A_85 = tpu.memref_squeeze %dma_wait3A_84 : memref<1x100x4xf32, #tpu.memory_space<hbm>> -> memref<100x4xf32, #tpu.memory_space<hbm>>
        %dma_wait3A_86 = arith.constant 0 : i32
        %dma_wait3A_87 = arith.constant 0 : i32
        %dma_wait3A_88 = tpu.memref_slice %arg9[%add3A, %dma_wait3A_86, %dma_wait3A_87] : memref<16x100x4xf32, #tpu.memory_space<hbm>> -> memref<1x100x4xf32, #tpu.memory_space<hbm>>
        %dma_wait3A_89 = tpu.memref_squeeze %dma_wait3A_88 : memref<1x100x4xf32, #tpu.memory_space<hbm>> -> memref<100x4xf32, #tpu.memory_space<hbm>>
        tpu.wait_dma2 semaphore(%run_scoped3A : memref<!tpu.dma_semaphore, #tpu.memory_space<semaphore_mem>>) src(%arg19 : memref<100x4xf32, #tpu.memory_space<vmem>>) dst(%dma_wait3A_89 : memref<100x4xf32, #tpu.memory_space<hbm>>)
        tpu.yield
      }) : () -> ()
      "tpu.region"() ({
        %run_scoped3A = tpu.sem_alloc : memref<!tpu.dma_semaphore, #tpu.memory_space<semaphore_mem>>
        %dma_start3A = arith.constant 0 : i32
        %dma_start3A_76 = arith.constant 0 : i32
        %dma_start3A_77 = tpu.memref_slice %arg10[%add3A, %dma_start3A, %dma_start3A_76] : memref<16x100x52xf32, #tpu.memory_space<hbm>> -> memref<1x100x52xf32, #tpu.memory_space<hbm>>
        %dma_start3A_78 = tpu.memref_squeeze %dma_start3A_77 : memref<1x100x52xf32, #tpu.memory_space<hbm>> -> memref<100x52xf32, #tpu.memory_space<hbm>>
        %dma_start3A_79 = arith.constant 0 : i32
        %dma_start3A_80 = arith.constant 0 : i32
        %dma_start3A_81 = tpu.memref_slice %arg10[%add3A, %dma_start3A_79, %dma_start3A_80] : memref<16x100x52xf32, #tpu.memory_space<hbm>> -> memref<1x100x52xf32, #tpu.memory_space<hbm>>
        %dma_start3A_82 = tpu.memref_squeeze %dma_start3A_81 : memref<1x100x52xf32, #tpu.memory_space<hbm>> -> memref<100x52xf32, #tpu.memory_space<hbm>>
        tpu.enqueue_dma source(%arg20 : memref<100x52xf32, #tpu.memory_space<vmem>>) target(%dma_start3A_82 : memref<100x52xf32, #tpu.memory_space<hbm>>) target_semaphore(%run_scoped3A : memref<!tpu.dma_semaphore, #tpu.memory_space<semaphore_mem>>)
        %dma_wait3A = arith.constant 0 : i32
        %dma_wait3A_83 = arith.constant 0 : i32
        %dma_wait3A_84 = tpu.memref_slice %arg10[%add3A, %dma_wait3A, %dma_wait3A_83] : memref<16x100x52xf32, #tpu.memory_space<hbm>> -> memref<1x100x52xf32, #tpu.memory_space<hbm>>
        %dma_wait3A_85 = tpu.memref_squeeze %dma_wait3A_84 : memref<1x100x52xf32, #tpu.memory_space<hbm>> -> memref<100x52xf32, #tpu.memory_space<hbm>>
        %dma_wait3A_86 = arith.constant 0 : i32
        %dma_wait3A_87 = arith.constant 0 : i32
        %dma_wait3A_88 = tpu.memref_slice %arg10[%add3A, %dma_wait3A_86, %dma_wait3A_87] : memref<16x100x52xf32, #tpu.memory_space<hbm>> -> memref<1x100x52xf32, #tpu.memory_space<hbm>>
        %dma_wait3A_89 = tpu.memref_squeeze %dma_wait3A_88 : memref<1x100x52xf32, #tpu.memory_space<hbm>> -> memref<100x52xf32, #tpu.memory_space<hbm>>
        tpu.wait_dma2 semaphore(%run_scoped3A : memref<!tpu.dma_semaphore, #tpu.memory_space<semaphore_mem>>) src(%arg20 : memref<100x52xf32, #tpu.memory_space<vmem>>) dst(%dma_wait3A_89 : memref<100x52xf32, #tpu.memory_space<hbm>>)
        tpu.yield
      }) : () -> ()
    } else {
    }
    return
  }
}

</mosaic_0001>

<sc_bundles>
// kernel: gather_offload_async_start
scs
__scs_entry_jumppad:
0x0: {  	(pc) =	sbr.rel $0x88, $3  }
0x1: {  	(tag) =	ssettag $0x0;
	lr =	simm.s32 $0x1  }
0x2: {  	[smem:$0x3F9D] =	sst lr;
	_ =	strace $0xD0000000  }
0x3: {  	_ = 	snop  }
0x4: {  	_ = 	snop  }
0x5: {  	_ = 	snop  }
0x6: {  	_ = 	snop  }
0x7: {  	_ = 	snop  }
__scs_overlays_trampoline_lowered:
0x8: {  	[smem:$0x3FAC] =	sst s0  }
0x9: {  	[smem:$0x3FAD] =	sst s1  }
0xa: {  	[smem:$0x3FAE] =	sst s2  }
0xb: {  	[smem:$0x3FAF] =	sst s3  }
0xc: {  	[smem:$0x3FB0] =	sst s4  }
0xd: {  	[smem:$0x3FB1] =	sst s5  }
0xe: {  	[smem:$0x3FB2] =	sst s6  }
0xf: {  	[smem:$0x3FB3] =	sst s7  }
0x10: {  	[smem:$0x3FB4] =	sst s8  }
0x11: {  	[smem:$0x3FB5] =	sst s9;
	s0 =	simm.s32 @!p0 $0x0  }
0x12: {  	s1 =	sld [smem:$0x3F9B];
	s0 =	simm.s32 @p0 $0x1  }
0x13: {  	[smem:$0x3FB6] =	sst s0;
	s0 =	simm.s32 @!p1 $0x0  }
0x14: {  	s2 =	sld [smem:$0x3F9A];
	s0 =	simm.s32 @p1 $0x1  }
0x15: {  	[smem:$0x3FB7] =	sst s0;
	s0 =	simm.s32 @!p2 $0x0  }
0x16: {  	s3 =	sld [smem:$0x3FDB];
	s0 =	simm.s32 @p2 $0x1  }
0x17: {  	s4 =	simm.s32 $0x1BF5;
	[smem:$0x3FB9] =	sst s0  }
0x18: {  	s0 =	sld [smem:$0x3F9C];
	_ =	swait.ge [sflag:s4], $0x0  }
0x19: {  	s7 =	sld [smem:$0x3F9D]  }
0x1a: {  	s8 =	sadd.s32 $0xFFFFE003, lr  }
0x1b: {  	s9 =	sadd.s32 $0xFFFFFEF7, lr;
	s5 =	simm.s32 $0xFFFFFFFF;
	p2 =	slt.u32 s8, $0xFFFFF086  }
0x1c: {  	p1 =	slt.u32 s9, $0xF7A;
	s5 =	simm.s32 @!p2 $0x0  }
0x1d: {  	s5 =	simm.s32 @p1 $0x1;
	p0 =	seq.s32 s7, s2  }
0x1e: {  	s7 =	smul.u32 @!p0 $0xF7A, s2;
	p2 =	seq.s32 @!p0 s5, $0x0  }
0x1f: {  	s9 =	smul.u32 $0xF7A, s1;
	s8 =	simm.s32 @!p0 $0x1BF5;
	p2 =	por !p2, p0  }
0x20: {  	[sflag:s8] =	ssyncset.s32 @!p0 $0xFFFFF086;
	s6 =	sadd.s32 @!p0 s3, s7;
	s7 =	simm.s32 @!p0 $0x108  }
0x21: {  	s3 =	sadd.s32 s3, s9;
	s6 =	sadd.s32 @!p0 $0x88, s6;
	s7 =	simm.s32 @p2 $0x1082  }
0x22: {  	[simem:s7], [sflag:s8] =	dma.local @!p0 [hbm:s6], $0xF7A  }
0x23: {  	s9 =	sor.u32 $0xD0000000, s2;
	s6 =	simm.s32 $0x108;
	_ =	swait.ge @!p0 [sflag:s8], $0x0  }
0x24: {  	s3 =	sadd.s32 $0x88, s3;
	s6 =	simm.s32 @!p1 $0x1082;
	[sflag:s4] =	ssyncset.s32 $0xFFFFF086  }
0x25: {  	[simem:s6], [sflag:s4] =	dma.local [hbm:s3], $0xF7A  }
0x26: {  	[smem:$0x3F9D] =	sst s1;
	(tag) =	ssettag s2;
	_ =	strace s9  }
0x27: {  	s1 =	sld [smem:$0x3FAD]  }
0x28: {  	s2 =	sld [smem:$0x3FAE]  }
0x29: {  	s4 =	sld [smem:$0x3FB0]  }
0x2a: {  	p0 =	seq.s32 s5, $0x0;
	s5 =	sld [smem:$0x3FB1]  }
0x2b: {  	s6 =	sld [smem:$0x3FB2]  }
0x2c: {  	s7 =	sld [smem:$0x3FB3]  }
0x2d: {  	s3 =	simm.s32 $0x108;
	s8 =	sld [smem:$0x3FB4]  }
0x2e: {  	s3 =	simm.s32 @!p0 $0x1082;
	s9 =	sld [smem:$0x3FB5]  }
0x2f: {  	lr =	sadd.s32 s0, s3;
	s0 =	sld [smem:$0x3FAC]  }
0x30: {  	s3 =	sld [smem:$0x3FAF]  }
0x31: {  	[smem:$0x3FB8] =	sst s10  }
0x32: {  	s10 =	sld [smem:$0x3FB6];
	_ =	sdelay $0x3  }
0x33: {  	p0 =	seq.s32 s10, $0x1;
	s10 =	sld [smem:$0x3FB8];
	_ =	sdelay $0x3  }
0x34: {  	[smem:$0x3FB8] =	sst s10  }
0x35: {  	s10 =	sld [smem:$0x3FB7];
	_ =	sdelay $0x3  }
0x36: {  	p1 =	seq.s32 s10, $0x1;
	s10 =	sld [smem:$0x3FB8];
	_ =	sdelay $0x3  }
0x37: {  	[smem:$0x3FB8] =	sst s10  }
0x38: {  	s10 =	sld [smem:$0x3FB9]  }
0x39: {  	_ = 	snop;
	(pc) =	sbr.ind lr, $3  }
0x3a: {  	_ = 	snop  }
0x3b: {  	_ = 	snop  }
0x3c: {  	p2 =	seq.s32 s10, $0x1;
	s10 =	sld [smem:$0x3FB8]  }
0x3d: {  	_ =	shalt  }
0x3e: {  	_ =	shalt  }
0x3f: {  	_ =	shalt  }
0x40: {  	_ =	shalt  }
0x41: {  	_ =	shalt  }
0x42: {  	_ =	shalt  }
0x43: {  	_ =	shalt  }
0x44: {  	_ =	shalt  }
0x45: {  	_ =	shalt  }
0x46: {  	_ =	shalt  }
0x47: {  	_ =	shalt  }
0x48: {  	_ =	shalt  }
0x49: {  	_ =	shalt  }
0x4a: {  	_ =	shalt  }
0x4b: {  	_ =	shalt  }
0x4c: {  	_ =	shalt  }
0x4d: {  	_ =	shalt  }
0x4e: {  	_ =	shalt  }
0x4f: {  	_ =	shalt  }
0x50: {  	_ =	shalt  }
0x51: {  	_ =	shalt  }
0x52: {  	_ =	shalt  }
0x53: {  	_ =	shalt  }
0x54: {  	_ =	shalt  }
0x55: {  	_ =	shalt  }
0x56: {  	_ =	shalt  }
0x57: {  	_ =	shalt  }
0x58: {  	_ =	shalt  }
0x59: {  	_ =	shalt  }
0x5a: {  	_ =	shalt  }
0x5b: {  	_ =	shalt  }
0x5c: {  	_ =	shalt  }
0x5d: {  	_ =	shalt  }
0x5e: {  	_ =	shalt  }
0x5f: {  	_ =	shalt  }
0x60: {  	_ =	shalt  }
0x61: {  	_ =	shalt  }
0x62: {  	_ =	shalt  }
0x63: {  	_ =	shalt  }
0x64: {  	_ =	shalt  }
0x65: {  	_ =	shalt  }
0x66: {  	_ =	shalt  }
0x67: {  	_ =	shalt  }
0x68: {  	_ =	shalt  }
0x69: {  	_ =	shalt  }
0x6a: {  	_ =	shalt  }
0x6b: {  	_ =	shalt  }
0x6c: {  	_ =	shalt  }
0x6d: {  	_ =	shalt  }
0x6e: {  	_ =	shalt  }
0x6f: {  	_ =	shalt  }
0x70: {  	_ =	shalt  }
0x71: {  	_ =	shalt  }
0x72: {  	_ =	shalt  }
0x73: {  	_ =	shalt  }
0x74: {  	_ =	shalt  }
0x75: {  	_ =	shalt  }
0x76: {  	_ =	shalt  }
0x77: {  	_ =	shalt  }
0x78: {  	_ =	shalt  }
0x79: {  	_ =	shalt  }
0x7a: {  	_ =	shalt  }
0x7b: {  	_ =	shalt  }
0x7c: {  	_ =	shalt  }
0x7d: {  	_ =	shalt  }
0x7e: {  	_ =	shalt  }
0x7f: {  	_ =	shalt  }
0x80: {  	_ =	shalt  }
0x81: {  	_ =	shalt  }
0x82: {  	_ =	shalt  }
0x83: {  	_ =	shalt  }
0x84: {  	_ =	shalt  }
0x85: {  	_ =	shalt  }
0x86: {  	_ =	shalt  }
0x87: {  	_ =	shalt  }
.Lfunc_end0:
.L_simem_size_0:
called_computation_lowered:
.L_overlay_start_0:
0x88: {  	s2 =	sld [smem:$0x3FD9]  }
0x89: {  	s3 =	sld [smem:$0x3FFE];
	_ =	sdelay $0x1  }
0x8a: {  	s1 =	srdreg.scid  }
0x8b: {  	s0 =	sand.u32 $0x1, s1  }
0x8c: {  	s14 =	sshll.u32 s0, $0xA;
	s2 =	sadd.s32 s3, s2  }
0x8d: {  	s2 =	sadd.s32 s2, s14  }
0x8e: {  	[smem:$0x3FC4] =	sst s2  }
0x8f: {  	_ = 	snop  }
0x90: {  	s2 =	sld [smem:$0x3FD0];
	_ =	sdelay $0x2  }
0x91: {  	s4 =	simm.s32 $0xA;
	s5 =	simm.s32 $0x10;
	s15 =	sld [smem:$0x3FC9]  }
0x92: {  	[smem:s5], [sflag:s4] =	dma.local [hbm:s2], $0x1  }
0x93: {  	_ =	swait.eq [sflag:s4], $0x1  }
0x94: {  	[sflag:s4] =	ssyncset.done $0x0  }
0x95: {  	[sflag:s4] =	ssyncadd.s32 $0xFFFFFFFF  }
0x96: {  	s16 =	sld [smem:$0x13];
	(tm) =	ssettm $0x1  }
0x97: {  	s17 =	sld [smem:$0x3FFB];
	_ =	sdelay $0x3  }
0x98: {  	_ =	strace s17  }
0x99: {  	s4 =	sld [smem:$0x3FFC];
	_ =	sdelay $0x3  }
0x9a: {  	_ =	strace s4  }
0x9b: {  	s4 =	sld [smem:$0x3FFD];
	_ =	sdelay $0x3  }
0x9c: {  	_ =	strace s4  }
0x9d: {  	_ =	strace $0x8FFFFFFF  }
0x9e: {  	s18 =	sld [smem:$0x3FDB];
	_ =	sdelay $0x1  }
0x9f: {  	s19 =	simm.s32 $_scs_section_size  }
0xa0: {  	s6 =	simm.s32 $_size__tile_overlayer_lowered;
	s7 =	simm.s32 $_tile_overlayer_lowered  }
0xa1: {  	s22 =	simm.s32 $0x1BFF;
	s21 =	sshll.u32 s7, $0x1;
	s4 =	sadd.s32 s19, s18  }
0xa2: {  	s8 =	simm.s32 $0x0;
	s20 =	sshll.u32 s6, $0x1;
	s6 =	sadd.s32 s21, s4  }
0xa3: {  	[timem:s8], [sflag:s22] =	dma.local [hbm:s6], s20  }
0xa4: {  	_ =	swait.ge [sflag:s22], s20  }
0xa5: {  	s5 =	ssub.s32 $0x0, s20;
	[sflag:s22] =	ssyncset.done $0x0  }
0xa6: {  	[sflag:s22] =	ssyncadd.s32 s5;
	_ =	sdelay $0x1  }
0xa7: {  	s23 =	simm.s32 $0x1B8B  }
0xa8: {  	_ =	swait.ge [sflag:s23], $0x1  }
0xa9: {  	[sflag:s23] =	ssyncset.done $0x0  }
0xaa: {  	s25 =	simm.s32 $0x1B8E;
	s24 =	sld [smem:$0x3FFE];
	[sflag:s23] =	ssyncadd.s32 $0xFFFFFFFF  }
0xab: {  	s26 =	simm.s32 $execute0_lowered;
	[smem:$0x3FD2] =	sst s25  }
0xac: {  	s6 =	sshll.u32 s26, $0x1;
	_ =	strace $0x80000049;
	[dreg:$0x1] =	wrdreg $0xFFFFFFFF  }
0xad: {  	s28 =	simm.s32 $_size_execute0_lowered;
	s4 =	sadd.s32 s4, s6;
	[dreg:$0x0] =	wrdreg $0x0  }
0xae: {  	s6 =	sshll.u32 s28, $0x1;
	[dreg:$0x2] =	wrdreg s4  }
0xaf: {  	[dreg:$0x3] =	wrdreg s6  }
0xb0: {  	[dreg:$0x4] =	wrdreg $0xC0  }
0xb1: {  	_ =	task [dreg:s8], $0x5FFFF  }
0xb2: {  	[dreg:$0x1] =	wrdreg $0xFFFFFFFF  }
0xb3: {  	[dreg:$0x0] =	wrdreg $0x60  }
0xb4: {  	[dreg:$0x2] =	wrdreg s15  }
0xb5: {  	[dreg:$0x3] =	wrdreg s24  }
0xb6: {  	[dreg:$0x4] =	wrdreg s16  }
0xb7: {  	[dreg:$0x5] =	wrdreg $0x9  }
0xb8: {  	_ =	task.clear_ibuf [dreg:s8], $0x6FFFF;
	_ =	strace $0x90000049  }
0xb9: {  	s29 =	simm.s32 $0x9;
	_ =	strace $0x8000004B  }
0xba: {  	_ =	swait.ge [sflag:s29], $0x1  }
0xbb: {  	[sflag:s29] =	ssyncadd.s32 $0xFFFFFFFF  }
0xbc: {  	_ =	strace $0x9000004B  }
0xbd: {  	_ =	sfence  }
0xbe: {  	s30 =	sld [smem:$0x0];
	_ =	sdelay $0x2  }
0xbf: {  	s31 =	sshll.u32 s1, $0xD;
	s1 =	sshrl.u32 s1, $0x2  }
0xc0: {  	s3 =	sand.u32 $0x4000, s31;
	s1 =	sadd.s32 s1, s30  }
0xc1: {  	s0 =	sor.u32 s3, s0;
	s1 =	sshll.u32 s1, $0x11  }
0xc2: {  	s0 =	sor.u32 s1, s0  }
0xc3: {  	s0 =	sadd.s32 $0x8F2B, s0  }
0xc4: {  	[sflag:s0] =	ssyncadd.remote.s32 $0x1  }
0xc5: {  	_ =	sfence.sel $0xFFFF  }
0xc6: {  	[dreg:$0x0] =	wrdreg $0xFFFFFFFF;
	(pc) =	sbr.abs _section_cstart, $3  }
0xc7: {  	[dreg:$0x1] =	wrdreg $0xFFFFFFFF  }
0xc8: {  	_ =	task.clear_ibuf [dreg:s8], $0x2FFFF;
	_ =	strace $0x9FFFFFFF  }
0xc9: {  	(tm) =	ssettm $0x7FFFFFFF  }
tec
execute0_lowered:
.L_overlay_start_1:
0x0: {  	(tag) =	ssettag $0x1  }
0x1: {  	s2 =	rddreg [dreg:$0x0]  }
0x2: {  	s7 =	rddreg [dreg:$0x1];
	s0 =	srdreg.scid  }
0x3: {  	s3 =	rddreg [dreg:$0x2];
	s1 =	stileid.u32;
	s6 =	simm.s32 $0x2  }
0x4: {  	s11 =	simm.s32 $0x3;
	s12 =	simm.s32 $0x0;
	s4 =	sshll.u32 s0, $0x9  }
0x5: {  	s0 =	rddreg [dreg:$0x3];
	s5 =	sshll.u32 s1, $0xA;
	s4 =	sand.u32 $0x200, s4  }
0x6: {  	_ =	strace $0x8000004A;
	s4 =	sor.u32 s5, s4;
	s5 =	simm.s32 $0x1  }
0x7: {  	s8 =	sshrl.u32 s4, $0x3;
	s9 =	ssub.s32 $0x4000, s4;
	[sflag:s5] =	ssyncpa.u1 $0x0  }
.Ltmp0:
0x8: {  	s10 =	sand.u32 $0x3E00, s9;
	[sflag:s6] =	ssyncpa.u1 $0x0;
	(pc) =	sbr.rel .LBB2_1-.Ltmp0, $4  }
0x9: {  	s9 =	sshrl.u32 s9, $0xE;
	p0 =	sne.s32 s10, $0x0;
	s10 =	simm.s32 $0x1  }
0xa: {  	s8 =	sadd.s32 s8, s7;
	[sflag:s11] =	ssyncpa.u1 $0x0;
	s10 =	simm.s32 @!p0 $0x0  }
0xb: {  	s8 =	sadd.s32 $0x1C00, s8;
	s11 =	simm.s32 $0x0;
	s7 =	sadd.s32 s10, s9  }
0xc: {  	vm0 =	vmmov $0xffff;
	p0 =	por $0x0, $0x0;
	s10 =	simm.s32 $0x0;
	s9 =	sadd.s32 $0x1, s7  }
.LBB2_4:
0xd: {  	v1 =	vshrl.u32 v0, $0x4  }
0xe: {  	vm1 =	veq.s32 v0, $0x80000000;
	v63 =	vand.u32 $0xF, v0;
	v1 =	vand.u32 $0x7FFF, v1  }
0xf: {  	v0 =	vmul.u32 $0x9D00, v63;
	v1 =	vsel vm1, $0xFFFFFFFF, v1  }
0x10: {  	v2 =	vshll.u32 v1, $0x1  }
0x11: {  	v0 =	vsel vm1, $0xFFFF6300, v0;
	v2 =	vand.u32 $0xFFFFFF00, v2  }
0x12: {  	v1 =	vand.u32 $0x7F, v1;
	v0 =	vadd.s32 v0, v2  }
0x13: {  	v0 =	vor.u32 v1, v0  }
0x14: {  	s14 =	sadd.s32 $0x20, s14  }
0x15: {  	s14 =	sand.u32 $0x300, s14  }
0x16: {  	s15 =	sand.u32 $0x70, s15;
	(ifvalue) =	ssetifvalue $0x7FFFFFFF;
	s14 =	sadd.s32 s14, s13;
	v1 =	vor.u32 $0x80, v0  }
0x17: {  	(ifvalue) =	ssetifvalue $0x7FFFFFFF;
	s14 =	sadd.s32 s15, s14  }
0x18: {  	[tilespmem:s14], [sflag:$0x1] =	stream.indirect_vreg.gather [hbm4b:s2+s10], $0x1, v0, vm0, $0x4038;
	[tilespmem:$0xC00] =	vst v63  }
0x19: {  	(ifvalue) =	ssetifvalue $0x7FFFFFFF  }
0x1a: {  	s30 =	sshll.u32 s12, $0x1;
	s14 =	sadd.s32 $0x80, s14;
	(ifvalue) =	ssetifvalue $0x7FFFFFFF  }
0x1b: {  	[tilespmem:s14], [sflag:$0x1] =	stream.indirect_vreg.gather [hbm4b:s2+s10], $0x1, v1, vm0, $0x4038;
	[tilespmem:$0xC00] =	vst v63  }
0x1c: {  	s31 =	sand.u32 $0x78, s12;
	s14 =	sand.u32 $0x7FFFFF00, s30  }
0x1d: {  	_ =	swait.ge [sflag:s5], $0x400;
	s12 =	sor.u32 s31, s14  }
0x1e: {  	[sflag:s5] =	ssyncset.done $0x0;
	s12 =	sshrl.u32 s12, $0x3  }
0x1f: {  	[sflag:s5] =	ssyncadd.s32 $0xFFFFFC00;
	s12 =	sadd.s32 s3, s12  }
0x20: {  	[hbm:s12] =	stream.linear.scatter [tilespmem:s13], [sflag:$0x3], $0x400, $0x38;
	[tilespmem:$0xC00] =	vst v63  }
.LBB2_5:
0x21: {  	p2 =	sne.s32 s11, s9  }
.Ltmp1:
0x22: {  	p1 =	slt.u32 s11, $0x2;
	(pc) =	sbr.rel @!p2 .LBB2_6-.Ltmp1, $4  }
0x23: {  	s12 =	simm.s32 @!p1 $0x3  }
0x24: {  	_ =	swait.ge @!p1 [sflag:s12], $0x400  }
0x25: {  	s13 =	sadd.s32 $0x1, s11;
	p0 =	por !p0, !p0;
	[sflag:s12] =	ssyncset.done @!p1 $0x0  }
0x26: {  	s11 =	smov.u32 s13;
	[sflag:s12] =	ssyncadd.s32 @!p1 $0xFFFFFC00;
	s12 =	smov.u32 s4  }
.LBB2_1:
0x27: {  	p1 =	sge.u32 s11, s7  }
0x28: {  	s13 =	sxor.u32 @!p1 $0xFFFFFFFF, s11  }
0x29: {  	s13 =	sshll.u32 @!p1 s13, $0x9  }
0x2a: {  	s31 =	sadd.s32 $0xFFFFFFFF, s11;
	s14 =	simm.s32 @!p1 $0x0;
	s13 =	sand.u32 @!p1 $0x200, s13  }
0x2b: {  	[tilespmem:s13], [sflag:$0x2] =	stream.linear.gather @!p1 [hbm4b:s8+s14], $0x200, $0x38;
	[tilespmem:$0xC00] =	vst v63  }
0x2c: {  	p1 =	sge.u32 s31, s7  }
.Ltmp2:
0x2d: {  	_ = 	snop;
	(pc) =	sbr.rel @p1 .LBB2_5-.Ltmp2, $1  }
0x2e: {  	_ =	sdelay $0x3  }
0x2f: {  	s13 =	simm.s32 $0x1;
	_ =	swait.ge [sflag:s6], $0x200  }
0x30: {  	s13 =	simm.s32 @!p0 $0x0;
	[sflag:s6] =	ssyncset.done $0x0  }
0x31: {  	s15 =	sshll.u32 s13, $0x9;
	[sflag:s6] =	ssyncadd.s32 $0xFFFFFE00  }
0x32: {  	v0 =	vld.msk [tilespmem:s15+$0x0 ss:$0x1], $0xffff;
	_ =	sdelay $0x4  }
0x33: {  	v1 =	vshrl.u32 v0, $0x4  }
0x34: {  	vm1 =	veq.s32 v0, $0x80000000;
	v0 =	vand.u32 $0xF, v0;
	v1 =	vand.u32 $0x7FFF, v1  }
0x35: {  	v0 =	vmul.u32 $0x9D00, v0;
	v1 =	vsel vm1, $0xFFFFFFFF, v1  }
0x36: {  	v2 =	vshll.u32 v1, $0x1  }
0x37: {  	v0 =	vsel vm1, $0xFFFF6300, v0;
	v2 =	vand.u32 $0xFFFFFF00, v2  }
0x38: {  	v1 =	vand.u32 $0x7F, v1;
	v0 =	vadd.s32 v0, v2  }
0x39: {  	s31 =	sand.u32 $0x1, s11;
	v0 =	vor.u32 v1, v0  }
0x3a: {  	s14 =	simm.s32 $0x0;
	s13 =	sshll.u32 s31, $0xA  }
0x3b: {  	s16 =	sand.u32 $0x300, s14;
	s13 =	sadd.s32 $0x400, s13  }
0x3c: {  	s17 =	sand.u32 $0x70, s14;
	(ifvalue) =	ssetifvalue $0x7FFFFFFF;
	s16 =	sadd.s32 s16, s13;
	v1 =	vor.u32 $0x80, v0  }
0x3d: {  	(ifvalue) =	ssetifvalue $0x7FFFFFFF;
	s16 =	sadd.s32 s17, s16  }
0x3e: {  	[tilespmem:s16], [sflag:$0x1] =	stream.indirect_vreg.gather [hbm4b:s2+s10], $0x1, v0, vm0, $0x4038;
	[tilespmem:$0xC00] =	vst v63  }
0x3f: {  	(ifvalue) =	ssetifvalue $0x7FFFFFFF  }
0x40: {  	s16 =	sadd.s32 $0x80, s16;
	(ifvalue) =	ssetifvalue $0x7FFFFFFF  }
0x41: {  	[tilespmem:s16], [sflag:$0x1] =	stream.indirect_vreg.gather [hbm4b:s2+s10], $0x1, v1, vm0, $0x4038;
	[tilespmem:$0xC00] =	vst v63  }
0x42: {  	s16 =	sadd.s32 $0x10, s15  }
0x43: {  	v0 =	vld.msk [tilespmem:s16+$0x0 ss:$0x1], $0xffff  }
0x44: {  	s17 =	simm.s32 $0x20;
	s15 =	simm.s32 $0x10  }
.LBB2_3:
0x45: {  	p1 =	sne.s32 s17, $0x1F0;
	_ =	sdelay $0x2  }
0x46: {  	v1 =	vshrl.u32 v0, $0x4  }
0x47: {  	vm1 =	veq.s32 v0, $0x80000000;
	v0 =	vand.u32 $0xF, v0;
	v1 =	vand.u32 $0x7FFF, v1  }
0x48: {  	v0 =	vmul.u32 $0x9D00, v0;
	v1 =	vsel vm1, $0xFFFFFFFF, v1  }
0x49: {  	v2 =	vshll.u32 v1, $0x1  }
0x4a: {  	v0 =	vsel vm1, $0xFFFF6300, v0;
	v2 =	vand.u32 $0xFFFFFF00, v2  }
0x4b: {  	v1 =	vand.u32 $0x7F, v1;
	v0 =	vadd.s32 v0, v2  }
0x4c: {  	v0 =	vor.u32 v1, v0  }
0x4d: {  	s14 =	sadd.s32 $0x20, s14  }
0x4e: {  	s18 =	sand.u32 $0x300, s14  }
0x4f: {  	s15 =	sand.u32 $0x70, s15;
	s18 =	sadd.s32 s18, s13;
	v1 =	vor.u32 $0x80, v0;
	(ifvalue) =	ssetifvalue $0x7FFFFFFF  }
0x50: {  	s18 =	sadd.s32 s15, s18;
	s15 =	smov.u32 s17;
	(ifvalue) =	ssetifvalue $0x7FFFFFFF  }
0x51: {  	[tilespmem:s18], [sflag:$0x1] =	stream.indirect_vreg.gather [hbm4b:s2+s10], $0x1, v0, vm0, $0x4038;
	[tilespmem:$0xC00] =	vst v63  }
0x52: {  	s16 =	sadd.s32 $0x10, s16;
	(ifvalue) =	ssetifvalue $0x7FFFFFFF  }
.Ltmp3:
0x53: {  	s18 =	sadd.s32 $0x80, s18;
	(ifvalue) =	ssetifvalue $0x7FFFFFFF;
	(pc) =	sbr.rel @p1 .LBB2_3-.Ltmp3, $3  }
0x54: {  	[tilespmem:s18], [sflag:$0x1] =	stream.indirect_vreg.gather [hbm4b:s2+s10], $0x1, v1, vm0, $0x4038;
	[tilespmem:$0xC00] =	vst v63  }
0x55: {  	v0 =	vld.msk [tilespmem:s16+$0x0 ss:$0x1], $0xffff;
	_ =	sdelay $0x1  }
0x56: {  	s17 =	sadd.s32 $0x10, s17  }
.Ltmp4:
0x57: {  	_ = 	snop;
	(pc) =	sbr.rel .LBB2_4-.Ltmp4, $1  }
0x58: {  	_ =	sdelay $0x3  }
.LBB2_6:
0x59: {  	_ =	sfence.sel $0x180000  }
0x5a: {  	s2 =	simm.s32 $0x2;
	[bflag:$0x0] =	sbarrier.arrive $0xFFFF  }
0x5b: {  	s30 =	simm.s32 $0x3;
	[sflag:s2] =	ssyncpa.u1 $0x1  }
0x5c: {  	s31 =	simm.s32 $0x1;
	[sflag:s30] =	ssyncpa.u1 $0x1  }
0x5d: {  	[sflag:s31] =	ssyncpa.u1 $0x1  }
0x5e: {  	p0 =	sne.s32 s1, $0x0;
	_ =	strace $0x9000004A  }
0x5f: {  	s0 =	sadd.s32 @!p0 $0x100000, s0;
	[bflag:$0x2] =	sbarrier.arrive $0xFFFF  }
0x60: {  	[sflag:s0] =	ssyncadd.tile.s32 @!p0 $0x1;
	_ =	shalt  }
.Lfunc_end2:
_tile_overlayer_lowered:
.L_overlay_start_2:
0x61: {  	(tag) =	ssettag $0x2  }
0x62: {  	s0 =	rddreg [dreg:$0x0];
	s2 =	stileid.u32  }
0x63: {  	s1 =	rddreg [dreg:$0x1];
	p0 =	sne.s32 s2, $0x0  }
0x64: {  	s3 =	rddreg [dreg:$0x2];
	[bflag:$0x3] =	sbarrier.arrive $0xFFFF;
	s2 =	simm.s32 @!p0 $0x1C01  }
0x65: {  	[timem:s3], [sflag:s2] =	dma.local @!p0 [hbm:s0], s1  }
0x66: {  	s0 =	simm.s32 @!p0 $0x1  }
0x67: {  	_ =	swait.ge @!p0 [sflag:s0], s1  }
0x68: {  	s1 =	ssub.s32 @!p0 $0x0, s1;
	[sflag:s0] =	ssyncset.done @!p0 $0x0  }
0x69: {  	[sflag:s0] =	ssyncadd.s32 @!p0 s1  }
0x6a: {  	[bflag:$0x3] =	sbarrier.arrive $0xFFFF  }
0x6b: {  	_ =	shalt  }

// kernel: kernel.4.cloned.1.call-start
scs
__scs_entry_jumppad:
0x0: {  	(pc) =	sbr.rel $0x88, $3  }
0x1: {  	(tag) =	ssettag $0x0;
	lr =	simm.s32 $0x1  }
0x2: {  	[smem:$0x3F9D] =	sst lr;
	_ =	strace $0xD0000000  }
0x3: {  	_ = 	snop  }
0x4: {  	_ = 	snop  }
0x5: {  	_ = 	snop  }
0x6: {  	_ = 	snop  }
0x7: {  	_ = 	snop  }
__scs_overlays_trampoline_lowered:
0x8: {  	[smem:$0x3FAC] =	sst s0  }
0x9: {  	[smem:$0x3FAD] =	sst s1  }
0xa: {  	[smem:$0x3FAE] =	sst s2  }
0xb: {  	[smem:$0x3FAF] =	sst s3  }
0xc: {  	[smem:$0x3FB0] =	sst s4  }
0xd: {  	[smem:$0x3FB1] =	sst s5  }
0xe: {  	[smem:$0x3FB2] =	sst s6  }
0xf: {  	[smem:$0x3FB3] =	sst s7  }
0x10: {  	[smem:$0x3FB4] =	sst s8  }
0x11: {  	[smem:$0x3FB5] =	sst s9;
	s0 =	simm.s32 @!p0 $0x0  }
0x12: {  	s1 =	sld [smem:$0x3F9B];
	s0 =	simm.s32 @p0 $0x1  }
0x13: {  	[smem:$0x3FB6] =	sst s0;
	s0 =	simm.s32 @!p1 $0x0  }
0x14: {  	s2 =	sld [smem:$0x3F9A];
	s0 =	simm.s32 @p1 $0x1  }
0x15: {  	[smem:$0x3FB7] =	sst s0;
	s0 =	simm.s32 @!p2 $0x0  }
0x16: {  	s3 =	sld [smem:$0x3FDB];
	s0 =	simm.s32 @p2 $0x1  }
0x17: {  	s4 =	simm.s32 $0x1BF5;
	[smem:$0x3FB9] =	sst s0  }
0x18: {  	s0 =	sld [smem:$0x3F9C];
	_ =	swait.ge [sflag:s4], $0x0  }
0x19: {  	s7 =	sld [smem:$0x3F9D]  }
0x1a: {  	s8 =	sadd.s32 $0xFFFFE003, lr  }
0x1b: {  	s9 =	sadd.s32 $0xFFFFFEF7, lr;
	s5 =	simm.s32 $0xFFFFFFFF;
	p2 =	slt.u32 s8, $0xFFFFF086  }
0x1c: {  	p1 =	slt.u32 s9, $0xF7A;
	s5 =	simm.s32 @!p2 $0x0  }
0x1d: {  	s5 =	simm.s32 @p1 $0x1;
	p0 =	seq.s32 s7, s2  }
0x1e: {  	s7 =	smul.u32 @!p0 $0xF7A, s2;
	p2 =	seq.s32 @!p0 s5, $0x0  }
0x1f: {  	s9 =	smul.u32 $0xF7A, s1;
	s8 =	simm.s32 @!p0 $0x1BF5;
	p2 =	por !p2, p0  }
0x20: {  	[sflag:s8] =	ssyncset.s32 @!p0 $0xFFFFF086;
	s6 =	sadd.s32 @!p0 s3, s7;
	s7 =	simm.s32 @!p0 $0x108  }
0x21: {  	s3 =	sadd.s32 s3, s9;
	s6 =	sadd.s32 @!p0 $0x88, s6;
	s7 =	simm.s32 @p2 $0x1082  }
0x22: {  	[simem:s7], [sflag:s8] =	dma.local @!p0 [hbm:s6], $0xF7A  }
0x23: {  	s9 =	sor.u32 $0xD0000000, s2;
	s6 =	simm.s32 $0x108;
	_ =	swait.ge @!p0 [sflag:s8], $0x0  }
0x24: {  	s3 =	sadd.s32 $0x88, s3;
	s6 =	simm.s32 @!p1 $0x1082;
	[sflag:s4] =	ssyncset.s32 $0xFFFFF086  }
0x25: {  	[simem:s6], [sflag:s4] =	dma.local [hbm:s3], $0xF7A  }
0x26: {  	[smem:$0x3F9D] =	sst s1;
	(tag) =	ssettag s2;
	_ =	strace s9  }
0x27: {  	s1 =	sld [smem:$0x3FAD]  }
0x28: {  	s2 =	sld [smem:$0x3FAE]  }
0x29: {  	s4 =	sld [smem:$0x3FB0]  }
0x2a: {  	p0 =	seq.s32 s5, $0x0;
	s5 =	sld [smem:$0x3FB1]  }
0x2b: {  	s6 =	sld [smem:$0x3FB2]  }
0x2c: {  	s7 =	sld [smem:$0x3FB3]  }
0x2d: {  	s3 =	simm.s32 $0x108;
	s8 =	sld [smem:$0x3FB4]  }
0x2e: {  	s3 =	simm.s32 @!p0 $0x1082;
	s9 =	sld [smem:$0x3FB5]  }
0x2f: {  	lr =	sadd.s32 s0, s3;
	s0 =	sld [smem:$0x3FAC]  }
0x30: {  	s3 =	sld [smem:$0x3FAF]  }
0x31: {  	[smem:$0x3FB8] =	sst s10  }
0x32: {  	s10 =	sld [smem:$0x3FB6];
	_ =	sdelay $0x3  }
0x33: {  	p0 =	seq.s32 s10, $0x1;
	s10 =	sld [smem:$0x3FB8];
	_ =	sdelay $0x3  }
0x34: {  	[smem:$0x3FB8] =	sst s10  }
0x35: {  	s10 =	sld [smem:$0x3FB7];
	_ =	sdelay $0x3  }
0x36: {  	p1 =	seq.s32 s10, $0x1;
	s10 =	sld [smem:$0x3FB8];
	_ =	sdelay $0x3  }
0x37: {  	[smem:$0x3FB8] =	sst s10  }
0x38: {  	s10 =	sld [smem:$0x3FB9]  }
0x39: {  	_ = 	snop;
	(pc) =	sbr.ind lr, $3  }
0x3a: {  	_ = 	snop  }
0x3b: {  	_ = 	snop  }
0x3c: {  	p2 =	seq.s32 s10, $0x1;
	s10 =	sld [smem:$0x3FB8]  }
0x3d: {  	_ =	shalt  }
0x3e: {  	_ =	shalt  }
0x3f: {  	_ =	shalt  }
0x40: {  	_ =	shalt  }
0x41: {  	_ =	shalt  }
0x42: {  	_ =	shalt  }
0x43: {  	_ =	shalt  }
0x44: {  	_ =	shalt  }
0x45: {  	_ =	shalt  }
0x46: {  	_ =	shalt  }
0x47: {  	_ =	shalt  }
0x48: {  	_ =	shalt  }
0x49: {  	_ =	shalt  }
0x4a: {  	_ =	shalt  }
0x4b: {  	_ =	shalt  }
0x4c: {  	_ =	shalt  }
0x4d: {  	_ =	shalt  }
0x4e: {  	_ =	shalt  }
0x4f: {  	_ =	shalt  }
0x50: {  	_ =	shalt  }
0x51: {  	_ =	shalt  }
0x52: {  	_ =	shalt  }
0x53: {  	_ =	shalt  }
0x54: {  	_ =	shalt  }
0x55: {  	_ =	shalt  }
0x56: {  	_ =	shalt  }
0x57: {  	_ =	shalt  }
0x58: {  	_ =	shalt  }
0x59: {  	_ =	shalt  }
0x5a: {  	_ =	shalt  }
0x5b: {  	_ =	shalt  }
0x5c: {  	_ =	shalt  }
0x5d: {  	_ =	shalt  }
0x5e: {  	_ =	shalt  }
0x5f: {  	_ =	shalt  }
0x60: {  	_ =	shalt  }
0x61: {  	_ =	shalt  }
0x62: {  	_ =	shalt  }
0x63: {  	_ =	shalt  }
0x64: {  	_ =	shalt  }
0x65: {  	_ =	shalt  }
0x66: {  	_ =	shalt  }
0x67: {  	_ =	shalt  }
0x68: {  	_ =	shalt  }
0x69: {  	_ =	shalt  }
0x6a: {  	_ =	shalt  }
0x6b: {  	_ =	shalt  }
0x6c: {  	_ =	shalt  }
0x6d: {  	_ =	shalt  }
0x6e: {  	_ =	shalt  }
0x6f: {  	_ =	shalt  }
0x70: {  	_ =	shalt  }
0x71: {  	_ =	shalt  }
0x72: {  	_ =	shalt  }
0x73: {  	_ =	shalt  }
0x74: {  	_ =	shalt  }
0x75: {  	_ =	shalt  }
0x76: {  	_ =	shalt  }
0x77: {  	_ =	shalt  }
0x78: {  	_ =	shalt  }
0x79: {  	_ =	shalt  }
0x7a: {  	_ =	shalt  }
0x7b: {  	_ =	shalt  }
0x7c: {  	_ =	shalt  }
0x7d: {  	_ =	shalt  }
0x7e: {  	_ =	shalt  }
0x7f: {  	_ =	shalt  }
0x80: {  	_ =	shalt  }
0x81: {  	_ =	shalt  }
0x82: {  	_ =	shalt  }
0x83: {  	_ =	shalt  }
0x84: {  	_ =	shalt  }
0x85: {  	_ =	shalt  }
0x86: {  	_ =	shalt  }
0x87: {  	_ =	shalt  }
.Lfunc_end0:
.L_simem_size_0:
called_computation.1_lowered:
.L_overlay_start_0:
0x88: {  	s2 =	sld [smem:$0x3FD9]  }
0x89: {  	s3 =	sld [smem:$0x3FFE];
	_ =	sdelay $0x1  }
0x8a: {  	s1 =	srdreg.scid  }
0x8b: {  	s0 =	sand.u32 $0x1, s1  }
0x8c: {  	s14 =	sshll.u32 s0, $0xA;
	s2 =	sadd.s32 s3, s2  }
0x8d: {  	s2 =	sadd.s32 s2, s14  }
0x8e: {  	[smem:$0x3FC4] =	sst s2  }
0x8f: {  	_ = 	snop  }
0x90: {  	s2 =	sld [smem:$0x3FD0];
	_ =	sdelay $0x2  }
0x91: {  	s15 =	simm.s32 $0xA;
	s4 =	simm.s32 $0x10  }
0x92: {  	[smem:s4], [sflag:s15] =	dma.local [hbm:s2], $0x1  }
0x93: {  	_ =	swait.eq [sflag:s15], $0x1  }
0x94: {  	[sflag:s15] =	ssyncset.done $0x0  }
0x95: {  	[sflag:s15] =	ssyncadd.s32 $0xFFFFFFFF  }
0x96: {  	s16 =	sld [smem:$0x11];
	(tm) =	ssettm $0x1  }
0x97: {  	s17 =	sld [smem:$0x3FFB];
	_ =	sdelay $0x3  }
0x98: {  	_ =	strace s17  }
0x99: {  	s3 =	sld [smem:$0x3FFC];
	_ =	sdelay $0x3  }
0x9a: {  	_ =	strace s3  }
0x9b: {  	s3 =	sld [smem:$0x3FFD];
	_ =	sdelay $0x3  }
0x9c: {  	_ =	strace s3  }
0x9d: {  	_ =	strace $0x8FFFFFFF  }
0x9e: {  	s18 =	sld [smem:$0x3FDB];
	_ =	sdelay $0x1  }
0x9f: {  	s19 =	simm.s32 $_scs_section_size  }
0xa0: {  	s5 =	simm.s32 $_size__tile_overlayer_lowered;
	s6 =	simm.s32 $_tile_overlayer_lowered  }
0xa1: {  	s22 =	simm.s32 $0x1BFF;
	s21 =	sshll.u32 s6, $0x1;
	s3 =	sadd.s32 s19, s18  }
0xa2: {  	s7 =	simm.s32 $0x0;
	s20 =	sshll.u32 s5, $0x1;
	s5 =	sadd.s32 s21, s3  }
0xa3: {  	[timem:s7], [sflag:s22] =	dma.local [hbm:s5], s20  }
0xa4: {  	_ =	swait.ge [sflag:s22], s20  }
0xa5: {  	s4 =	ssub.s32 $0x0, s20;
	[sflag:s22] =	ssyncset.done $0x0  }
0xa6: {  	[sflag:s22] =	ssyncadd.s32 s4;
	_ =	sdelay $0x1  }
0xa7: {  	s23 =	simm.s32 $0x1B8B  }
0xa8: {  	_ =	swait.ge [sflag:s23], $0x1  }
0xa9: {  	[sflag:s23] =	ssyncset.done $0x0  }
0xaa: {  	s25 =	simm.s32 $0x1B8E;
	s24 =	sld [smem:$0x3FFE];
	[sflag:s23] =	ssyncadd.s32 $0xFFFFFFFF  }
0xab: {  	s26 =	simm.s32 $execute0_lowered;
	[smem:$0x3FD2] =	sst s25  }
0xac: {  	s5 =	sshll.u32 s26, $0x1;
	_ =	strace $0x80000046;
	[dreg:$0x1] =	wrdreg $0xFFFFFFFF  }
0xad: {  	s28 =	simm.s32 $_size_execute0_lowered;
	s3 =	sadd.s32 s3, s5;
	[dreg:$0x0] =	wrdreg $0x0  }
0xae: {  	s5 =	sshll.u32 s28, $0x1;
	[dreg:$0x2] =	wrdreg s3  }
0xaf: {  	[dreg:$0x3] =	wrdreg s5  }
0xb0: {  	[dreg:$0x4] =	wrdreg $0xC0  }
0xb1: {  	_ =	task [dreg:s7], $0x5FFFF  }
0xb2: {  	[dreg:$0x1] =	wrdreg $0xFFFFFFFF  }
0xb3: {  	[dreg:$0x0] =	wrdreg $0x60  }
0xb4: {  	[dreg:$0x2] =	wrdreg s24  }
0xb5: {  	[dreg:$0x3] =	wrdreg s16  }
0xb6: {  	[dreg:$0x4] =	wrdreg $0x9  }
0xb7: {  	_ =	task.clear_ibuf [dreg:s7], $0x5FFFF;
	_ =	strace $0x90000046  }
0xb8: {  	s29 =	simm.s32 $0x9;
	_ =	strace $0x80000048  }
0xb9: {  	_ =	swait.ge [sflag:s29], $0x1  }
0xba: {  	[sflag:s29] =	ssyncadd.s32 $0xFFFFFFFF  }
0xbb: {  	_ =	strace $0x90000048  }
0xbc: {  	_ =	sfence  }
0xbd: {  	s30 =	sld [smem:$0x0];
	_ =	sdelay $0x2  }
0xbe: {  	s31 =	sshll.u32 s1, $0xD;
	s1 =	sshrl.u32 s1, $0x2  }
0xbf: {  	s3 =	sand.u32 $0x4000, s31;
	s1 =	sadd.s32 s1, s30  }
0xc0: {  	s0 =	sor.u32 s3, s0;
	s1 =	sshll.u32 s1, $0x11  }
0xc1: {  	s0 =	sor.u32 s1, s0  }
0xc2: {  	s0 =	sadd.s32 $0x8F2B, s0  }
0xc3: {  	[sflag:s0] =	ssyncadd.remote.s32 $0x1  }
0xc4: {  	_ =	sfence.sel $0xFFFF  }
0xc5: {  	[dreg:$0x0] =	wrdreg $0xFFFFFFFF;
	(pc) =	sbr.abs _section_cstart, $3  }
0xc6: {  	[dreg:$0x1] =	wrdreg $0xFFFFFFFF  }
0xc7: {  	_ =	task.clear_ibuf [dreg:s7], $0x2FFFF;
	_ =	strace $0x9FFFFFFF  }
0xc8: {  	(tm) =	ssettm $0x7FFFFFFF  }
0xc9: {  	_ =	shalt  }
tec
execute0_lowered:
.L_overlay_start_1:
0x0: {  	(tag) =	ssettag $0x1  }
0x1: {  	s1 =	stileid.u32  }
0x2: {  	p0 =	sgt.u32 s1, $0x7  }
.Ltmp0:
0x3: {  	_ = 	snop;
	(pc) =	sbr.rel @p0 .LBB2_15-.Ltmp0, $4  }
0x4: {  	s5 =	rddreg [dreg:$0x0]  }
0x5: {  	s7 =	rddreg [dreg:$0x1];
	s2 =	simm.s32 $0x0  }
0x6: {  	[smem:$0x7FF] =	sst s2  }
0x7: {  	s0 =	rddreg [dreg:$0x2];
	_ =	strace $0x80000047  }
0x8: {  	s3 =	srdreg.scid;
	s28 =	sshll.u32 s1, $0x1  }
0x9: {  	s8 =	sshrl.u32 s1, $0x2;
	s11 =	simm.s32 $0x6400;
	s12 =	simm.s32 $0x16480  }
0xa: {  	s13 =	simm.s32 $0x2;
	s14 =	simm.s32 $0x18480;
	s15 =	simm.s32 $0x80  }
0xb: {  	s16 =	simm.s32 $0x400;
	s17 =	simm.s32 $0x3;
	s6 =	sand.u32 $0x1, s3  }
0xc: {  	s18 =	simm.s32 $0x18880;
	s19 =	simm.s32 $0x0;
	s3 =	sor.u32 s6, s28  }
0xd: {  	s9 =	sshll.u32 s8, $0xD;
	s8 =	sshll.u32 s8, $0xA;
	s4 =	sshll.u32 s3, $0x7  }
0xe: {  	s29 =	ssub.s32 $0x2, s6;
	s3 =	smul.u32 $0x271000, s3;
	s10 =	sand.u32 $0x380, s4  }
0xf: {  	s30 =	sshrl.u32 s29, $0x1;
	s4 =	sor.u32 s9, s10;
	s8 =	sor.u32 s8, s10  }
0x10: {  	v0 =	vlaneseq.u32;
	s31 =	sshrl.u32 s3, $0x3;
	s10 =	simm.s32 $0x1;
	s9 =	sshrl.u32 s4, $0x3  }
0x11: {  	v5 =	vmul.u32 $0xFFFFFFFF, v0;
	s4 =	sadd.s32 $0x1C00, s5;
	s8 =	sshrl.u32 s8, $0x3;
	s9 =	sadd.s32 s9, s5  }
0x12: {  	v1 =	vimm.s32 $0x0;
	v4 =	vimm.s32 $0x1;
	s5 =	sadd.s32 $0xC800, s3;
	s6 =	sadd.s32 $0x4E3C00, s9;
	s9 =	ssub.s32 s29, s30  }
0x13: {  	v2 =	vmul.u32 $0x40, v0;
	v3 =	vand.u32 $0x1, v0;
	v5 =	vadd.s32 $0xF, v5;
	s7 =	sadd.s32 s7, s8;
	s8 =	sadd.s32 s4, s31;
	s9 =	smax.u32 s9, $0x1  }
.LBB2_2:
0x14: {  	s20 =	simm.s32 $0x40;
	s21 =	simm.s32 $0x0  }
.LBB2_3:
0x15: {  	p0 =	sne.s32 s20, $0x7FC0;
	[tilespmem:s21+$0x16480] =	vst v1;
	s21 =	smov.u32 s20;
	s20 =	sadd.s32 $0x40, s20  }
.Ltmp1:
0x16: {  	(pc) =	sbr.rel @p0 .LBB2_3-.Ltmp1, $2  }
0x17: {  	_ =	sdelay $0x2  }
0x18: {  	s21 =	sshra.s32 s21, $0x2  }
0x19: {  	s20 =	simm.s32 $0x0  }
0x1a: {  	[tilespmem:s21+$0x16480] =	vst v1;
	s21 =	simm.s32 $0xC800;
	s22 =	simm.s32 $0xC990;
	s23 =	simm.s32 $0x0  }
0x1b: {  	[tilespmem:s20], [sflag:$0x1] =	stream.linear.gather [hbm4b:s8+s20], $0x6400, $0x38;
	[tilespmem:$0x18900] =	vst v63  }
.LBB2_5:
0x1c: {  	v6 =	vmov s20  }
0x1d: {  	v6 =	vshll.u32 v6, $0x6  }
0x1e: {  	s24 =	sshllo.u32 s23, $0x1;
	v6 =	vor.u32 v2, v6  }
0x1f: {  	s24 =	smul.u32 $0x6400, s24;
	v6 =	vand.u32 $0x7F80, v6  }
0x20: {  	v6 =	vor.u32 v3, v6  }
0x21: {  	_ =	swait.ge [sflag:s10], $0x6400;
	s24 =	sadd.s32 s3, s24  }
0x22: {  	[sflag:s10] =	ssyncset.done $0x0;
	s24 =	sshrl.u32 s24, $0x3  }
0x23: {  	[sflag:s10] =	ssyncadd.s32 $0xFFFF9C00;
	s24 =	sadd.s32 s4, s24  }
0x24: {  	[tilespmem:s11], [sflag:$0x2] =	stream.linear.gather [hbm4b:s24+s20], $0x6400, $0x38;
	[tilespmem:$0x18900] =	vst v63  }
0x25: {  	v6 =	vld.idx.msk [tilespmem:v6+s2+$0x0], $0xffff;
	_ =	sdelay $0x4  }
0x26: {  	s30 =	simm.s32 $0x10;
	v7 =	vand.u32 $0x7FFFFFFF, v6  }
0x27: {  	v8 =	vmov s30;
	vm0 =	vlt.s32 v6, $0x0;
	v7 =	vxor.u32 $0xFFFFFFFF, v7  }
0x28: {  	v8 =	vshll.u32 v8, $0x6;
	v6 =	vsel vm0, v7, v6  }
0x29: {  	v7 =	vor.u32 v2, v8;
	v8 =	vshra.s32 v6, $0x13  }
0x2a: {  	v7 =	vand.u32 $0x7F80, v7;
	v8 =	vadd.s32 $0x1000, v8  }
0x2b: {  	v7 =	vor.u32 v3, v7;
	_ =	sdelay $0x2  }
0x2c: {  	[tilespmem:s21+$0x0] =	vst v6  }
0x2d: {  	[tilespmem:v8+s12+$0x0] =	vst.idx.add.s32.msk $0xffff, v4  }
0x2e: {  	v6 =	vld.idx.msk [tilespmem:v7+s2+$0x0], $0xffff;
	_ =	sdelay $0x4  }
0x2f: {  	s31 =	simm.s32 $0x20;
	v8 =	vand.u32 $0x7FFFFFFF, v6  }
0x30: {  	s25 =	simm.s32 $0x30;
	s24 =	smov.u32 s21;
	v7 =	vmov s31;
	vm0 =	vlt.s32 v6, $0x0;
	v8 =	vxor.u32 $0xFFFFFFFF, v8  }
.LBB2_6:
0x31: {  	p0 =	sne.s32 s25, $0x180;
	v7 =	vshll.u32 v7, $0x6;
	v6 =	vsel vm0, v8, v6;
	s24 =	sadd.s32 $0x10, s24  }
0x32: {  	v7 =	vor.u32 v2, v7;
	[tilespmem:s24+$0x0] =	vst v6;
	v6 =	vshra.s32 v6, $0x13  }
0x33: {  	v7 =	vand.u32 $0x7F80, v7;
	v6 =	vadd.s32 $0x1000, v6  }
0x34: {  	v7 =	vor.u32 v3, v7;
	_ =	sdelay $0x3  }
0x35: {  	[tilespmem:v6+s12+$0x0] =	vst.idx.add.s32.msk $0xffff, v4  }
0x36: {  	v6 =	vld.idx.msk [tilespmem:v7+s2+$0x0], $0xffff;
	_ =	sdelay $0x2  }
.Ltmp2:
0x37: {  	(pc) =	sbr.rel @p0 .LBB2_6-.Ltmp2, $3  }
0x38: {  	_ =	sdelay $0x1  }
0x39: {  	v8 =	vand.u32 $0x7FFFFFFF, v6  }
0x3a: {  	v7 =	vmov s25;
	s25 =	sadd.s32 $0x10, s25;
	vm0 =	vlt.s32 v6, $0x0;
	v8 =	vxor.u32 $0xFFFFFFFF, v8  }
0x3b: {  	v7 =	vshll.u32 v7, $0x6;
	v6 =	vsel vm0, v8, v6  }
0x3c: {  	v7 =	vor.u32 v2, v7;
	v8 =	vshra.s32 v6, $0x13  }
0x3d: {  	v7 =	vand.u32 $0x7F80, v7;
	v8 =	vadd.s32 $0x1000, v8  }
0x3e: {  	v7 =	vor.u32 v3, v7;
	_ =	sdelay $0x1  }
0x3f: {  	s24 =	sadd.s32 $0x10, s24  }
0x40: {  	[tilespmem:s24+$0x0] =	vst v6  }
0x41: {  	[tilespmem:v8+s12+$0x0] =	vst.idx.add.s32.msk $0xffff, v4  }
0x42: {  	v6 =	vld.idx.msk [tilespmem:v7+s2+$0x0], $0xffff;
	_ =	sdelay $0x4  }
0x43: {  	v7 =	vand.u32 $0x7FFFFFFF, v6  }
0x44: {  	vm0 =	vlt.s32 v6, $0x0;
	v7 =	vxor.u32 $0xFFFFFFFF, v7  }
0x45: {  	v6 =	vsel vm0, v7, v6  }
0x46: {  	v7 =	vshra.s32 v6, $0x13  }
0x47: {  	s25 =	simm.s32 $0x0;
	v7 =	vadd.s32 $0x1000, v7  }
0x48: {  	v8 =	vmov s25  }
0x49: {  	v8 =	vshll.u32 v8, $0x6  }
0x4a: {  	p0 =	seq.s32 s23, $0x31;
	s24 =	sadd.s32 $0x10, s24;
	v8 =	vor.u32 v2, v8  }
0x4b: {  	[tilespmem:s24+$0x0] =	vst v6;
	s24 =	smul.u32 @!p0 $0xC800, s23;
	v6 =	vand.u32 $0x7F80, v8  }
0x4c: {  	v6 =	vor.u32 v3, v6;
	[tilespmem:v7+s12+$0x0] =	vst.idx.add.s32.msk $0xffff, v4  }
0x4d: {  	s24 =	sadd.s32 @!p0 s24, s5;
	_ =	swait.ge [sflag:s13], $0x6400  }
0x4e: {  	s24 =	sshrl.u32 @!p0 s24, $0x3;
	[sflag:s13] =	ssyncset.done $0x0  }
0x4f: {  	s25 =	simm.s32 @!p0 $0x0;
	s24 =	sadd.s32 @!p0 s4, s24;
	[sflag:s13] =	ssyncadd.s32 $0xFFFF9C00  }
0x50: {  	[tilespmem:s25], [sflag:$0x1] =	stream.linear.gather @!p0 [hbm4b:s24+s25], $0x6400, $0x38;
	[tilespmem:$0x18900] =	vst v63  }
0x51: {  	v6 =	vld.idx.msk [tilespmem:v6+s11+$0x0], $0xffff;
	_ =	sdelay $0x4  }
0x52: {  	s30 =	simm.s32 $0x10;
	v7 =	vand.u32 $0x7FFFFFFF, v6  }
0x53: {  	v8 =	vmov s30;
	vm0 =	vlt.s32 v6, $0x0;
	v7 =	vxor.u32 $0xFFFFFFFF, v7  }
0x54: {  	v8 =	vshll.u32 v8, $0x6;
	v6 =	vsel vm0, v7, v6  }
0x55: {  	v7 =	vor.u32 v2, v8;
	v8 =	vshra.s32 v6, $0x13  }
0x56: {  	v7 =	vand.u32 $0x7F80, v7;
	v8 =	vadd.s32 $0x1000, v8  }
0x57: {  	v7 =	vor.u32 v3, v7;
	_ =	sdelay $0x2  }
0x58: {  	[tilespmem:s22+$0x0] =	vst v6  }
0x59: {  	[tilespmem:v8+s12+$0x0] =	vst.idx.add.s32.msk $0xffff, v4  }
0x5a: {  	v6 =	vld.idx.msk [tilespmem:v7+s11+$0x0], $0xffff;
	_ =	sdelay $0x4  }
0x5b: {  	s31 =	simm.s32 $0x20;
	v8 =	vand.u32 $0x7FFFFFFF, v6  }
0x5c: {  	s25 =	simm.s32 $0x30;
	s24 =	smov.u32 s22;
	v7 =	vmov s31;
	vm0 =	vlt.s32 v6, $0x0;
	v8 =	vxor.u32 $0xFFFFFFFF, v8  }
.LBB2_8:
0x5d: {  	p0 =	sne.s32 s25, $0x180;
	v7 =	vshll.u32 v7, $0x6;
	v6 =	vsel vm0, v8, v6;
	s24 =	sadd.s32 $0x10, s24  }
0x5e: {  	v7 =	vor.u32 v2, v7;
	[tilespmem:s24+$0x0] =	vst v6;
	v6 =	vshra.s32 v6, $0x13  }
0x5f: {  	v7 =	vand.u32 $0x7F80, v7;
	v6 =	vadd.s32 $0x1000, v6  }
0x60: {  	v7 =	vor.u32 v3, v7;
	_ =	sdelay $0x3  }
0x61: {  	[tilespmem:v6+s12+$0x0] =	vst.idx.add.s32.msk $0xffff, v4  }
0x62: {  	v6 =	vld.idx.msk [tilespmem:v7+s11+$0x0], $0xffff;
	_ =	sdelay $0x2  }
.Ltmp3:
0x63: {  	(pc) =	sbr.rel @p0 .LBB2_8-.Ltmp3, $3  }
0x64: {  	_ =	sdelay $0x1  }
0x65: {  	v8 =	vand.u32 $0x7FFFFFFF, v6  }
0x66: {  	v7 =	vmov s25;
	s25 =	sadd.s32 $0x10, s25;
	vm0 =	vlt.s32 v6, $0x0;
	v8 =	vxor.u32 $0xFFFFFFFF, v8  }
0x67: {  	v7 =	vshll.u32 v7, $0x6;
	v6 =	vsel vm0, v8, v6  }
0x68: {  	v7 =	vor.u32 v2, v7;
	v8 =	vshra.s32 v6, $0x13  }
0x69: {  	v7 =	vand.u32 $0x7F80, v7;
	v8 =	vadd.s32 $0x1000, v8  }
0x6a: {  	v7 =	vor.u32 v3, v7;
	_ =	sdelay $0x1  }
0x6b: {  	s24 =	sadd.s32 $0x10, s24  }
0x6c: {  	[tilespmem:s24+$0x0] =	vst v6  }
0x6d: {  	[tilespmem:v8+s12+$0x0] =	vst.idx.add.s32.msk $0xffff, v4  }
0x6e: {  	v6 =	vld.idx.msk [tilespmem:v7+s11+$0x0], $0xffff;
	_ =	sdelay $0x4  }
0x6f: {  	v7 =	vand.u32 $0x7FFFFFFF, v6  }
0x70: {  	vm15 =	vlt.s32 v6, $0x0;
	v7 =	vxor.u32 $0xFFFFFFFF, v7  }
0x71: {  	v6 =	vsel vm15, v7, v6  }
0x72: {  	s23 =	sadd.s32 $0x1, s23;
	v7 =	vshra.s32 v6, $0x13  }
0x73: {  	p0 =	sne.s32 s23, $0x32;
	v7 =	vadd.s32 $0x1000, v7  }
.Ltmp4:
0x74: {  	_ = 	snop;
	(pc) =	sbr.rel @p0 .LBB2_5-.Ltmp4, $4  }
0x75: {  	_ = 	snop  }
0x76: {  	s24 =	sadd.s32 $0x10, s24  }
0x77: {  	[tilespmem:s24+$0x0] =	vst v6  }
0x78: {  	s21 =	sadd.s32 $0x320, s21;
	s22 =	sadd.s32 $0x320, s22;
	[tilespmem:v7+s12+$0x0] =	vst.idx.add.s32.msk $0xffff, v4  }
0x79: {  	s20 =	simm.s32 $0x0;
	s21 =	simm.s32 $0x80001FEF  }
0x7a: {  	s22 =	simm.s32 $0x18470;
	s23 =	simm.s32 $0x0;
	s24 =	simm.s32 $0x0  }
.LBB2_11:
0x7b: {  	v6 =	vld [tilespmem:s22+$0x0];
	_ =	sdelay $0x4  }
0x7c: {  	v7 =	vperm.xlane v6, v5;
	_ =	sdelay $0x1  }
0x7d: {  	(xrf0) =	vadd.scan.msk.s32 $0xffff, v7;
	_ =	sdelay $0x5  }
0x7e: {  	v7, _, _ =	vpop (xrf0)  }
0x7f: {  	v7 =	vadd.s32 s24, v7  }
0x80: {  	vm0 =	vgt.s32 v7, $0x63  }
0x81: {  	v7 =	vmpcnt.ones.xlane vm0;
	_ =	sdelay $0x1  }
0x82: {  	v7 =	vxor.u32 $0x80000000, v7  }
0x83: {  	(xrf0) =	vmax.scan.msk.u32 $0xffff, v7;
	_ =	sdelay $0x5  }
0x84: {  	(xrf0) =	vadd.scan.msk.s32 $0xffff, v6;
	v6, _, _ =	vpop (xrf0)  }
0x85: {  	(v2sf) =	vpush v6, $0xF;
	_ =	sdelay $0x5  }
0x86: {  	v6, _, _ =	vpop (xrf0)  }
0x87: {  	(v2sf) =	vpush v6, $0xF;
	_ =	sdelay $0x7  }
0x88: {  	s25 =	spop (v2sf)  }
0x89: {  	p1 =	seq.s32 s23, $0x0;
	s26 =	sxor.u32 $0x80000000, s25  }
0x8a: {  	s25 =	sadd.s32 s21, s25;
	p0 =	sgt.s32 s26, $0x0;
	s26 =	smov.u32 s20  }
0x8b: {  	s26 =	smov.u32 @p0 s25;
	s23 =	simm.s32 @p0 $0x1;
	p0 =	sne.s32 s21, $0x7FFFFFFF  }
.Ltmp5:
0x8c: {  	_ = 	snop;
	(pc) =	sbr.rel @p0 .LBB2_11-.Ltmp5, $3  }
0x8d: {  	_ =	sdelay $0x1  }
0x8e: {  	s22 =	sadd.s32 $0xFFFFFFF0, s22;
	s31 =	spop (v2sf)  }
0x8f: {  	s24 =	sadd.s32 s24, s31;
	s21 =	sadd.s32 $0xFFFFFFF0, s21;
	s20 =	smov.u32 @p1 s26  }
0x90: {  	s20 =	sadd.s32 $0xFFFFFFFF, s20;
	s21 =	simm.s32 $0xC800  }
0x91: {  	p0 =	sgt.s32 s20, $0x0;
	v7 =	vld [tilespmem:s21+$0x0]  }
0x92: {  	s20 =	simm.s32 @!p0 $0x0  }
0x93: {  	s20 =	sshll.u32 s20, $0x13  }
0x94: {  	s20 =	sxor.u32 $0x80000000, s20  }
0x95: {  	v6 =	vmov s20  }
0x96: {  	vm0 =	vge.s32 v7, v6  }
0x97: {  	v7 =	vsel vm0, $0x1, v1  }
0x98: {  	(xrf0) =	vadd.scan.msk.s32 $0xffff, v7;
	_ =	sdelay $0x1  }
0x99: {  	s20 =	simm.s32 $0x0  }
0x9a: {  	v7 =	vmov s20  }
0x9b: {  	v7 =	vadd.s32 $0xFFFFFFFF, v7  }
0x9c: {  	v7 =	vbroadcast v7, $0x0  }
0x9d: {  	v8, _, _ =	vpop (xrf0)  }
0x9e: {  	v7 =	vadd.s32 v8, v7;
	v8 =	vxor.u32 $0x80000000, v8  }
0x9f: {  	(xrf0) =	vmax.scan.msk.u32 $0xffff, v8;
	_ =	sdelay $0x3  }
0xa0: {  	vm1 =	vlt.s32 v7, $0x3F0  }
0xa1: {  	vm0 =	vmand vm0, vm1  }
0xa2: {  	v9, _, _ =	vpop (xrf0)  }
0xa3: {  	(v2sf) =	vpush v9, $0xF;
	_ =	sdelay $0x2  }
0xa4: {  	v8 =	vor.u32 s20, v0  }
0xa5: {  	s22 =	simm.s32 $0xC810;
	[tilespmem:v7+s14+$0x0] =	vst.idx.msk vm0, v8  }
0xa6: {  	s23 =	simm.s32 $0x20;
	s21 =	simm.s32 $0x10;
	v7 =	vld [tilespmem:s22+$0x0]  }
.LBB2_13:
0xa7: {  	p0 =	sne.s32 s23, $0x9C30;
	_ =	sdelay $0x3  }
0xa8: {  	vm0 =	vge.s32 v7, v6  }
0xa9: {  	v7 =	vsel vm0, $0x1, v1  }
0xaa: {  	(xrf0) =	vadd.scan.msk.s32 $0xffff, v7;
	_ =	sdelay $0x2  }
0xab: {  	s24 =	spop (v2sf)  }
0xac: {  	s20 =	sadd.s32 s24, s20  }
0xad: {  	s20 =	sadd.s32 $0x80000000, s20  }
0xae: {  	v7 =	vmov s20;
	v8, _, _ =	vpop (xrf0)  }
0xaf: {  	v7 =	vadd.s32 $0xFFFFFFFF, v7;
	v9 =	vxor.u32 $0x80000000, v8  }
0xb0: {  	v7 =	vbroadcast v7, $0x0;
	(xrf0) =	vmax.scan.msk.u32 $0xffff, v9;
	_ =	sdelay $0x1  }
0xb1: {  	v7 =	vadd.s32 v8, v7  }
0xb2: {  	vm1 =	vlt.s32 v7, $0x3F0  }
0xb3: {  	vm0 =	vmand vm0, vm1;
	_ =	sdelay $0x1  }
0xb4: {  	v8, _, _ =	vpop (xrf0)  }
0xb5: {  	(v2sf) =	vpush v8, $0xF  }
.Ltmp6:
0xb6: {  	(pc) =	sbr.rel @p0 .LBB2_13-.Ltmp6, $4  }
0xb7: {  	v8 =	vor.u32 s21, v0;
	s21 =	smov.u32 s23  }
0xb8: {  	[tilespmem:v7+s14+$0x0] =	vst.idx.msk vm0, v8  }
0xb9: {  	s22 =	sadd.s32 $0x10, s22  }
0xba: {  	s23 =	sadd.s32 $0x10, s23;
	v7 =	vld [tilespmem:s22+$0x0]  }
0xbb: {  	_ =	sdelay $0x3  }
0xbc: {  	vm0 =	vge.s32 v7, v6  }
0xbd: {  	v6 =	vsel vm0, $0x1, v1  }
0xbe: {  	(xrf0) =	vadd.scan.msk.s32 $0xffff, v6;
	_ =	sdelay $0x5  }
0xbf: {  	v6, _, _ =	vpop (xrf0)  }
0xc0: {  	v7 =	vxor.u32 $0x80000000, v6  }
0xc1: {  	(xrf0) =	vmax.scan.msk.u32 $0xffff, v7;
	_ =	sdelay $0x5  }
0xc2: {  	v7, _, _ =	vpop (xrf0)  }
0xc3: {  	(v2sf) =	vpush v7, $0xF;
	_ =	sdelay $0x4  }
0xc4: {  	s22 =	spop (v2sf)  }
0xc5: {  	s20 =	sadd.s32 s22, s20  }
0xc6: {  	s20 =	sadd.s32 $0x80000000, s20  }
0xc7: {  	v7 =	vmov s20  }
0xc8: {  	v7 =	vadd.s32 $0xFFFFFFFF, v7  }
0xc9: {  	v7 =	vbroadcast v7, $0x0;
	_ =	sdelay $0x1  }
0xca: {  	v6 =	vadd.s32 v6, v7  }
0xcb: {  	vm1 =	vlt.s32 v6, $0x3F0  }
0xcc: {  	vm0 =	vmand vm0, vm1  }
0xcd: {  	s31 =	spop (v2sf)  }
0xce: {  	s20 =	sadd.s32 s31, s20  }
0xcf: {  	s20 =	sadd.s32 $0x80000000, s20  }
0xd0: {  	p0 =	slt.s32 s20, $0x3F0  }
0xd1: {  	v7 =	vor.u32 s21, v0;
	s20 =	simm.s32 @!p0 $0x3F0  }
0xd2: {  	[tilespmem:v6+s14+$0x0] =	vst.idx.msk vm0, v7;
	v6 =	vmov s20  }
0xd3: {  	[tilespmem:$0x18880] =	vst v6  }
0xd4: {  	[hbm4b:s6+s15] =	stream.strided.scatter [tilespmem:s14], [sflag:$0x3], $0x400, s16, s15, $0x38;
	[tilespmem:$0x18900] =	vst v63  }
0xd5: {  	s19 =	sadd.s32 $0x1, s19;
	_ =	swait.ge [sflag:s17], $0x400  }
0xd6: {  	p0 =	sne.s32 s19, s9;
	[sflag:s17] =	ssyncset.done $0x0  }
.Ltmp7:
0xd7: {  	[sflag:s17] =	ssyncadd.s32 $0xFFFFFC00;
	(pc) =	sbr.rel @p0 .LBB2_2-.Ltmp7, $4  }
0xd8: {  	[hbm4b:s7+s2] =	stream.linear.scatter [tilespmem:s18], [sflag:$0x3], $0x80, $0x38;
	[tilespmem:$0x18900] =	vst v63  }
0xd9: {  	_ =	swait.ge [sflag:s17], $0x80  }
0xda: {  	[sflag:s17] =	ssyncset.done $0x0  }
0xdb: {  	[sflag:s17] =	ssyncadd.s32 $0xFFFFFF80  }
.LBB2_15:
0xdc: {  	_ =	sfence.sel $0x180000  }
0xdd: {  	[bflag:$0x0] =	sbarrier.arrive $0xFFFF  }
0xde: {  	p0 =	sne.s32 s1, $0x0;
	_ =	strace $0x90000047  }
0xdf: {  	s0 =	sadd.s32 @!p0 $0x100000, s0;
	[bflag:$0x2] =	sbarrier.arrive $0xFFFF  }
0xe0: {  	[sflag:s0] =	ssyncadd.tile.s32 @!p0 $0x1;
	_ =	shalt  }
.Lfunc_end2:
_tile_overlayer_lowered:
.L_overlay_start_2:
0xe1: {  	(tag) =	ssettag $0x2  }
0xe2: {  	s0 =	rddreg [dreg:$0x0];
	s2 =	stileid.u32  }
0xe3: {  	s1 =	rddreg [dreg:$0x1];
	p0 =	sne.s32 s2, $0x0  }
0xe4: {  	s3 =	rddreg [dreg:$0x2];
	[bflag:$0x3] =	sbarrier.arrive $0xFFFF;
	s2 =	simm.s32 @!p0 $0x1C03  }
0xe5: {  	[timem:s3], [sflag:s2] =	dma.local @!p0 [hbm:s0], s1  }
0xe6: {  	s0 =	simm.s32 @!p0 $0x3  }
0xe7: {  	_ =	swait.ge @!p0 [sflag:s0], s1  }
0xe8: {  	s1 =	ssub.s32 @!p0 $0x0, s1;
	[sflag:s0] =	ssyncset.done @!p0 $0x0  }
0xe9: {  	[sflag:s0] =	ssyncadd.s32 @!p0 s1  }
0xea: {  	[bflag:$0x3] =	sbarrier.arrive $0xFFFF  }
0xeb: {  	_ =	shalt  }

// kernel: kernel.7.cloned.1.call-start
scs
__scs_entry_jumppad:
0x0: {  	(pc) =	sbr.rel $0x88, $3  }
0x1: {  	(tag) =	ssettag $0x0;
	lr =	simm.s32 $0x1  }
0x2: {  	[smem:$0x3F9D] =	sst lr;
	_ =	strace $0xD0000000  }
0x3: {  	_ = 	snop  }
0x4: {  	_ = 	snop  }
0x5: {  	_ = 	snop  }
0x6: {  	_ = 	snop  }
0x7: {  	_ = 	snop  }
__scs_overlays_trampoline_lowered:
0x8: {  	[smem:$0x3FAC] =	sst s0  }
0x9: {  	[smem:$0x3FAD] =	sst s1  }
0xa: {  	[smem:$0x3FAE] =	sst s2  }
0xb: {  	[smem:$0x3FAF] =	sst s3  }
0xc: {  	[smem:$0x3FB0] =	sst s4  }
0xd: {  	[smem:$0x3FB1] =	sst s5  }
0xe: {  	[smem:$0x3FB2] =	sst s6  }
0xf: {  	[smem:$0x3FB3] =	sst s7  }
0x10: {  	[smem:$0x3FB4] =	sst s8  }
0x11: {  	[smem:$0x3FB5] =	sst s9;
	s0 =	simm.s32 @!p0 $0x0  }
0x12: {  	s1 =	sld [smem:$0x3F9B];
	s0 =	simm.s32 @p0 $0x1  }
0x13: {  	[smem:$0x3FB6] =	sst s0;
	s0 =	simm.s32 @!p1 $0x0  }
0x14: {  	s2 =	sld [smem:$0x3F9A];
	s0 =	simm.s32 @p1 $0x1  }
0x15: {  	[smem:$0x3FB7] =	sst s0;
	s0 =	simm.s32 @!p2 $0x0  }
0x16: {  	s3 =	sld [smem:$0x3FDB];
	s0 =	simm.s32 @p2 $0x1  }
0x17: {  	s4 =	simm.s32 $0x1BF5;
	[smem:$0x3FB9] =	sst s0  }
0x18: {  	s0 =	sld [smem:$0x3F9C];
	_ =	swait.ge [sflag:s4], $0x0  }
0x19: {  	s7 =	sld [smem:$0x3F9D]  }
0x1a: {  	s8 =	sadd.s32 $0xFFFFE003, lr  }
0x1b: {  	s9 =	sadd.s32 $0xFFFFFEF7, lr;
	s5 =	simm.s32 $0xFFFFFFFF;
	p2 =	slt.u32 s8, $0xFFFFF086  }
0x1c: {  	p1 =	slt.u32 s9, $0xF7A;
	s5 =	simm.s32 @!p2 $0x0  }
0x1d: {  	s5 =	simm.s32 @p1 $0x1;
	p0 =	seq.s32 s7, s2  }
0x1e: {  	s7 =	smul.u32 @!p0 $0xF7A, s2;
	p2 =	seq.s32 @!p0 s5, $0x0  }
0x1f: {  	s9 =	smul.u32 $0xF7A, s1;
	s8 =	simm.s32 @!p0 $0x1BF5;
	p2 =	por !p2, p0  }
0x20: {  	[sflag:s8] =	ssyncset.s32 @!p0 $0xFFFFF086;
	s6 =	sadd.s32 @!p0 s3, s7;
	s7 =	simm.s32 @!p0 $0x108  }
0x21: {  	s3 =	sadd.s32 s3, s9;
	s6 =	sadd.s32 @!p0 $0x88, s6;
	s7 =	simm.s32 @p2 $0x1082  }
0x22: {  	[simem:s7], [sflag:s8] =	dma.local @!p0 [hbm:s6], $0xF7A  }
0x23: {  	s9 =	sor.u32 $0xD0000000, s2;
	s6 =	simm.s32 $0x108;
	_ =	swait.ge @!p0 [sflag:s8], $0x0  }
0x24: {  	s3 =	sadd.s32 $0x88, s3;
	s6 =	simm.s32 @!p1 $0x1082;
	[sflag:s4] =	ssyncset.s32 $0xFFFFF086  }
0x25: {  	[simem:s6], [sflag:s4] =	dma.local [hbm:s3], $0xF7A  }
0x26: {  	[smem:$0x3F9D] =	sst s1;
	(tag) =	ssettag s2;
	_ =	strace s9  }
0x27: {  	s1 =	sld [smem:$0x3FAD]  }
0x28: {  	s2 =	sld [smem:$0x3FAE]  }
0x29: {  	s4 =	sld [smem:$0x3FB0]  }
0x2a: {  	p0 =	seq.s32 s5, $0x0;
	s5 =	sld [smem:$0x3FB1]  }
0x2b: {  	s6 =	sld [smem:$0x3FB2]  }
0x2c: {  	s7 =	sld [smem:$0x3FB3]  }
0x2d: {  	s3 =	simm.s32 $0x108;
	s8 =	sld [smem:$0x3FB4]  }
0x2e: {  	s3 =	simm.s32 @!p0 $0x1082;
	s9 =	sld [smem:$0x3FB5]  }
0x2f: {  	lr =	sadd.s32 s0, s3;
	s0 =	sld [smem:$0x3FAC]  }
0x30: {  	s3 =	sld [smem:$0x3FAF]  }
0x31: {  	[smem:$0x3FB8] =	sst s10  }
0x32: {  	s10 =	sld [smem:$0x3FB6];
	_ =	sdelay $0x3  }
0x33: {  	p0 =	seq.s32 s10, $0x1;
	s10 =	sld [smem:$0x3FB8];
	_ =	sdelay $0x3  }
0x34: {  	[smem:$0x3FB8] =	sst s10  }
0x35: {  	s10 =	sld [smem:$0x3FB7];
	_ =	sdelay $0x3  }
0x36: {  	p1 =	seq.s32 s10, $0x1;
	s10 =	sld [smem:$0x3FB8];
	_ =	sdelay $0x3  }
0x37: {  	[smem:$0x3FB8] =	sst s10  }
0x38: {  	s10 =	sld [smem:$0x3FB9]  }
0x39: {  	_ = 	snop;
	(pc) =	sbr.ind lr, $3  }
0x3a: {  	_ = 	snop  }
0x3b: {  	_ = 	snop  }
0x3c: {  	p2 =	seq.s32 s10, $0x1;
	s10 =	sld [smem:$0x3FB8]  }
0x3d: {  	_ =	shalt  }
0x3e: {  	_ =	shalt  }
0x3f: {  	_ =	shalt  }
0x40: {  	_ =	shalt  }
0x41: {  	_ =	shalt  }
0x42: {  	_ =	shalt  }
0x43: {  	_ =	shalt  }
0x44: {  	_ =	shalt  }
0x45: {  	_ =	shalt  }
0x46: {  	_ =	shalt  }
0x47: {  	_ =	shalt  }
0x48: {  	_ =	shalt  }
0x49: {  	_ =	shalt  }
0x4a: {  	_ =	shalt  }
0x4b: {  	_ =	shalt  }
0x4c: {  	_ =	shalt  }
0x4d: {  	_ =	shalt  }
0x4e: {  	_ =	shalt  }
0x4f: {  	_ =	shalt  }
0x50: {  	_ =	shalt  }
0x51: {  	_ =	shalt  }
0x52: {  	_ =	shalt  }
0x53: {  	_ =	shalt  }
0x54: {  	_ =	shalt  }
0x55: {  	_ =	shalt  }
0x56: {  	_ =	shalt  }
0x57: {  	_ =	shalt  }
0x58: {  	_ =	shalt  }
0x59: {  	_ =	shalt  }
0x5a: {  	_ =	shalt  }
0x5b: {  	_ =	shalt  }
0x5c: {  	_ =	shalt  }
0x5d: {  	_ =	shalt  }
0x5e: {  	_ =	shalt  }
0x5f: {  	_ =	shalt  }
0x60: {  	_ =	shalt  }
0x61: {  	_ =	shalt  }
0x62: {  	_ =	shalt  }
0x63: {  	_ =	shalt  }
0x64: {  	_ =	shalt  }
0x65: {  	_ =	shalt  }
0x66: {  	_ =	shalt  }
0x67: {  	_ =	shalt  }
0x68: {  	_ =	shalt  }
0x69: {  	_ =	shalt  }
0x6a: {  	_ =	shalt  }
0x6b: {  	_ =	shalt  }
0x6c: {  	_ =	shalt  }
0x6d: {  	_ =	shalt  }
0x6e: {  	_ =	shalt  }
0x6f: {  	_ =	shalt  }
0x70: {  	_ =	shalt  }
0x71: {  	_ =	shalt  }
0x72: {  	_ =	shalt  }
0x73: {  	_ =	shalt  }
0x74: {  	_ =	shalt  }
0x75: {  	_ =	shalt  }
0x76: {  	_ =	shalt  }
0x77: {  	_ =	shalt  }
0x78: {  	_ =	shalt  }
0x79: {  	_ =	shalt  }
0x7a: {  	_ =	shalt  }
0x7b: {  	_ =	shalt  }
0x7c: {  	_ =	shalt  }
0x7d: {  	_ =	shalt  }
0x7e: {  	_ =	shalt  }
0x7f: {  	_ =	shalt  }
0x80: {  	_ =	shalt  }
0x81: {  	_ =	shalt  }
0x82: {  	_ =	shalt  }
0x83: {  	_ =	shalt  }
0x84: {  	_ =	shalt  }
0x85: {  	_ =	shalt  }
0x86: {  	_ =	shalt  }
0x87: {  	_ =	shalt  }
.Lfunc_end0:
.L_simem_size_0:
called_computation.2_lowered:
.L_overlay_start_0:
0x88: {  	s2 =	sld [smem:$0x3FD9]  }
0x89: {  	s3 =	sld [smem:$0x3FFE];
	_ =	sdelay $0x1  }
0x8a: {  	s1 =	srdreg.scid  }
0x8b: {  	s0 =	sand.u32 $0x1, s1  }
0x8c: {  	s14 =	sshll.u32 s0, $0xA;
	s2 =	sadd.s32 s3, s2  }
0x8d: {  	s2 =	sadd.s32 s2, s14  }
0x8e: {  	[smem:$0x3FC4] =	sst s2  }
0x8f: {  	_ = 	snop  }
0x90: {  	s2 =	sld [smem:$0x3FD0];
	_ =	sdelay $0x2  }
0x91: {  	s15 =	simm.s32 $0xA;
	s4 =	simm.s32 $0x10  }
0x92: {  	[smem:s4], [sflag:s15] =	dma.local [hbm:s2], $0x1  }
0x93: {  	_ =	swait.eq [sflag:s15], $0x1  }
0x94: {  	s16 =	sld [smem:$0x10]  }
0x95: {  	s17 =	sld [smem:$0x11];
	[sflag:s15] =	ssyncset.done $0x0  }
0x96: {  	s5 =	sld [smem:$0x13];
	[sflag:s15] =	ssyncadd.s32 $0xFFFFFFFF  }
0x97: {  	s18 =	sld [smem:$0x14];
	(tm) =	ssettm $0x1  }
0x98: {  	s6 =	sld [smem:$0x3FFB];
	_ =	sdelay $0x3  }
0x99: {  	_ =	strace s6  }
0x9a: {  	s6 =	sld [smem:$0x3FFC];
	_ =	sdelay $0x3  }
0x9b: {  	_ =	strace s6  }
0x9c: {  	s6 =	sld [smem:$0x3FFD];
	_ =	sdelay $0x3  }
0x9d: {  	_ =	strace s6  }
0x9e: {  	_ =	strace $0x8FFFFFFF  }
0x9f: {  	s19 =	sld [smem:$0x3FDB];
	_ =	sdelay $0x1  }
0xa0: {  	s7 =	simm.s32 $_scs_section_size  }
0xa1: {  	s8 =	simm.s32 $_size__tile_overlayer_lowered;
	s9 =	simm.s32 $_tile_overlayer_lowered  }
0xa2: {  	s22 =	simm.s32 $0x1BFF;
	s21 =	sshll.u32 s9, $0x1;
	s6 =	sadd.s32 s7, s19  }
0xa3: {  	s10 =	simm.s32 $0x0;
	s20 =	sshll.u32 s8, $0x1;
	s8 =	sadd.s32 s21, s6  }
0xa4: {  	[timem:s10], [sflag:s22] =	dma.local [hbm:s8], s20  }
0xa5: {  	_ =	swait.ge [sflag:s22], s20  }
0xa6: {  	s7 =	ssub.s32 $0x0, s20;
	[sflag:s22] =	ssyncset.done $0x0  }
0xa7: {  	[sflag:s22] =	ssyncadd.s32 s7;
	_ =	sdelay $0x1  }
0xa8: {  	s23 =	simm.s32 $0x1B8B  }
0xa9: {  	_ =	swait.ge [sflag:s23], $0x1  }
0xaa: {  	[sflag:s23] =	ssyncset.done $0x0  }
0xab: {  	s25 =	simm.s32 $0x1B8E;
	s24 =	sld [smem:$0x3FFE];
	[sflag:s23] =	ssyncadd.s32 $0xFFFFFFFF  }
0xac: {  	s26 =	simm.s32 $execute0_lowered;
	[smem:$0x3FD2] =	sst s25  }
0xad: {  	s8 =	sshll.u32 s26, $0x1;
	_ =	strace $0x8000004C;
	[dreg:$0x1] =	wrdreg $0xFFFFFFFF  }
0xae: {  	s28 =	simm.s32 $_size_execute0_lowered;
	s6 =	sadd.s32 s6, s8;
	[dreg:$0x0] =	wrdreg $0x0  }
0xaf: {  	s8 =	sshll.u32 s28, $0x1;
	[dreg:$0x2] =	wrdreg s6  }
0xb0: {  	[dreg:$0x3] =	wrdreg s8  }
0xb1: {  	[dreg:$0x4] =	wrdreg $0xC0  }
0xb2: {  	_ =	task [dreg:s10], $0x5FFFF  }
0xb3: {  	[dreg:$0x1] =	wrdreg $0xFFFFFFFF  }
0xb4: {  	[dreg:$0x0] =	wrdreg $0x60  }
0xb5: {  	[dreg:$0x2] =	wrdreg s5  }
0xb6: {  	[dreg:$0x3] =	wrdreg s24  }
0xb7: {  	[dreg:$0x4] =	wrdreg s17  }
0xb8: {  	[dreg:$0x5] =	wrdreg s18  }
0xb9: {  	[dreg:$0x6] =	wrdreg s16  }
0xba: {  	[dreg:$0x7] =	wrdreg $0x9  }
0xbb: {  	_ =	task.clear_ibuf [dreg:s10], $0x8FFFF;
	_ =	strace $0x9000004C  }
0xbc: {  	s29 =	simm.s32 $0x9;
	_ =	strace $0x8000004E  }
0xbd: {  	_ =	swait.ge [sflag:s29], $0x1  }
0xbe: {  	[sflag:s29] =	ssyncadd.s32 $0xFFFFFFFF  }
0xbf: {  	_ =	strace $0x9000004E  }
0xc0: {  	_ =	sfence  }
0xc1: {  	s30 =	sld [smem:$0x0];
	_ =	sdelay $0x2  }
0xc2: {  	s31 =	sshll.u32 s1, $0xD;
	s1 =	sshrl.u32 s1, $0x2  }
0xc3: {  	s3 =	sand.u32 $0x4000, s31;
	s1 =	sadd.s32 s1, s30  }
0xc4: {  	s0 =	sor.u32 s3, s0;
	s1 =	sshll.u32 s1, $0x11  }
0xc5: {  	s0 =	sor.u32 s1, s0  }
0xc6: {  	s0 =	sadd.s32 $0x8F2B, s0  }
0xc7: {  	[sflag:s0] =	ssyncadd.remote.s32 $0x1  }
0xc8: {  	_ =	sfence.sel $0xFFFF  }
0xc9: {  	[dreg:$0x0] =	wrdreg $0xFFFFFFFF;
	(pc) =	sbr.abs _section_cstart, $3  }
0xca: {  	[dreg:$0x1] =	wrdreg $0xFFFFFFFF  }
0xcb: {  	_ =	task.clear_ibuf [dreg:s10], $0x2FFFF;
	_ =	strace $0x9FFFFFFF  }
0xcc: {  	(tm) =	ssettm $0x7FFFFFFF  }
0xcd: {  	_ =	shalt  }
tec
execute0_lowered:
.L_overlay_start_1:
0x0: {  	(tag) =	ssettag $0x1  }
0x1: {  	s5 =	stileid.u32  }
0x2: {  	s0 =	rddreg [dreg:$0x0];
	p0 =	sgt.u32 s5, $0x7  }
.Ltmp0:
0x3: {  	s4 =	rddreg [dreg:$0x1];
	(pc) =	sbr.rel @p0 .LBB2_20-.Ltmp0, $4  }
0x4: {  	s3 =	rddreg [dreg:$0x2]  }
0x5: {  	s2 =	rddreg [dreg:$0x3];
	s12 =	simm.s32 $0x0  }
0x6: {  	[smem:$0x7FF] =	sst s12  }
0x7: {  	s1 =	rddreg [dreg:$0x4];
	_ =	strace $0x8000004D  }
0x8: {  	s5 =	srdreg.scid;
	s7 =	stileid.u32;
	s13 =	sadd.s32 $0x4E4400, s4  }
0x9: {  	s14 =	sadd.s32 $0x9C6400, s4;
	s15 =	simm.s32 $0x1;
	s16 =	simm.s32 $0x900  }
0xa: {  	s17 =	simm.s32 $0x980;
	s18 =	simm.s32 $0x2;
	s31 =	simm.s32 $0x3E00  }
0xb: {  	s19 =	simm.s32 $0xA00;
	s5 =	sand.u32 $0x1, s5;
	[dreg:$0x6] =	wrdreg s31  }
0xc: {  	s6 =	sshll.u32 s7, $0x1;
	s7 =	sshrl.u32 s7, $0x2;
	[dreg:$0xd] =	wrdreg s13  }
0xd: {  	[dreg:$0xe] =	wrdreg s14;
	s6 =	sor.u32 s5, s6;
	s24 =	ssub.s32 $0x2, s5  }
0xe: {  	s9 =	sshll.u32 s7, $0xD;
	s10 =	smul.u32 $0x680, s6;
	s25 =	sshrl.u32 s24, $0x1  }
0xf: {  	s7 =	sshll.u32 s7, $0xA;
	s8 =	sshll.u32 s6, $0x7;
	s28 =	ssub.s32 s24, s25  }
0x10: {  	v0 =	vimm.f32 $0.0e+00;
	v1 =	vlaneseq.u32;
	s8 =	sand.u32 $0x380, s8;
	s22 =	sadd.s32 s10, s4;
	s30 =	smax.u32 s28, $0x1  }
0x11: {  	v2 =	vimm.s32 $0x0;
	v4 =	vimm.f32 $5.000000000e-01;
	vm0 =	vcmask $0x700;
	s7 =	sor.u32 s7, s8;
	s26 =	sadd.s32 $0x8400, s22;
	[dreg:$0x17] =	wrdreg s30  }
0x12: {  	v7 =	vimm.s32 $0xECA86420;
	vm1 =	vcmask $0x1310;
	vm2 =	vcmask $0x1B18;
	s10 =	smul.u32 $0x271000, s6;
	s29 =	sadd.s32 $0x1C00, s22;
	[dreg:$0x14] =	wrdreg s26  }
0x13: {  	vm3 =	vcmask $0x300;
	s20 =	simm.s32 $0x7200;
	vm4 =	vcmask $0x2320;
	vm5 =	vcmask $0x2B28;
	s7 =	sshrl.u32 s7, $0x3;
	[dreg:$0x15] =	wrdreg s29  }
0x14: {  	vm6 =	vcmask $0x3330;
	vm7 =	vcmask $0x3B38;
	vm8 =	vmmov $0xff;
	s9 =	sor.u32 s9, s8;
	s3 =	sadd.s32 s3, s7;
	[dreg:$0x12] =	wrdreg s10  }
0x15: {  	v3 =	vmul.u32 $0x20, v1;
	v5 =	vsel vm0, $0xBF000000, v4;
	vm0 =	vcmask $0x1710;
	s9 =	sshrl.u32 s9, $0x3;
	s2 =	sadd.s32 s2, s7;
	[dreg:$0x10] =	wrdreg s3  }
0x16: {  	v4 =	vand.u32 $0x1, v1;
	v8 =	vunpack.c.l.s4.s8 v7;
	v7 =	vand.u32 $0x3, v1;
	s11 =	sadd.s32 s9, s4;
	s1 =	sadd.s32 s1, s7;
	[dreg:$0x11] =	wrdreg s2  }
0x17: {  	v9 =	vmul.u32 $0x2, v1;
	v5 =	vsel vm0, $0xBF000000, v5;
	vm0 =	vcmask $0x2720;
	s0 =	sadd.s32 s0, s9;
	s9 =	simm.s32 $0x80;
	[dreg:$0x13] =	wrdreg s1  }
0x18: {  	v6 =	vsel vm0, $0xBF000000, v5;
	vm0 =	vcmask $0x3730;
	v5 =	vor.u32 $0x2, v4;
	s23 =	sadd.s32 $0x4E3C00, s11;
	[dreg:$0x16] =	wrdreg s0;
	s11 =	simm.s32 $0x400  }
0x19: {  	v8 =	vunpack.c.0.s8.s32 v8;
	v6 =	vsel vm0, $0xBF000000, v6;
	vm0 =	vcmask $0xB08;
	s1 =	simm.s32 $0x3;
	s2 =	simm.s32 $0x0;
	[dreg:$0xf] =	wrdreg s23  }
.LBB2_2:
0x1a: {  	[dreg:$0x18] =	wrdreg s2  }
0x1b: {  	s0 =	rddreg [dreg:$0x16]  }
0x1c: {  	[tilespmem:s12], [sflag:$0x3] =	stream.strided.gather [hbm4b:s0+s9], $0x400, s11, s9, $0x38;
	[tilespmem:$0xDA00] =	vst v63  }
0x1d: {  	_ =	swait.ge [sflag:s1], $0x400  }
0x1e: {  	[sflag:s1] =	ssyncset.done $0x0  }
0x1f: {  	s23 =	rddreg [dreg:$0xf];
	[sflag:s1] =	ssyncadd.s32 $0xFFFFFC00  }
0x20: {  	[tilespmem:s11], [sflag:$0x3] =	stream.strided.gather [hbm4b:s23+s9], $0x400, s11, s9, $0x38;
	[tilespmem:$0xDA00] =	vst v63  }
0x21: {  	_ =	swait.ge [sflag:s1], $0x400  }
0x22: {  	[sflag:s1] =	ssyncset.done $0x0  }
0x23: {  	s25 =	simm.s32 $0x800;
	s24 =	rddreg [dreg:$0x10];
	[sflag:s1] =	ssyncadd.s32 $0xFFFFFC00  }
0x24: {  	[tilespmem:s25], [sflag:$0x3] =	stream.linear.gather [hbm4b:s24+s12], $0x80, $0x38;
	[tilespmem:$0xDA00] =	vst v63  }
0x25: {  	_ =	swait.ge [sflag:s1], $0x80  }
0x26: {  	[sflag:s1] =	ssyncset.done $0x0  }
0x27: {  	s28 =	simm.s32 $0x880;
	s26 =	rddreg [dreg:$0x11];
	[sflag:s1] =	ssyncadd.s32 $0xFFFFFF80  }
0x28: {  	[tilespmem:s28], [sflag:$0x3] =	stream.linear.gather [hbm4b:s26+s12], $0x80, $0x38;
	[tilespmem:$0xDA00] =	vst v63  }
0x29: {  	_ =	swait.ge [sflag:s1], $0x80  }
0x2a: {  	[sflag:s1] =	ssyncset.done $0x0  }
0x2b: {  	[sflag:s1] =	ssyncadd.s32 $0xFFFFFF80  }
0x2c: {  	v10 =	vld [tilespmem:$0x800];
	_ =	sdelay $0x4  }
0x2d: {  	(v2sf) =	vpush v10, $0x0;
	_ =	sdelay $0xe  }
0x2e: {  	s0 =	spop (v2sf)  }
0x2f: {  	s29 =	sadd.s32 $0xF, s0  }
0x30: {  	s30 =	sand.u32 $0xF, s29  }
0x31: {  	s31 =	sshra.s32 s29, $0x1F;
	p1 =	slt.s32 s29, $0x1;
	p0 =	sne.s32 s30, $0x0  }
0x32: {  	s2 =	sshrl.u32 s31, $0x1C;
	p0 =	por !p1, !p0  }
0x33: {  	s1 =	sadd.s32 s2, s29;
	s2 =	simm.s32 $0x1;
	p0 =	por !p0, !p0  }
0x34: {  	s1 =	sshra.s32 s1, $0x4;
	s2 =	simm.s32 @!p0 $0x0  }
0x35: {  	[tilespmem:$0x900] =	vst v0;
	s1 =	ssub.s32 s1, s2  }
0x36: {  	[tilespmem:$0x910] =	vst v0;
	p0 =	slt.s32 s1, $0x1  }
.Ltmp1:
0x37: {  	[tilespmem:$0x920] =	vst v0;
	(pc) =	sbr.rel @p0 .LBB2_11-.Ltmp1, $4  }
0x38: {  	[tilespmem:$0x930] =	vst v0  }
0x39: {  	[tilespmem:$0x940] =	vst v0  }
0x3a: {  	[tilespmem:$0x950] =	vst v0  }
0x3b: {  	[tilespmem:$0x960] =	vst v0  }
.Ltmp2:
0x3c: {  	(pc) =	sbr.rel .LBB2_4-.Ltmp2, $2  }
0x3d: {  	_ =	sdelay $0x2  }
0x3e: {  	v10 =	vbroadcast v10, $0x0;
	s2 =	simm.s32 $0x0;
	p0 =	slt.s32 s0, $0x1;
	s3 =	simm.s32 $0x0  }
.LBB2_6:
0x3f: {  	s5 =	simm.s32 $0x0  }
.LBB2_9:
0x40: {  	v15 =	vadd.s32 @p1 v16, v15;
	v63 =	vmov s5  }
0x41: {  	vm9 =	vgt.s32 v14, v12;
	vm10 =	veq.s32 v14, v12;
	vm11 =	vlt.s32 v63, v13  }
0x42: {  	v14 =	vsel vm9, $0x1, v2;
	v11 =	vpsel p1, v15, v11;
	vm9 =	vmand vm11, vm10  }
0x43: {  	v11 =	vadd.s32 v14, v11;
	v14 =	vsel vm9, $0x1, v2  }
0x44: {  	v11 =	vadd.s32 v14, v11  }
.LBB2_10:
0x45: {  	vm9 =	vlt.s32 v13, v10;
	vm10 =	vlt.s32 v11, $0x64  }
0x46: {  	vm9 =	vmand vm9, vm10;
	_ =	sdelay $0x5  }
0x47: {  	[tilespmem:v11+s16+$0x0] =	vst.idx.msk vm9, v12  }
0x48: {  	s3 =	sadd.s32 $0x1, s3;
	v12 =	vld [tilespmem:s4+$0x400]  }
0x49: {  	p1 =	sne.s32 s3, s1  }
.Ltmp3:
0x4a: {  	_ = 	snop;
	(pc) =	sbr.rel @!p1 .LBB2_11-.Ltmp3, $3  }
0x4b: {  	_ =	sdelay $0x1  }
0x4c: {  	v12 =	vshra.s32 v12, $0x1  }
0x4d: {  	[tilespmem:v11+s17+$0x0] =	vst.idx.msk vm9, v12  }
.LBB2_4:
.Ltmp4:
0x4e: {  	s4 =	sshll.u32 s3, $0x4;
	(pc) =	sbr.rel @p0 .LBB2_10-.Ltmp4, $2  }
0x4f: {  	v12 =	vld [tilespmem:s4+$0x0];
	_ =	sdelay $0x2  }
0x50: {  	v11 =	vimm.s32 $0x0;
	v13 =	vor.u32 s4, v1  }
0x51: {  	p2 =	sne.s32 s0, $0x1  }
.Ltmp5:
0x52: {  	_ = 	snop;
	(pc) =	sbr.rel @!p2 .LBB2_6-.Ltmp5, $2  }
0x53: {  	v14 =	vld.msk [tilespmem:s2+$0x0 ss:$0x0], $0xffff;
	_ =	sdelay $0x2  }
0x54: {  	s5 =	simm.s32 $0x1;
	p1 =	por $0x0, $0x0  }
0x55: {  	p2 =	sne.s32 s0, $0x2  }
.Ltmp6:
0x56: {  	_ = 	snop;
	(pc) =	sbr.rel @!p2 .LBB2_9-.Ltmp6, $4  }
0x57: {  	v15 =	vmov s2;
	vm9 =	vgt.s32 v14, v12;
	vm10 =	veq.s32 v14, v12;
	v14 =	vld.msk [tilespmem:s5+$0x0 ss:$0x0], $0xffff  }
0x58: {  	vm11 =	vlt.s32 v15, v13  }
0x59: {  	v15 =	vsel vm9, $0x1, v2;
	vm9 =	vmand vm11, vm10  }
0x5a: {  	s6 =	simm.s32 $0x2;
	p1 =	por $0x1, $0x1;
	s7 =	simm.s32 $0x1;
	v15 =	vadd.s32 v15, v11;
	v16 =	vsel vm9, $0x1, v2  }
.LBB2_8:
0x5b: {  	s8 =	smov.u32 s6;
	s6 =	sadd.s32 $0x1, s6  }
0x5c: {  	v15 =	vadd.s32 v16, v15;
	p2 =	sne.s32 s0, s6  }
.Ltmp7:
0x5d: {  	(pc) =	sbr.rel @p2 .LBB2_8-.Ltmp7, $4  }
0x5e: {  	v16 =	vmov s5;
	s7 =	sadd.s32 $0x1, s7;
	s5 =	smov.u32 s8  }
0x5f: {  	vm9 =	vgt.s32 v14, v12;
	vm10 =	veq.s32 v14, v12;
	vm11 =	vlt.s32 v16, v13;
	v14 =	vld.msk [tilespmem:s7+$0x0 ss:$0x0], $0xffff  }
0x60: {  	v16 =	vsel vm9, $0x1, v2;
	vm9 =	vmand vm11, vm10  }
0x61: {  	v15 =	vadd.s32 v16, v15;
	v16 =	vsel vm9, $0x1, v2  }
.Ltmp8:
0x62: {  	_ = 	snop;
	(pc) =	sbr.rel .LBB2_9-.Ltmp8, $1  }
0x63: {  	_ =	sdelay $0x3  }
.LBB2_11:
0x64: {  	s0 =	simm.s32 $0x980  }
0x65: {  	v10 =	vld [tilespmem:s0+$0x0];
	_ =	sdelay $0x4  }
0x66: {  	(v2sf) =	vpush v10, $0x0;
	_ =	sdelay $0xe  }
0x67: {  	s30 =	spop (v2sf)  }
0x68: {  	s0 =	sshll.u32 s30, $0x7  }
0x69: {  	s1 =	sand.u32 $0xFFFFFC00, s0  }
0x6a: {  	s0 =	sand.u32 $0x380, s0;
	s1 =	sadd.s32 s10, s1  }
0x6b: {  	s0 =	sor.u32 s0, s1  }
0x6c: {  	s0 =	sshrl.u32 s0, $0x3  }
0x6d: {  	s31 =	simm.s32 $0xA00;
	s2 =	sadd.s32 s13, s0  }
0x6e: {  	[tilespmem:s31], [sflag:$0x1] =	stream.strided.gather [hbm4b:s2+s9], $0x0, s11, s9, $0x38;
	[tilespmem:$0xDA00] =	vst v63  }
0x6f: {  	s1 =	simm.s32 $0x981  }
0x70: {  	[tilespmem:s31], [sflag:$0x1] =	stream.linear.gather [hbm4b:s2+s12], $0x4, $0x38;
	[tilespmem:$0xDA00] =	vst v63  }
0x71: {  	s3 =	sadd.s32 s14, s0;
	s0 =	simm.s32 $0x200;
	s2 =	simm.s32 $0x3E00  }
0x72: {  	[tilespmem:s2], [sflag:$0x2] =	stream.strided.gather [hbm4b:s3+s9], $0x0, s11, s9, $0x38;
	[tilespmem:$0xDA00] =	vst v63  }
.LBB2_12:
0x73: {  	[tilespmem:s2], [sflag:$0x2] =	stream.linear.gather [hbm4b:s3+s12], $0x33, $0x38;
	[tilespmem:$0xDA00] =	vst v63  }
0x74: {  	p0 =	sne.s32 s0, $0xC600;
	s2 =	smov.u32 s0;
	s0 =	sadd.s32 $0x200, s0;
	v10 =	vld [tilespmem:s1+$0x0]  }
0x75: {  	_ =	sdelay $0x3  }
0x76: {  	(v2sf) =	vpush v10, $0x0;
	_ =	sdelay $0xe  }
0x77: {  	s3 =	spop (v2sf)  }
0x78: {  	s3 =	sshll.u32 s3, $0x7  }
0x79: {  	s4 =	sand.u32 $0xFFFFFC00, s3  }
0x7a: {  	s3 =	sand.u32 $0x380, s3;
	s4 =	sadd.s32 s10, s4  }
0x7b: {  	s3 =	sor.u32 s3, s4  }
0x7c: {  	s2 =	sshra.s32 s2, $0x2;
	s3 =	sshrl.u32 s3, $0x3  }
0x7d: {  	s4 =	sadd.s32 $0xA00, s2;
	s5 =	sadd.s32 s13, s3  }
0x7e: {  	[tilespmem:s4], [sflag:$0x1] =	stream.strided.gather [hbm4b:s5+s9], $0x0, s11, s9, $0x38;
	[tilespmem:$0xDA00] =	vst v63  }
.Ltmp9:
0x7f: {  	(pc) =	sbr.rel @p0 .LBB2_12-.Ltmp9, $4  }
0x80: {  	[tilespmem:s4], [sflag:$0x1] =	stream.linear.gather [hbm4b:s5+s12], $0x4, $0x38;
	[tilespmem:$0xDA00] =	vst v63  }
0x81: {  	s2 =	sadd.s32 $0x3E00, s2;
	s3 =	sadd.s32 s14, s3  }
0x82: {  	[tilespmem:s2], [sflag:$0x2] =	stream.strided.gather [hbm4b:s3+s9], $0x0, s11, s9, $0x38;
	[tilespmem:$0xDA00] =	vst v63  }
0x83: {  	s1 =	sadd.s32 $0x1, s1  }
0x84: {  	[tilespmem:s2], [sflag:$0x2] =	stream.linear.gather [hbm4b:s3+s12], $0x33, $0x38;
	[tilespmem:$0xDA00] =	vst v63  }
0x85: {  	_ =	swait.ge [sflag:s15], $0x4  }
0x86: {  	[sflag:s15] =	ssyncset.done $0x0  }
0x87: {  	[sflag:s15] =	ssyncadd.s32 $0xFFFFFFFC  }
0x88: {  	_ =	swait.ge [sflag:s18], $0x33  }
0x89: {  	s0 =	simm.s32 $0x63;
	[sflag:s18] =	ssyncset.done $0x0  }
.LBB2_14:
0x8a: {  	p0 =	sne.s32 s0, $0x1;
	s0 =	sadd.s32 $0xFFFFFFFF, s0;
	[sflag:s18] =	ssyncadd.s32 $0xFFFFFFCD  }
.Ltmp10:
0x8b: {  	_ =	swait.ge [sflag:s15], $0x4;
	(pc) =	sbr.rel @p0 .LBB2_14-.Ltmp10, $4  }
0x8c: {  	[sflag:s15] =	ssyncset.done $0x0  }
0x8d: {  	[sflag:s15] =	ssyncadd.s32 $0xFFFFFFFC  }
0x8e: {  	_ =	swait.ge [sflag:s18], $0x33  }
0x8f: {  	[sflag:s18] =	ssyncset.done $0x0  }
0x90: {  	s0 =	simm.s32 $0x0  }
0x91: {  	v11 =	vmov s0  }
0x92: {  	v11 =	vshll.u32 v11, $0x5  }
0x93: {  	v11 =	vor.u32 v3, v11  }
0x94: {  	v11 =	vand.u32 $0x3F80, v11  }
0x95: {  	v12 =	vor.u32 v5, v11;
	_ =	sdelay $0x1  }
0x96: {  	v14 =	vor.u32 v4, v11;
	_ =	sdelay $0x1  }
0x97: {  	[sflag:s18] =	ssyncadd.s32 $0xFFFFFFCD  }
0x98: {  	v13 =	vld.idx.msk [tilespmem:v12+s19+$0x0], $0xffff;
	_ =	sdelay $0x1  }
0x99: {  	s31 =	simm.s32 $0x10;
	v12 =	vld.idx.msk [tilespmem:v14+s19+$0x0], $0xffff  }
0x9a: {  	v10 =	vld [tilespmem:$0x880];
	s0 =	simm.s32 $0x20;
	v14 =	vmov s31  }
.LBB2_16:
0x9b: {  	p0 =	seq.s32 s0, $0x180;
	v14 =	vshll.u32 v14, $0x5  }
0x9c: {  	v13 =	vmul.f32 v6, v13;
	v14 =	vor.u32 v3, v14  }
0x9d: {  	v15 =	vor.u32 v7, v11;
	v11 =	vand.u32 $0x3F80, v14  }
0x9e: {  	v12 =	vadd.f32 v13, v12;
	v14 =	vor.u32 v5, v11;
	_ =	sdelay $0x1  }
0x9f: {  	v16 =	vor.u32 v4, v11;
	v12 =	vmul.f32 v12, v10;
	_ =	sdelay $0x1  }
0xa0: {  	[tilespmem:v15+s20+$0x0] =	vst.idx.msk $0xffff, v12  }
.Ltmp11:
0xa1: {  	v13 =	vld.idx.msk [tilespmem:v14+s19+$0x0], $0xffff;
	(pc) =	sbr.rel @!p0 .LBB2_16-.Ltmp11, $3  }
0xa2: {  	_ = 	snop  }
0xa3: {  	v12 =	vld.idx.msk [tilespmem:v16+s19+$0x0], $0xffff;
	_ =	sdelay $0x1  }
0xa4: {  	v14 =	vmov s0;
	s0 =	sadd.s32 $0x10, s0  }
0xa5: {  	v14 =	vshll.u32 v14, $0x5  }
0xa6: {  	v13 =	vmul.f32 v6, v13;
	v14 =	vor.u32 v3, v14  }
0xa7: {  	v11 =	vor.u32 v7, v11;
	v14 =	vand.u32 $0x3F80, v14  }
0xa8: {  	v12 =	vadd.f32 v13, v12;
	v15 =	vor.u32 v5, v14;
	_ =	sdelay $0x1  }
0xa9: {  	v13 =	vor.u32 v4, v14;
	v12 =	vmul.f32 v12, v10;
	_ =	sdelay $0x1  }
0xaa: {  	[tilespmem:v11+s20+$0x0] =	vst.idx.msk $0xffff, v12  }
0xab: {  	v11 =	vld.idx.msk [tilespmem:v15+s19+$0x0], $0xffff;
	_ =	sdelay $0x1  }
0xac: {  	v12 =	vld.idx.msk [tilespmem:v13+s19+$0x0], $0xffff;
	_ =	sdelay $0x2  }
0xad: {  	v11 =	vmul.f32 v6, v11  }
0xae: {  	v13 =	vor.u32 v7, v14  }
0xaf: {  	v11 =	vadd.f32 v11, v12;
	_ =	sdelay $0x1  }
0xb0: {  	s0 =	simm.s32 $0x0;
	v11 =	vmul.f32 v11, v10  }
0xb1: {  	v12 =	vor.u32 s0, v1  }
0xb2: {  	[tilespmem:v13+s20+$0x0] =	vst.idx.msk $0xffff, v11;
	v13 =	vmulhi.u32 $0x4EC4EC4F, v12;
	_ =	sdelay $0x1  }
0xb3: {  	v13 =	vshrl.u32 v13, $0x4  }
0xb4: {  	v14 =	vmul.u32 $0xFFFFFFCC, v13  }
0xb5: {  	v15 =	vmov s0;
	v16 =	vsub.s32 $0x0, v12  }
0xb6: {  	vm9 =	veq.s32 v15, v1;
	vm10 =	vne.s32 v14, v16  }
0xb7: {  	vm9 =	vmand vm9, vm10  }
0xb8: {  	v14 =	vsel vm9, $0xFFFFFFFF, v2  }
0xb9: {  	v18 =	vadd.s32 v14, v13  }
0xba: {  	v13 =	vmul.u32 $0xFFFFFFCC, v18;
	_ =	sdelay $0x1  }
0xbb: {  	v12 =	vadd.s32 v12, v13  }
0xbc: {  	(v2sf) =	vpush v12, $0x4;
	_ =	sdelay $0x1  }
0xbd: {  	(v2sf) =	vpush v12, $0xE  }
0xbe: {  	(v2sf) =	vpush v12, $0xC;
	_ =	sdelay $0x1  }
0xbf: {  	(v2sf) =	vpush v12, $0x1;
	_ =	sdelay $0x1  }
0xc0: {  	(v2sf) =	vpush v12, $0x0;
	_ =	sdelay $0x2  }
0xc1: {  	(v2sf) =	vpush v12, $0x2  }
0xc2: {  	(v2sf) =	vpush v12, $0xD  }
0xc3: {  	(v2sf) =	vpush v12, $0xF  }
0xc4: {  	(v2sf) =	vpush v12, $0xA;
	_ =	sdelay $0x1  }
0xc5: {  	(v2sf) =	vpush v12, $0x9;
	s26 =	spop (v2sf)  }
0xc6: {  	s7 =	simm.s32 $0x10;
	(v2sf) =	vpush v12, $0x8;
	s1 =	sshra.s32 s26, $0x1F;
	s4 =	smulhi.u32 $0x55555556, s26  }
0xc7: {  	v13 =	vor.u32 s7, v1;
	s3 =	spop (v2sf);
	s1 =	smul.u32 $0x55555556, s1  }
0xc8: {  	v14 =	vmulhi.u32 $0x4EC4EC4F, v13;
	(v2sf) =	vpush v12, $0x3;
	s6 =	spop (v2sf);
	s13 =	smulhi.u32 $0x55555556, s3  }
0xc9: {  	(v2sf) =	vpush v12, $0x6;
	s3 =	sshra.s32 s3, $0x1F;
	s2 =	smulhi.u32 $0x55555556, s6  }
0xca: {  	v14 =	vshrl.u32 v14, $0x4;
	(v2sf) =	vpush v12, $0x5;
	s5 =	spop (v2sf);
	s3 =	smul.u32 $0x55555556, s3  }
0xcb: {  	v15 =	vmul.u32 $0xFFFFFFCC, v14;
	s6 =	sshra.s32 s6, $0x1F;
	s0 =	smulhi.u32 $0x55555556, s5  }
0xcc: {  	v16 =	vmov s7;
	v17 =	vsub.s32 $0x0, v13;
	s10 =	spop (v2sf);
	s6 =	smul.u32 $0x55555556, s6  }
0xcd: {  	vm9 =	veq.s32 v16, v1;
	vm10 =	vne.s32 v15, v17;
	(v2sf) =	vpush v12, $0xB;
	s5 =	sshra.s32 s5, $0x1F;
	s11 =	smulhi.u32 $0x55555556, s10  }
0xce: {  	vm9 =	vmand vm9, vm10;
	s10 =	sshra.s32 s10, $0x1F;
	s5 =	smul.u32 $0x55555556, s5  }
0xcf: {  	v15 =	vsel vm9, $0xFFFFFFFF, v2;
	s9 =	spop (v2sf);
	s14 =	smul.u32 $0x55555556, s10  }
0xd0: {  	v14 =	vadd.s32 v15, v14;
	s8 =	spop (v2sf);
	s20 =	smulhi.u32 $0x55555556, s9;
	s9 =	sshra.s32 s9, $0x1F  }
0xd1: {  	v15 =	vmul.u32 $0xFFFFFFCC, v14;
	(v2sf) =	vpush v12, $0x7;
	s12 =	spop (v2sf);
	s9 =	smul.u32 $0x55555556, s9  }
0xd2: {  	s7 =	spop (v2sf);
	s23 =	sshra.s32 s12, $0x1F;
	s12 =	smulhi.u32 $0x55555556, s12  }
0xd3: {  	v13 =	vadd.s32 v13, v15;
	s17 =	smulhi.u32 $0x55555556, s7  }
0xd4: {  	(v2sf) =	vpush v13, $0x4;
	s15 =	spop (v2sf);
	s23 =	smul.u32 $0x55555556, s23  }
0xd5: {  	(v2sf) =	vpush v13, $0xE;
	s28 =	spop (v2sf);
	s22 =	smulhi.u32 $0x55555556, s15  }
0xd6: {  	s15 =	sshra.s32 s15, $0x1F;
	s18 =	smulhi.u32 $0x55555556, s28  }
0xd7: {  	s16 =	spop (v2sf);
	s29 =	sshra.s32 s28, $0x1F;
	s15 =	smul.u32 $0x55555556, s15  }
0xd8: {  	s21 =	spop (v2sf);
	s19 =	smul.u32 $0x55555556, s29  }
0xd9: {  	s7 =	sshra.s32 s7, $0x1F;
	s25 =	smulhi.u32 $0x55555556, s16;
	s24 =	spop (v2sf);
	(v2sf) =	vpush v13, $0xC  }
0xda: {  	s29 =	smul.u32 $0x55555556, s7;
	(v2sf) =	vpush v13, $0x1  }
0xdb: {  	s31 =	sshra.s32 s16, $0x1F;
	s10 =	smulhi.u32 $0x55555556, s21;
	(v2sf) =	vpush v13, $0x0  }
0xdc: {  	s16 =	sadd.s32 s14, s11;
	s14 =	smul.u32 $0x55555556, s31;
	s26 =	spop (v2sf);
	(v2sf) =	vpush v13, $0x2  }
0xdd: {  	s2 =	sadd.s32 s6, s2;
	s28 =	smulhi.u32 $0x55555556, s26;
	s26 =	sshra.s32 s26, $0x1F;
	(v2sf) =	vpush v13, $0xD  }
0xde: {  	s6 =	sadd.s32 s9, s20;
	s7 =	sadd.s32 s1, s4;
	s11 =	smul.u32 $0x55555556, s26;
	(v2sf) =	vpush v13, $0xF  }
0xdf: {  	s4 =	sadd.s32 s23, s12;
	s26 =	smulhi.u32 $0x55555556, s24;
	s24 =	sshra.s32 s24, $0x1F;
	(v2sf) =	vpush v13, $0xA  }
0xe0: {  	s21 =	sshra.s32 s21, $0x1F;
	s23 =	spop (v2sf);
	s24 =	smul.u32 $0x55555556, s24  }
0xe1: {  	s31 =	sshra.s32 s23, $0x1F;
	s1 =	sadd.s32 s11, s28;
	s11 =	smulhi.u32 $0x55555556, s8  }
0xe2: {  	s28 =	sadd.s32 s29, s17;
	s29 =	sadd.s32 s5, s0;
	s5 =	smul.u32 $0x55555556, s21;
	(v2sf) =	vpush v13, $0x9  }
0xe3: {  	s20 =	spop (v2sf);
	s8 =	sshra.s32 s8, $0x1F;
	s21 =	smul.u32 $0x55555556, s31;
	(v2sf) =	vpush v13, $0x8  }
0xe4: {  	s3 =	sadd.s32 s3, s13;
	s9 =	spop (v2sf);
	s8 =	smul.u32 $0x55555556, s8  }
0xe5: {  	s13 =	simm.s32 $0x20;
	s22 =	sadd.s32 s15, s22;
	s31 =	smulhi.u32 $0x55555556, s9  }
0xe6: {  	s17 =	sadd.s32 s8, s11;
	s8 =	sadd.s32 s24, s26;
	s26 =	sshra.s32 s9, $0x1F  }
0xe7: {  	s19 =	sadd.s32 s19, s18;
	s14 =	sadd.s32 s14, s25;
	s25 =	smul.u32 $0x55555556, s26  }
0xe8: {  	s18 =	smulhi.u32 $0x55555556, s23;
	s10 =	sadd.s32 s5, s10;
	s24 =	spop (v2sf)  }
0xe9: {  	v20 =	vmov s13;
	v21 =	vor.u32 s13, v1;
	v15 =	vmov s16;
	s0 =	sadd.s32 s25, s31;
	s31 =	sshrl.u32 s19, $0x1F;
	s11 =	spop (v2sf)  }
0xea: {  	v15 =	vnsel vm3, $0x0, v15;
	v16 =	vmov s19;
	v17 =	vmov s31;
	s31 =	sshra.s32 s20, $0x1F;
	s20 =	smulhi.u32 $0x55555556, s20;
	s23 =	spop (v2sf)  }
0xeb: {  	v23 =	vmov s2;
	v16 =	vsel vm0, s22, v16;
	v15 =	vsel vm0, s29, v15;
	s9 =	spop (v2sf);
	s26 =	sshra.s32 s23, $0x1F;
	s23 =	smulhi.u32 $0x55555556, s23  }
0xec: {  	vm9 =	veq.s32 v20, v1;
	v22 =	vsel vm1, s28, v16;
	s12 =	sadd.s32 s21, s18;
	v15 =	vsel vm1, s6, v15;
	s5 =	spop (v2sf);
	s21 =	smul.u32 $0x55555556, s26  }
0xed: {  	v16 =	vmulhi.u32 $0x4EC4EC4F, v21;
	v15 =	vsel vm2, s14, v15;
	(v2sf) =	vpush v13, $0x3;
	s25 =	sshrl.u32 s16, $0x1F;
	s16 =	smul.u32 $0x55555556, s31;
	s15 =	spop (v2sf)  }
0xee: {  	v23 =	vsel vm0, s17, v23;
	v15 =	vsel vm4, s7, v15;
	v19 =	vmov s25;
	s26 =	sshrl.u32 s22, $0x1F;
	s18 =	spop (v2sf);
	s25 =	sadd.s32 s21, s23  }
0xef: {  	v23 =	vsel vm1, s3, v23;
	v15 =	vsel vm5, s8, v15;
	(v2sf) =	vpush v13, $0x6;
	s23 =	sshrl.u32 s2, $0x1F;
	s2 =	sshrl.u32 s3, $0x1F;
	s3 =	sshrl.u32 s4, $0x1F  }
0xf0: {  	v20 =	vsel vm2, s4, v23;
	v15 =	vsel vm6, s10, v15;
	(v2sf) =	vpush v13, $0x5;
	s21 =	sshrl.u32 s10, $0x1F;
	s4 =	smulhi.u32 $0x55555556, s9;
	s10 =	sshra.s32 s11, $0x1F  }
0xf1: {  	(v2sf) =	vpush v13, $0xB;
	s9 =	sshra.s32 s9, $0x1F;
	s30 =	spop (v2sf);
	s10 =	smul.u32 $0x55555556, s10  }
0xf2: {  	v17 =	vsel vm0, s26, v17;
	s26 =	sshrl.u32 s28, $0x1F;
	s9 =	smul.u32 $0x55555556, s9;
	s31 =	spop (v2sf)  }
0xf3: {  	v16 =	vshrl.u32 v16, $0x4;
	v17 =	vsel vm1, s26, v17;
	s26 =	sshra.s32 s31, $0x1F;
	s31 =	smulhi.u32 $0x55555556, s31  }
0xf4: {  	s13 =	simm.s32 $0x30;
	s6 =	sshrl.u32 s6, $0x1F;
	v25 =	vmul.u32 $0xFFFFFFCC, v16;
	s19 =	smul.u32 $0x55555556, s26  }
0xf5: {  	v26 =	vsub.s32 $0x0, v21;
	v19 =	vnsel vm3, $0x0, v19;
	s28 =	sshra.s32 s15, $0x1F;
	v24 =	vmov s23;
	s23 =	smulhi.u32 $0x55555556, s30;
	s26 =	sshrl.u32 s29, $0x1F  }
0xf6: {  	vm10 =	vne.s32 v25, v26;
	(v2sf) =	vpush v13, $0x7;
	s29 =	sshra.s32 s30, $0x1F;
	v19 =	vsel vm0, s26, v19;
	s26 =	sadd.s32 s19, s31;
	s31 =	smul.u32 $0x55555556, s28  }
0xf7: {  	v22 =	vsel vm2, s1, v22;
	s1 =	sshrl.u32 s1, $0x1F;
	vm9 =	vmand vm9, vm10;
	s22 =	sshrl.u32 s7, $0x1F;
	s28 =	smul.u32 $0x55555556, s29  }
0xf8: {  	v23 =	vsel vm9, $0xFFFFFFFF, v2;
	s7 =	sshrl.u32 s17, $0x1F;
	v19 =	vsel vm1, s6, v19;
	s6 =	sadd.s32 s16, s20;
	s16 =	smulhi.u32 $0x55555556, s11  }
0xf9: {  	v20 =	vcombine.low v22, v20;
	v16 =	vadd.s32 v23, v16;
	s20 =	sshrl.u32 s14, $0x1F;
	s14 =	sshrl.u32 s8, $0x1F;
	s8 =	smulhi.u32 $0x55555556, s15  }
0xfa: {  	v25 =	vsel vm7, s12, v15;
	v23 =	vmul.u32 $0xFFFFFFCC, v16;
	s4 =	sadd.s32 s9, s4;
	s19 =	sshra.s32 s24, $0x1F;
	v19 =	vsel vm2, s20, v19;
	s20 =	smulhi.u32 $0x55555556, s24  }
0xfb: {  	v25 =	vperm.xlane v25, v9;
	v27 =	vperm.xlane v20, v8;
	s29 =	sshrl.u32 s25, $0x1F;
	s24 =	smulhi.u32 $0x55555556, s18;
	v22 =	vmov s26;
	s26 =	sshrl.u32 s26, $0x1F  }
0xfc: {  	v15 =	vadd.s32 v21, v23;
	s19 =	smul.u32 $0x55555556, s19;
	v19 =	vsel vm4, s22, v19;
	s22 =	spop (v2sf);
	s28 =	sadd.s32 s28, s23  }
0xfd: {  	v25 =	vsel vm8, v25, v27;
	(v2sf) =	vpush v15, $0x4;
	s23 =	sshra.s32 s5, $0x1F;
	s5 =	smulhi.u32 $0x55555556, s5;
	s8 =	sadd.s32 s31, s8  }
0xfe: {  	v24 =	vsel vm0, s7, v24;
	(v2sf) =	vpush v15, $0xE;
	s10 =	sadd.s32 s10, s16;
	v19 =	vsel vm5, s14, v19;
	s17 =	smulhi.u32 $0x55555556, s22;
	s14 =	spop (v2sf)  }
0xff: {  	v26 =	vmov s25;
	v24 =	vsel vm1, s2, v24;
	v21 =	vmov s29;
	s22 =	sshra.s32 s22, $0x1F;
	s29 =	sshrl.u32 s28, $0x1F;
	s30 =	spop (v2sf)  }
0x100: {  	v28 =	vsel vm2, s1, v17;
	v24 =	vsel vm2, s3, v24;
	s19 =	sadd.s32 s19, s20;
	s20 =	smul.u32 $0x55555556, s23;
	s7 =	spop (v2sf);
	(v2sf) =	vpush v15, $0xC  }
0x101: {  	v23 =	vmov s26;
	v19 =	vsel vm6, s21, v19;
	s21 =	sshrl.u32 s12, $0x1F;
	s11 =	smul.u32 $0x55555556, s22;
	s12 =	simm.s32 $0x40;
	(v2sf) =	vpush v15, $0x1  }
0x102: {  	v20 =	vsel vm0, s29, v23;
	s22 =	sshrl.u32 s0, $0x1F;
	s23 =	sshrl.u32 s19, $0x1F;
	v19 =	vsel vm7, s21, v19;
	s21 =	sshra.s32 s18, $0x1F;
	(v2sf) =	vpush v15, $0x0  }
0x103: {  	v23 =	vnsel vm3, $0x0, v26;
	v26 =	vmov s13;
	[dreg:$0x8] =	wrdreg s22;
	s3 =	sadd.s32 s20, s5;
	s15 =	smulhi.u32 $0x55555556, s7;
	(v2sf) =	vpush v15, $0x2  }
0x104: {  	v22 =	vsel vm0, s28, v22;
	vm11 =	veq.s32 v26, v1;
	s26 =	sshra.s32 s30, $0x1F;
	s25 =	sshra.s32 s7, $0x1F;
	s7 =	smulhi.u32 $0x55555556, s14;
	(v2sf) =	vpush v15, $0xD  }
0x105: {  	v23 =	vsel vm0, s10, v23;
	v26 =	vmov s19;
	s11 =	sadd.s32 s11, s17;
	s18 =	smul.u32 $0x55555556, s25;
	s28 =	spop (v2sf);
	(v2sf) =	vpush v15, $0xF  }
0x106: {  	v27 =	vsel vm1, s4, v23;
	s4 =	sshrl.u32 s4, $0x1F;
	v26 =	vsel vm0, s3, v26;
	s3 =	sshrl.u32 s3, $0x1F;
	s25 =	smul.u32 $0x55555556, s21;
	(v2sf) =	vpush v15, $0xA  }
0x107: {  	v11 =	vbroadcast v10, $0x1;
	v24 =	vcombine.low v28, v24;
	s1 =	smul.u32 $0x55555556, s26;
	s14 =	sshra.s32 s14, $0x1F;
	s16 =	sshrl.u32 s11, $0x1F;
	(v2sf) =	vpush v15, $0x9  }
0x108: {  	v10 =	vbroadcast v10, $0x0;
	v18 =	vshll.u32 v18, $0x7;
	s21 =	sadd.s32 s18, s15;
	s15 =	smulhi.u32 $0x55555556, s30;
	s25 =	sadd.s32 s25, s24;
	(v2sf) =	vpush v15, $0x8  }
0x109: {  	v24 =	vperm.xlane v24, v8;
	v19 =	vperm.xlane v19, v9;
	s24 =	sshrl.u32 s6, $0x1F;
	s31 =	sshrl.u32 s25, $0x1F;
	v22 =	vsel vm1, s25, v22;
	s25 =	smul.u32 $0x55555556, s14  }
0x10a: {  	vm9 =	vlt.s32 v12, $0x1;
	v17 =	vand.u32 $0xFFFFFF80, v12;
	v21 =	vnsel vm3, $0x0, v21;
	s29 =	sshra.s32 s28, $0x1F;
	s26 =	smulhi.u32 $0x55555556, s28;
	s28 =	sshrl.u32 s10, $0x1F  }
0x10b: {  	v28 =	vmov s23;
	v19 =	vsel vm8, v19, v24;
	s30 =	sshrl.u32 s8, $0x1F;
	[dreg:$0x7] =	wrdreg s21;
	s5 =	sadd.s32 s1, s15;
	v21 =	vsel vm0, s28, v21  }
0x10c: {  	v25 =	vadd.s32 v19, v25;
	v20 =	vsel vm1, s31, v20;
	s29 =	smul.u32 $0x55555556, s29;
	s31 =	spop (v2sf);
	s1 =	sadd.s32 s25, s7;
	v21 =	vsel vm1, s4, v21  }
0x10d: {  	v23 =	vsel vm2, s21, v22;
	v22 =	vsel vm1, s0, v26;
	s18 =	sshra.s32 s31, $0x1F;
	s9 =	smulhi.u32 $0x55555556, s31;
	v21 =	vsel vm2, s16, v21;
	s19 =	spop (v2sf)  }
0x10e: {  	v26 =	vsel vm2, s11, v27;
	s17 =	sadd.s32 s29, s26;
	s18 =	smul.u32 $0x55555556, s18;
	v19 =	vsel vm4, s24, v21;
	v21 =	vmul.u32 $0xFFFFFFFD, v25;
	s29 =	sshra.s32 s19, $0x1F  }
0x10f: {  	s10 =	sshrl.u32 s5, $0x1F;
	v24 =	vsel vm2, s8, v22;
	v29 =	vsel vm4, s6, v26;
	(v2sf) =	vpush v15, $0x3;
	s14 =	smul.u32 $0x55555556, s29;
	s21 =	spop (v2sf)  }
0x110: {  	s15 =	sshrl.u32 s1, $0x1F;
	(v2sf) =	vpush v15, $0x6;
	v19 =	vsel vm5, s10, v19;
	v22 =	vadd.s32 v12, v21;
	s23 =	spop (v2sf);
	s28 =	smulhi.u32 $0x55555556, s21  }
0x111: {  	s22 =	sshrl.u32 s17, $0x1F;
	v19 =	vsel vm6, s15, v19;
	v21 =	vor.u32 s13, v1;
	vm10 =	vne.s32 v22, $0x0;
	s24 =	smulhi.u32 $0x55555556, s23;
	s25 =	spop (v2sf)  }
0x112: {  	vm12 =	vlt.s32 v22, $0x0;
	v26 =	vadd.s32 $0x3, v22;
	v19 =	vsel vm7, s22, v19;
	s7 =	sshra.s32 s21, $0x1F;
	[dreg:$0xa] =	wrdreg s28;
	s4 =	spop (v2sf)  }
0x113: {  	vm9 =	vmand vm9, vm10;
	v19 =	vperm.xlane v19, v9;
	v30 =	vsel vm12, v26, v22;
	s6 =	sshra.s32 s23, $0x1F;
	s16 =	smulhi.u32 $0x55555556, s25;
	s26 =	spop (v2sf)  }
0x114: {  	v22 =	vmulhi.u32 $0x4EC4EC4F, v21;
	v27 =	vsel vm9, $0xFFFFFFFF, v2;
	vm9 =	veq.s32 v30, $0x0;
	s31 =	sshra.s32 s25, $0x1F;
	s25 =	smulhi.u32 $0x55555556, s19;
	s20 =	spop (v2sf)  }
0x115: {  	vm10 =	veq.s32 v30, $0x1;
	v26 =	vadd.s32 v27, v25;
	(v2sf) =	vpush v15, $0x5;
	[dreg:$0x9] =	wrdreg s24;
	s11 =	sshra.s32 s4, $0x1F;
	s13 =	spop (v2sf)  }
0x116: {  	v25 =	vshll.u32 v26, $0x1;
	v27 =	vadd.s32 $0x22, v26;
	(v2sf) =	vpush v15, $0xB;
	s2 =	smul.u32 $0x55555556, s31;
	s10 =	sshra.s32 s26, $0x1F;
	s22 =	spop (v2sf)  }
0x117: {  	v26 =	vsel vm0, s3, v28;
	v28 =	vor.u32 $0x1, v25;
	(v2sf) =	vpush v15, $0x7;
	s8 =	sshra.s32 s20, $0x1F;
	s23 =	sshra.s32 s22, $0x1F;
	s19 =	spop (v2sf)  }
.LBB2_18:
0x118: {  	s3 =	smulhi.u32 $0x55555556, s13  }
0x119: {  	s29 =	sshra.s32 s19, $0x1F;
	s19 =	smulhi.u32 $0x55555556, s19  }
0x11a: {  	v23 =	vcombine.low v23, v24;
	v24 =	vsel vm10, v28, v27;
	v28 =	vsel vm5, s5, v29;
	s5 =	smulhi.u32 $0x55555556, s4  }
0x11b: {  	s23 =	smul.u32 $0x55555556, s23  }
0x11c: {  	s20 =	smulhi.u32 $0x55555556, s20  }
0x11d: {  	s7 =	smul.u32 $0x55555556, s7  }
0x11e: {  	s6 =	smul.u32 $0x55555556, s6;
	v22 =	vshrl.u32 v22, $0x4  }
0x11f: {  	s15 =	sshra.s32 s13, $0x1F;
	s11 =	smul.u32 $0x55555556, s11;
	v27 =	vmul.u32 $0xFFFFFFCC, v22  }
0x120: {  	s13 =	smov.u32 s12;
	s0 =	sadd.s32 $0x10, s12;
	s10 =	smul.u32 $0x55555556, s10;
	v24 =	vsel vm9, v25, v24;
	v25 =	vsub.s32 $0x0, v21  }
0x121: {  	p0 =	sne.s32 s12, $0x1440;
	s12 =	sadd.s32 s14, s25;
	s14 =	smulhi.u32 $0x55555556, s22;
	vm13 =	vne.s32 v27, v25  }
0x122: {  	s24 =	smov.u32 s30;
	v28 =	vsel vm6, s1, v28;
	s29 =	smul.u32 $0x55555556, s29;
	vm12 =	vlt.s32 v24, $0x32;
	vm11 =	vmand vm11, vm13  }
0x123: {  	[dreg:$0xb] =	wrdreg s0;
	s22 =	smul.u32 $0x55555556, s8;
	s2 =	sadd.s32 s2, s16;
	v28 =	vsel vm7, s17, v28;
	v24 =	vnsel vm12, $0x32, v24;
	v27 =	vsel vm11, $0xFFFFFFFF, v2  }
0x124: {  	s25 =	sshrl.u32 s12, $0x1F;
	s17 =	rddreg [dreg:$0x6];
	s29 =	sadd.s32 s29, s19;
	v25 =	vand.u32 $0xFFFFFF80, v24;
	v24 =	vand.u32 $0x7F, v24;
	v22 =	vadd.s32 v27, v22  }
0x125: {  	s14 =	sadd.s32 s23, s14;
	s23 =	rddreg [dreg:$0x9];
	v25 =	vadd.s32 v18, v25;
	v18 =	vadd.s32 v18, v17;
	v17 =	vmul.u32 $0xFFFFFFCC, v22;
	s21 =	spop (v2sf)  }
0x126: {  	s6 =	sadd.s32 s6, s23;
	v24 =	vor.u32 v24, v25;
	v25 =	vmov s2;
	s2 =	sshrl.u32 s2, $0x1F;
	s30 =	spop (v2sf)  }
0x127: {  	v21 =	vadd.s32 v21, v17;
	v17 =	vmov s2;
	s2 =	sadd.s32 s18, s9;
	s18 =	smul.u32 $0x55555556, s15;
	s28 =	spop (v2sf)  }
0x128: {  	v29 =	vand.u32 $0x7F, v12;
	vm13 =	veq.s32 v12, $0x33;
	s9 =	sshrl.u32 s29, $0x1F;
	s4 =	sshra.s32 s21, $0x1F;
	s1 =	spop (v2sf);
	(v2sf) =	vpush v21, $0x4  }
0x129: {  	v12 =	vmovc v13;
	v13 =	vmovc v15;
	s16 =	smulhi.u32 $0x55555556, s21;
	v15 =	vmov v21;
	v31 =	vmov s9;
	s9 =	sadd.s32 s22, s20;
	s8 =	spop (v2sf);
	(v2sf) =	vpush v21, $0xE  }
0x12a: {  	s15 =	sshrl.u32 s2, $0x1F;
	s20 =	rddreg [dreg:$0x8];
	s31 =	smulhi.u32 $0x55555556, s30;
	(v2sf) =	vpush v15, $0xC  }
0x12b: {  	v30 =	vmov s13;
	v23 =	vperm.xlane v23, v8;
	v29 =	vor.u32 v29, v18;
	v24 =	vld.idx.msk [tilespmem:v24+s17+$0x0], $0xffff;
	s22 =	rddreg [dreg:$0xa];
	s3 =	sadd.s32 s18, s3;
	s17 =	smulhi.u32 $0x55555556, s28  }
0x12c: {  	vm12 =	vlt.s32 v12, $0x1;
	v18 =	vshll.u32 v14, $0x7;
	[dreg:$0xc] =	wrdreg s31;
	s21 =	sshra.s32 s1, $0x1F;
	s0 =	smulhi.u32 $0x55555556, s1;
	(v2sf) =	vpush v15, $0x1  }
0x12d: {  	v14 =	vmovc v16;
	vm11 =	veq.s32 v30, v1;
	v16 =	vmovc v22;
	v22 =	vnsel vm10, $0x3F800000, v11;
	s31 =	sshra.s32 s28, $0x1F;
	s1 =	smul.u32 $0x55555556, s4;
	v21 =	vmov s29;
	s29 =	rddreg [dreg:$0x7]  }
0x12e: {  	v25 =	vnsel vm3, $0x0, v25;
	v22 =	vsel vm9, v10, v22;
	s28 =	sadd.s32 s11, s5;
	s4 =	sshra.s32 s8, $0x1F;
	s19 =	smul.u32 $0x55555556, s21;
	(v2sf) =	vpush v15, $0x0  }
0x12f: {  	v26 =	vsel vm1, s20, v26;
	s21 =	sshrl.u32 s29, $0x1F;
	v21 =	vsel vm0, s14, v21;
	s18 =	smul.u32 $0x55555556, s31;
	s14 =	sshrl.u32 s14, $0x1F;
	(v2sf) =	vpush v15, $0x2  }
0x130: {  	s31 =	sshrl.u32 s3, $0x1F;
	s11 =	sshrl.u32 s28, $0x1F;
	s8 =	smulhi.u32 $0x55555556, s8;
	v30 =	vsel vm2, s21, v20;
	v20 =	vsel vm13, $0x0, v22;
	(v2sf) =	vpush v15, $0xD  }
0x131: {  	s16 =	sadd.s32 s1, s16;
	s21 =	simm.s32 $0xA600;
	s1 =	sadd.s32 s7, s22;
	v22 =	vmul.f32 v24, v20;
	v24 =	vperm.xlane v28, v9;
	(v2sf) =	vpush v15, $0xF  }
0x132: {  	v21 =	vsel vm1, s3, v21;
	s29 =	sadd.s32 s19, s0;
	s0 =	sshra.s32 s30, $0x1F;
	s19 =	smulhi.u32 $0x55555556, s26;
	v20 =	vsel vm0, s14, v31;
	(v2sf) =	vpush v15, $0xA  }
0x133: {  	s30 =	sshrl.u32 s9, $0x1F;
	s14 =	smov.u32 s25;
	s5 =	sadd.s32 s18, s17;
	[tilespmem:v29+s21+$0x0] =	vst.idx.msk $0xffff, v22;
	v22 =	vsel vm8, v24, v23;
	v23 =	vsel vm2, s24, v26;
	(v2sf) =	vpush v15, $0x9  }
0x134: {  	s17 =	rddreg [dreg:$0xc];
	s18 =	smul.u32 $0x55555556, s4;
	v24 =	vsel vm0, s6, v25;
	v25 =	vmov s1;
	s3 =	sadd.s32 s10, s19;
	(v2sf) =	vpush v15, $0x8  }
0x135: {  	v27 =	vnsel vm3, $0x0, v17;
	s26 =	sshrl.u32 s16, $0x1F;
	s0 =	smul.u32 $0x55555556, s0;
	[dreg:$0x8] =	wrdreg s14;
	v23 =	vcombine.low v30, v23;
	v25 =	vsel vm0, s3, v25  }
0x136: {  	v20 =	vsel vm1, s31, v20;
	s31 =	sshrl.u32 s1, $0x1F;
	[dreg:$0x7] =	wrdreg s29;
	s6 =	sshrl.u32 s6, $0x1F;
	v24 =	vsel vm1, s28, v24;
	v25 =	vsel vm1, s12, v25  }
0x137: {  	s20 =	sshrl.u32 s5, $0x1F;
	s1 =	sadd.s32 s0, s17;
	v28 =	vperm.xlane v23, v8;
	v23 =	vsel vm2, s29, v21;
	v21 =	vsel vm0, s6, v27;
	s19 =	spop (v2sf)  }
0x138: {  	v27 =	vsel vm2, s16, v24;
	v24 =	vsel vm2, s9, v25;
	v21 =	vsel vm1, s11, v21;
	s22 =	sshra.s32 s19, $0x1F;
	s23 =	spop (v2sf);
	s9 =	smulhi.u32 $0x55555556, s19  }
0x139: {  	v17 =	vand.u32 $0xFFFFFF80, v12;
	s17 =	sadd.s32 s18, s8;
	v19 =	vsel vm8, v19, v28;
	v21 =	vsel vm2, s26, v21;
	s18 =	smul.u32 $0x55555556, s22;
	s24 =	spop (v2sf)  }
0x13a: {  	v26 =	vmov s31;
	s3 =	sshrl.u32 s3, $0x1F;
	v22 =	vadd.s32 v19, v22;
	v19 =	vsel vm4, s15, v21;
	s29 =	sshra.s32 s23, $0x1F;
	s0 =	smulhi.u32 $0x55555556, s24  }
0x13b: {  	s21 =	sshrl.u32 s1, $0x1F;
	v26 =	vsel vm0, s3, v26;
	v21 =	vmul.u32 $0xFFFFFFFD, v22;
	v19 =	vsel vm5, s20, v19;
	s25 =	spop (v2sf);
	s14 =	smul.u32 $0x55555556, s29  }
0x13c: {  	s8 =	sshrl.u32 s17, $0x1F;
	s12 =	rddreg [dreg:$0xb];
	v29 =	vsel vm4, s2, v27;
	(v2sf) =	vpush v15, $0x3;
	v19 =	vsel vm6, s21, v19;
	s26 =	smulhi.u32 $0x55555556, s25  }
0x13d: {  	(v2sf) =	vpush v15, $0x6;
	v21 =	vadd.s32 v12, v21;
	v19 =	vsel vm7, s8, v19;
	s6 =	sshra.s32 s25, $0x1F;
	s28 =	spop (v2sf);
	s25 =	smulhi.u32 $0x55555556, s23  }
0x13e: {  	vm9 =	vne.s32 v21, $0x0;
	vm10 =	vlt.s32 v21, $0x0;
	v25 =	vadd.s32 $0x3, v21;
	s4 =	spop (v2sf);
	[dreg:$0x9] =	wrdreg s26  }
.Ltmp12:
0x13f: {  	v19 =	vperm.xlane v19, v9;
	vm9 =	vmand vm12, vm9;
	v28 =	vsel vm10, v25, v21;
	s7 =	sshra.s32 s24, $0x1F;
	s26 =	spop (v2sf);
	(pc) =	sbr.rel @p0 .LBB2_18-.Ltmp12, $4  }
0x140: {  	v21 =	vor.u32 s13, v1;
	(v2sf) =	vpush v15, $0x5;
	v25 =	vsel vm9, $0xFFFFFFFF, v2;
	[dreg:$0xa] =	wrdreg s0;
	s31 =	sshra.s32 s28, $0x1F;
	s20 =	spop (v2sf)  }
0x141: {  	vm9 =	veq.s32 v28, $0x0;
	vm10 =	veq.s32 v28, $0x1;
	v27 =	vadd.s32 v25, v22;
	s16 =	smulhi.u32 $0x55555556, s28;
	s11 =	sshra.s32 s4, $0x1F;
	s13 =	spop (v2sf)  }
0x142: {  	(v2sf) =	vpush v15, $0xB;
	v22 =	vmulhi.u32 $0x4EC4EC4F, v21;
	v25 =	vshll.u32 v27, $0x1;
	s2 =	smul.u32 $0x55555556, s31;
	s10 =	sshra.s32 s26, $0x1F;
	s22 =	spop (v2sf)  }
0x143: {  	v27 =	vadd.s32 $0x22, v27;
	(v2sf) =	vpush v15, $0x7;
	v28 =	vor.u32 $0x1, v25;
	s8 =	sshra.s32 s20, $0x1F;
	s23 =	sshra.s32 s22, $0x1F;
	s19 =	spop (v2sf)  }
0x144: {  	v22 =	vshrl.u32 v22, $0x4  }
0x145: {  	v30 =	vmul.u32 $0xFFFFFFCC, v22  }
0x146: {  	v31 =	vsub.s32 $0x0, v21  }
0x147: {  	vm12 =	vne.s32 v30, v31  }
0x148: {  	s0 =	smulhi.u32 $0x55555556, s4;
	vm11 =	vmand vm11, vm12  }
0x149: {  	s24 =	smulhi.u32 $0x55555556, s19;
	v51 =	vsel vm11, $0xFFFFFFFF, v2  }
0x14a: {  	s21 =	smulhi.u32 $0x55555556, s22;
	v22 =	vadd.s32 v51, v22  }
0x14b: {  	s22 =	smul.u32 $0x55555556, s8;
	v30 =	vmul.u32 $0xFFFFFFCC, v22  }
0x14c: {  	s8 =	smul.u32 $0x55555556, s23  }
0x14d: {  	s3 =	sshra.s32 s19, $0x1F;
	s31 =	smulhi.u32 $0x55555556, s20;
	v21 =	vadd.s32 v21, v30  }
0x14e: {  	s4 =	smul.u32 $0x55555556, s3;
	[smem:$0x7F3] =	sst s22;
	(v2sf) =	vpush v21, $0x4  }
0x14f: {  	s22 =	smulhi.u32 $0x55555556, s26;
	s28 =	spop (v2sf);
	(v2sf) =	vpush v21, $0xE  }
0x150: {  	[smem:$0x7F5] =	sst s21;
	s21 =	sshra.s32 s13, $0x1F;
	s29 =	smulhi.u32 $0x55555556, s28  }
0x151: {  	s21 =	smul.u32 $0x55555556, s21;
	s19 =	spop (v2sf);
	s3 =	sshra.s32 s28, $0x1F  }
0x152: {  	s15 =	smul.u32 $0x55555556, s3;
	[smem:$0x7F6] =	sst s29;
	(v2sf) =	vpush v21, $0xC  }
0x153: {  	s29 =	smulhi.u32 $0x55555556, s13;
	s12 =	spop (v2sf);
	(v2sf) =	vpush v21, $0x1  }
0x154: {  	[smem:$0x7F7] =	sst s15;
	s15 =	smul.u32 $0x55555556, s11;
	(v2sf) =	vpush v21, $0x0  }
0x155: {  	s26 =	smulhi.u32 $0x55555556, s12;
	s20 =	spop (v2sf);
	(v2sf) =	vpush v21, $0x2  }
0x156: {  	s28 =	smulhi.u32 $0x55555556, s20;
	(v2sf) =	vpush v21, $0xD  }
0x157: {  	s14 =	sadd.s32 s14, s25;
	[smem:$0x7FA] =	sst s26;
	s26 =	smul.u32 $0x55555556, s7;
	(v2sf) =	vpush v21, $0xF  }
0x158: {  	[dreg:$0x1d] =	wrdreg s14;
	s3 =	sshra.s32 s20, $0x1F;
	s20 =	smul.u32 $0x55555556, s6;
	(v2sf) =	vpush v21, $0xA  }
0x159: {  	[smem:$0x7F4] =	sst s31;
	s23 =	sshra.s32 s12, $0x1F;
	s31 =	smul.u32 $0x55555556, s3;
	(v2sf) =	vpush v21, $0x9  }
0x15a: {  	[dreg:$0x1e] =	wrdreg s0;
	s3 =	smul.u32 $0x55555556, s23;
	(v2sf) =	vpush v21, $0x8  }
0x15b: {  	s7 =	spop (v2sf);
	s23 =	smulhi.u32 $0x55555556, s19  }
0x15c: {  	[smem:$0x7F9] =	sst s22;
	s0 =	smulhi.u32 $0x55555556, s7  }
0x15d: {  	[smem:$0x7FB] =	sst s3;
	s3 =	spop (v2sf)  }
0x15e: {  	s14 =	sadd.s32 s4, s24;
	[smem:$0x7FC] =	sst s23;
	s22 =	spop (v2sf)  }
0x15f: {  	s4 =	sshra.s32 s3, $0x1F;
	[dreg:$0x1a] =	wrdreg s22;
	s22 =	smul.u32 $0x55555556, s10  }
0x160: {  	[smem:$0x7FD] =	sst s0;
	s24 =	smul.u32 $0x55555556, s4  }
0x161: {  	s23 =	spop (v2sf);
	s10 =	sadd.s32 s31, s28;
	s31 =	smulhi.u32 $0x55555556, s3  }
0x162: {  	s25 =	sshra.s32 s19, $0x1F;
	s3 =	sld [smem:$0x7F3];
	s12 =	spop (v2sf)  }
0x163: {  	s13 =	sadd.s32 s2, s16;
	s4 =	sld [smem:$0x7F4];
	s16 =	spop (v2sf)  }
0x164: {  	s2 =	sshra.s32 s7, $0x1F;
	[dreg:$0x1b] =	wrdreg s10;
	s19 =	spop (v2sf)  }
0x165: {  	s7 =	sadd.s32 s18, s9;
	s10 =	smulhi.u32 $0x55555556, s16;
	s6 =	spop (v2sf)  }
0x166: {  	s28 =	sadd.s32 s3, s4;
	s4 =	sld [smem:$0x7F6];
	s9 =	spop (v2sf)  }
0x167: {  	s11 =	sshra.s32 s16, $0x1F;
	[dreg:$0x19] =	wrdreg s9;
	s9 =	spop (v2sf)  }
0x168: {  	s16 =	smul.u32 $0x55555556, s11;
	s0 =	spop (v2sf)  }
0x169: {  	[dreg:$0x1c] =	wrdreg s6;
	s6 =	spop (v2sf)  }
0x16a: {  	s11 =	sshra.s32 s6, $0x1F;
	s18 =	smulhi.u32 $0x55555556, s6;
	s6 =	sld [smem:$0x7F7]  }
0x16b: {  	[smem:$0x7F8] =	sst s15  }
0x16c: {  	s29 =	sadd.s32 s21, s29;
	[dreg:$0x1f] =	wrdreg s7  }
0x16d: {  	s21 =	sadd.s32 s6, s4;
	s6 =	smul.u32 $0x55555556, s11;
	s11 =	rddreg [dreg:$0x9]  }
0x16e: {  	s15 =	smul.u32 $0x55555556, s2;
	s20 =	sadd.s32 s20, s11;
	s11 =	sld [smem:$0x7F9]  }
0x16f: {  	s7 =	sld [smem:$0x7F5];
	s4 =	smulhi.u32 $0x55555556, s0;
	s0 =	sshra.s32 s0, $0x1F  }
0x170: {  	(v2sf) =	vpush v21, $0x3;
	s2 =	smul.u32 $0x55555556, s0;
	s0 =	sld [smem:$0x7FA]  }
0x171: {  	s11 =	sadd.s32 s22, s11;
	s22 =	sld [smem:$0x7FB]  }
0x172: {  	s7 =	sadd.s32 s8, s7;
	s8 =	rddreg [dreg:$0xa]  }
0x173: {  	v29 =	vsel vm5, s5, v29;
	s26 =	sadd.s32 s26, s8;
	s8 =	sld [smem:$0x7F8]  }
0x174: {  	v23 =	vcombine.low v23, v24;
	v27 =	vsel vm10, v28, v27;
	v29 =	vsel vm6, s1, v29;
	s22 =	sadd.s32 s22, s0;
	s0 =	sld [smem:$0x7FC]  }
0x175: {  	v17 =	vadd.s32 v18, v17;
	v14 =	vshll.u32 v14, $0x7;
	v29 =	vsel vm7, s17, v29;
	s25 =	smul.u32 $0x55555556, s25;
	s3 =	rddreg [dreg:$0x1e]  }
0x176: {  	v16 =	vshll.u32 v16, $0x7;
	v23 =	vperm.xlane v23, v8;
	v29 =	vperm.xlane v29, v9;
	s8 =	sadd.s32 s8, s3;
	s3 =	smulhi.u32 $0x55555556, s9;
	s9 =	sshra.s32 s9, $0x1F  }
0x177: {  	v25 =	vsel vm9, v25, v27;
	v33 =	vmov s14;
	(v2sf) =	vpush v21, $0x6;
	s25 =	sadd.s32 s25, s0;
	s0 =	smul.u32 $0x55555556, s9;
	s9 =	sld [smem:$0x7FD]  }
0x178: {  	v23 =	vsel vm8, v29, v23;
	vm11 =	vlt.s32 v25, $0x32;
	(v2sf) =	vpush v21, $0x5  }
0x179: {  	v48 =	vnsel vm11, $0x32, v25;
	vm11 =	vlt.s32 v13, $0x1;
	s17 =	sshrl.u32 s13, $0x1F;
	v52 =	vmov s13;
	s16 =	sadd.s32 s16, s10  }
0x17a: {  	v53 =	vmov s17;
	v58 =	vnsel vm3, $0x0, v52;
	v52 =	vand.u32 $0xFFFFFF80, v48;
	s15 =	sadd.s32 s15, s9;
	s9 =	sadd.s32 s6, s18;
	s18 =	sadd.s32 s24, s31  }
0x17b: {  	v59 =	vnsel vm3, $0x0, v53;
	v55 =	vsel vm0, s7, v33;
	(v2sf) =	vpush v21, $0xB;
	s6 =	rddreg [dreg:$0x7];
	s24 =	sshrl.u32 s14, $0x1F;
	s31 =	sshrl.u32 s7, $0x1F  }
0x17c: {  	v60 =	vsel vm1, s29, v55;
	v61 =	vmov s26;
	(v2sf) =	vpush v21, $0x7;
	s7 =	sshra.s32 s19, $0x1F;
	s14 =	smulhi.u32 $0x55555556, s19;
	s19 =	sshrl.u32 s20, $0x1F  }
0x17d: {  	s17 =	sshra.s32 s12, $0x1F;
	v42 =	vmov s16;
	s5 =	sadd.s32 s2, s4;
	s10 =	sshrl.u32 s6, $0x1F;
	v32 =	vmov s24;
	v30 =	vsel vm0, s19, v59  }
0x17e: {  	s2 =	smulhi.u32 $0x55555556, s23;
	s4 =	sshrl.u32 s29, $0x1F;
	s29 =	sshrl.u32 s8, $0x1F;
	v38 =	vmov s9;
	v59 =	vand.u32 $0x7F, v12;
	v34 =	vsel vm2, s10, v20  }
0x17f: {  	s1 =	sadd.s32 s0, s3;
	s0 =	smulhi.u32 $0x55555556, s12;
	s12 =	spop (v2sf);
	v54 =	vsel vm0, s31, v32;
	v20 =	vsel vm0, s20, v58;
	v30 =	vsel vm1, s29, v30  }
0x180: {  	s3 =	smulhi.u32 $0x55555556, s12;
	s6 =	sshra.s32 s23, $0x1F;
	s10 =	rddreg [dreg:$0x8];
	v32 =	vsel vm0, s11, v61;
	v38 =	vsel vm0, s5, v38;
	v17 =	vor.u32 v59, v17  }
0x181: {  	s23 =	rddreg [dreg:$0x1d];
	s24 =	sshrl.u32 s21, $0x1F;
	s20 =	sshrl.u32 s26, $0x1F;
	v56 =	vsel vm1, s4, v54;
	v57 =	vsel vm1, s10, v26;
	v20 =	vsel vm1, s8, v20  }
0x182: {  	s13 =	sshra.s32 s12, $0x1F;
	s19 =	sshrl.u32 s11, $0x1F;
	s6 =	smul.u32 $0x55555556, s6;
	v35 =	vmov s20;
	v30 =	vsel vm2, s24, v30;
	v32 =	vsel vm1, s23, v32  }
0x183: {  	s7 =	smul.u32 $0x55555556, s7;
	s26 =	sshrl.u32 s22, $0x1F;
	v38 =	vsel vm1, s1, v38;
	v26 =	vsel vm2, s30, v57;
	s30 =	rddreg [dreg:$0x1f];
	v20 =	vsel vm2, s21, v20  }
0x184: {  	s29 =	sshrl.u32 s25, $0x1F;
	v32 =	vsel vm2, s28, v32;
	v62 =	vsel vm0, s19, v35;
	s2 =	sadd.s32 s6, s2;
	s31 =	sshrl.u32 s30, $0x1F;
	v20 =	vsel vm4, s30, v20  }
0x185: {  	s10 =	smul.u32 $0x55555556, s13;
	s8 =	sshrl.u32 s23, $0x1F;
	s24 =	rddreg [dreg:$0x1c];
	v40 =	vmov s2;
	v26 =	vcombine.low v34, v26;
	v30 =	vsel vm4, s31, v30  }
0x186: {  	s13 =	sshrl.u32 s28, $0x1F;
	s20 =	spop (v2sf);
	s21 =	sshra.s32 s24, $0x1F;
	v34 =	vadd.s32 v18, v52;
	v20 =	vsel vm5, s22, v20;
	v30 =	vsel vm5, s26, v30  }
0x187: {  	s4 =	smulhi.u32 $0x55555556, s20;
	s31 =	spop (v2sf);
	v36 =	vsel vm6, s25, v20;
	s26 =	sshrl.u32 s16, $0x1F;
	v26 =	vperm.xlane v26, v8;
	v30 =	vsel vm6, s29, v30  }
0x188: {  	s30 =	sshrl.u32 s15, $0x1F;
	s23 =	smulhi.u32 $0x55555556, s31;
	v63 =	vsel vm7, s15, v36;
	s29 =	rddreg [dreg:$0x1b];
	v37 =	vmov s26;
	v36 =	vnsel vm3, $0x0, v42  }
0x189: {  	s19 =	sshrl.u32 s1, $0x1F;
	s28 =	sshra.s32 s31, $0x1F;
	s31 =	smul.u32 $0x55555556, s17;
	v20 =	vsel vm7, s30, v30;
	v31 =	vsel vm2, s29, v60;
	v30 =	vsel vm1, s8, v62  }
0x18a: {  	s17 =	smulhi.u32 $0x55555556, s24;
	s30 =	sshrl.u32 s9, $0x1F;
	s15 =	sshrl.u32 s29, $0x1F;
	v37 =	vnsel vm3, $0x0, v37;
	v19 =	vsel vm8, v19, v26;
	v62 =	vperm.xlane v63, v9  }
0x18b: {  	s25 =	smul.u32 $0x55555556, s28;
	s0 =	sadd.s32 s31, s0;
	s29 =	sshrl.u32 s2, $0x1F;
	v63 =	vnsel vm10, $0x3F800000, v11;
	v39 =	vmov s30;
	v33 =	vsel vm2, s15, v56  }
0x18c: {  	s10 =	sadd.s32 s10, s3;
	s22 =	sadd.s32 s7, s14;
	s28 =	smul.u32 $0x55555556, s21;
	v30 =	vsel vm2, s13, v30;
	v36 =	vsel vm0, s0, v36;
	v43 =	vmov s29  }
0x18d: {  	s3 =	spop (v2sf);
	s15 =	sshrl.u32 s5, $0x1F;
	s0 =	sshrl.u32 s0, $0x1F;
	v19 =	vadd.s32 v19, v23;
	v23 =	vand.u32 $0x7F, v48;
	v56 =	vcombine.low v31, v32  }
0x18e: {  	s16 =	rddreg [dreg:$0x1a];
	s26 =	sshra.s32 s20, $0x1F;
	s5 =	sadd.s32 s28, s17;
	v20 =	vperm.xlane v20, v9;
	v39 =	vsel vm0, s15, v39;
	v37 =	vsel vm0, s0, v37  }
0x18f: {  	s6 =	sshrl.u32 s10, $0x1F;
	s24 =	spop (v2sf);
	s1 =	smul.u32 $0x55555556, s26;
	v36 =	vsel vm1, s22, v36;
	v46 =	vsel vm0, s5, v40;
	v49 =	vmul.u32 $0xFFFFFFFD, v19  }
0x190: {  	s31 =	sshra.s32 s24, $0x1F;
	s7 =	smulhi.u32 $0x55555556, s24;
	s30 =	sshrl.u32 s22, $0x1F;
	v23 =	vor.u32 v23, v34;
	v60 =	vcombine.low v33, v30;
	v30 =	vsel vm9, v10, v63  }
0x191: {  	s17 =	sshra.s32 s16, $0x1F;
	s0 =	smul.u32 $0x55555556, s31;
	s5 =	sshrl.u32 s5, $0x1F;
	v39 =	vsel vm1, s19, v39;
	v37 =	vsel vm1, s30, v37;
	v36 =	vsel vm2, s10, v36  }
0x192: {  	s2 =	smul.u32 $0x55555556, s17;
	s10 =	sshrl.u32 s18, $0x1F;
	v24 =	vsel vm0, s5, v43;
	v61 =	vperm.xlane v56, v8;
	v44 =	vsel vm2, s6, v37  }
0x193: {  	s8 =	sadd.s32 s25, s23;
	s13 =	sshra.s32 s3, $0x1F;
	s5 =	smulhi.u32 $0x55555556, s16;
	v45 =	vsel vm4, s18, v36;
	v25 =	vadd.s32 v13, v49;
	v28 =	vsel vm4, s10, v44  }
0x194: {  	s3 =	smulhi.u32 $0x55555556, s3;
	s4 =	sadd.s32 s1, s4;
	s11 =	sshrl.u32 s8, $0x1F;
	v47 =	vsel vm5, s8, v45;
	vm12 =	vne.s32 v25, $0x0;
	vm13 =	vlt.s32 v25, $0x0  }
0x195: {  	s12 =	sadd.s32 s0, s7;
	s0 =	smul.u32 $0x55555556, s13;
	s2 =	sadd.s32 s2, s5;
	v53 =	vadd.s32 $0x3, v25;
	v28 =	vsel vm5, s11, v28;
	v26 =	vsel vm6, s4, v47  }
0x196: {  	s14 =	sshrl.u32 s4, $0x1F;
	v36 =	vsel vm1, s2, v46;
	vm11 =	vmand vm11, vm12;
	v25 =	vsel vm13, v53, v25  }
0x197: {  	s0 =	sadd.s32 s0, s3;
	s18 =	sshrl.u32 s2, $0x1F;
	vm13 =	veq.s32 v12, $0x33;
	v12 =	vsel vm8, v62, v61;
	v28 =	vsel vm6, s14, v28  }
0x198: {  	v50 =	vsel vm2, s0, v38;
	v24 =	vsel vm1, s18, v24;
	v54 =	vsel vm11, $0xFFFFFFFF, v2  }
0x199: {  	vm11 =	veq.s32 v25, $0x0;
	vm12 =	veq.s32 v25, $0x1;
	v55 =	vadd.s32 v54, v19  }
0x19a: {  	s19 =	rddreg [dreg:$0x19];
	v31 =	vsel vm13, $0x0, v30;
	vm13 =	veq.s32 v13, $0x33;
	v19 =	vshll.u32 v55, $0x1  }
0x19b: {  	s20 =	sshra.s32 s19, $0x1F;
	s2 =	smulhi.u32 $0x55555556, s19;
	s0 =	sshrl.u32 s0, $0x1F;
	v38 =	vand.u32 $0x7F, v13;
	v18 =	vadd.s32 $0x22, v55;
	v57 =	vor.u32 $0x1, v19  }
0x19c: {  	s21 =	rddreg [dreg:$0x6];
	s15 =	sshrl.u32 s12, $0x1F;
	v26 =	vsel vm7, s12, v26;
	v51 =	vsel vm2, s0, v39;
	s0 =	smul.u32 $0x55555556, s20;
	v18 =	vsel vm12, v57, v18  }
0x19d: {  	v23 =	vld.idx.msk [tilespmem:v23+s21+$0x0], $0xffff;
	v28 =	vsel vm7, s15, v28;
	v18 =	vsel vm11, v19, v18;
	v19 =	vperm.xlane v60, v8  }
0x19e: {  	v26 =	vperm.xlane v26, v9;
	v46 =	vnsel vm12, $0x3F800000, v11;
	v40 =	vperm.xlane v28, v9;
	s0 =	sadd.s32 s0, s2  }
0x19f: {  	v58 =	vsel vm2, s0, v36;
	s0 =	sshrl.u32 s0, $0x1F;
	v36 =	vand.u32 $0xFFFFFF80, v13;
	v19 =	vsel vm8, v20, v19  }
0x1a0: {  	v24 =	vsel vm2, s0, v24;
	v39 =	vcombine.low v50, v58;
	v12 =	vadd.s32 v19, v12  }
0x1a1: {  	vm9 =	vlt.s32 v18, $0x32;
	v24 =	vcombine.low v51, v24;
	v35 =	vmul.u32 $0xFFFFFFFD, v12  }
0x1a2: {  	v18 =	vnsel vm9, $0x32, v18;
	v20 =	vmul.f32 v23, v31;
	vm9 =	vlt.s32 v15, $0x1  }
0x1a3: {  	v23 =	vperm.xlane v39, v8;
	v33 =	vand.u32 $0xFFFFFF80, v18;
	v37 =	vadd.s32 v15, v35  }
0x1a4: {  	v18 =	vand.u32 $0x7F, v18;
	v24 =	vperm.xlane v24, v8;
	vm10 =	vne.s32 v37, $0x0  }
0x1a5: {  	v34 =	vadd.s32 v14, v33;
	v23 =	vsel vm8, v26, v23;
	vm9 =	vmand vm9, vm10  }
0x1a6: {  	v18 =	vor.u32 v18, v34;
	v24 =	vsel vm8, v40, v24;
	v41 =	vsel vm9, $0xFFFFFFFF, v2  }
0x1a7: {  	v25 =	vadd.s32 $0x3, v37;
	vm10 =	vlt.s32 v37, $0x0;
	v12 =	vadd.s32 v41, v12  }
0x1a8: {  	v23 =	vadd.s32 v24, v23;
	v42 =	vsel vm10, v25, v37;
	v43 =	vshll.u32 v12, $0x1  }
0x1a9: {  	vm10 =	veq.s32 v42, $0x1;
	v12 =	vadd.s32 $0x22, v12;
	v44 =	vor.u32 $0x1, v43  }
0x1aa: {  	v45 =	vmul.u32 $0xFFFFFFFD, v23;
	vm9 =	veq.s32 v42, $0x0;
	v12 =	vsel vm10, v44, v12  }
0x1ab: {  	v47 =	vsel vm11, v10, v46;
	v14 =	vadd.s32 v14, v36;
	v12 =	vsel vm9, v43, v12  }
0x1ac: {  	s23 =	simm.s32 $0xA600;
	v13 =	vor.u32 v38, v14;
	v14 =	vadd.s32 v21, v45;
	vm11 =	vlt.s32 v12, $0x32  }
0x1ad: {  	s22 =	rddreg [dreg:$0x6];
	[tilespmem:v17+s23+$0x0] =	vst.idx.msk $0xffff, v20;
	vm12 =	vne.s32 v14, $0x0;
	v12 =	vnsel vm11, $0x32, v12;
	vm11 =	vlt.s32 v21, $0x1  }
0x1ae: {  	v48 =	vsel vm13, $0x0, v47;
	v17 =	vld.idx.msk [tilespmem:v18+s22+$0x0], $0xffff;
	v51 =	vadd.s32 $0x3, v14;
	vm11 =	vmand vm11, vm12  }
0x1af: {  	v49 =	vand.u32 $0xFFFFFF80, v12;
	v12 =	vand.u32 $0x7F, v12;
	v50 =	vsel vm11, $0xFFFFFFFF, v2  }
0x1b0: {  	v19 =	vadd.s32 v16, v49;
	vm11 =	vlt.s32 v14, $0x0;
	v20 =	vadd.s32 v50, v23  }
0x1b1: {  	v12 =	vor.u32 v12, v19;
	v14 =	vsel vm11, v51, v14;
	v52 =	vshll.u32 v20, $0x1  }
0x1b2: {  	v20 =	vadd.s32 $0x22, v20;
	vm11 =	veq.s32 v14, $0x1;
	v53 =	vor.u32 $0x1, v52  }
0x1b3: {  	v17 =	vmul.f32 v17, v48;
	vm12 =	veq.s32 v14, $0x0;
	v54 =	vsel vm11, v53, v20  }
0x1b4: {  	v14 =	vsel vm12, v52, v54  }
0x1b5: {  	s24 =	rddreg [dreg:$0x6];
	v55 =	vand.u32 $0xFFFFFF80, v15;
	[tilespmem:v13+s23+$0x0] =	vst.idx.msk $0xffff, v17;
	vm13 =	vlt.s32 v14, $0x32  }
0x1b6: {  	v56 =	vadd.s32 v16, v55;
	v57 =	vand.u32 $0x7F, v15;
	v12 =	vld.idx.msk [tilespmem:v12+s24+$0x0], $0xffff;
	v14 =	vnsel vm13, $0x32, v14  }
0x1b7: {  	v58 =	vshll.u32 v22, $0x7;
	v60 =	vnsel vm10, $0x3F800000, v11;
	v59 =	vand.u32 $0xFFFFFF80, v14  }
0x1b8: {  	v13 =	vor.u32 v57, v56;
	v14 =	vand.u32 $0x7F, v14;
	v17 =	vadd.s32 v58, v59  }
0x1b9: {  	v61 =	vsel vm9, v10, v60;
	vm10 =	veq.s32 v15, $0x33;
	v14 =	vor.u32 v14, v17  }
0x1ba: {  	v15 =	vsel vm10, $0x0, v61  }
0x1bb: {  	v12 =	vmul.f32 v12, v15;
	_ =	sdelay $0x1  }
0x1bc: {  	s25 =	rddreg [dreg:$0x6];
	[tilespmem:v13+s23+$0x0] =	vst.idx.msk $0xffff, v12  }
0x1bd: {  	v62 =	vand.u32 $0xFFFFFF80, v21;
	v12 =	vld.idx.msk [tilespmem:v14+s25+$0x0], $0xffff  }
0x1be: {  	v63 =	vand.u32 $0x7F, v21;
	v13 =	vadd.s32 v58, v62  }
0x1bf: {  	v11 =	vnsel vm11, $0x3F800000, v11;
	v13 =	vor.u32 v63, v13  }
0x1c0: {  	vm9 =	veq.s32 v21, $0x33;
	v10 =	vsel vm12, v10, v11  }
0x1c1: {  	v10 =	vsel vm9, $0x0, v10  }
0x1c2: {  	v10 =	vmul.f32 v12, v10  }
0x1c3: {  	s26 =	rddreg [dreg:$0x13]  }
0x1c4: {  	s1 =	simm.s32 $0x3;
	s16 =	simm.s32 $0x900;
	s12 =	simm.s32 $0x0;
	[tilespmem:v13+s23+$0x0] =	vst.idx.msk $0xffff, v10  }
0x1c5: {  	[hbm4b:s26+s12] =	stream.linear.scatter [tilespmem:s16], [sflag:$0x3], $0x80, $0x38;
	[tilespmem:$0xDA00] =	vst v63  }
0x1c6: {  	_ =	swait.ge [sflag:s1], $0x80  }
0x1c7: {  	[sflag:s1] =	ssyncset.done $0x0  }
0x1c8: {  	s20 =	simm.s32 $0x7200;
	s28 =	rddreg [dreg:$0x14];
	[sflag:s1] =	ssyncadd.s32 $0xFFFFFF80  }
0x1c9: {  	[hbm4b:s28+s12] =	stream.linear.scatter [tilespmem:s20], [sflag:$0x3], $0x3200, $0x38;
	[tilespmem:$0xDA00] =	vst v63  }
0x1ca: {  	_ =	swait.ge [sflag:s1], $0x3200  }
0x1cb: {  	[sflag:s1] =	ssyncset.done $0x0  }
0x1cc: {  	s29 =	rddreg [dreg:$0x15];
	[sflag:s1] =	ssyncadd.s32 $0xFFFFCE00  }
0x1cd: {  	[hbm4b:s29+s12] =	stream.linear.scatter [tilespmem:s23], [sflag:$0x3], $0x3200, $0x38;
	[tilespmem:$0xDA00] =	vst v63  }
0x1ce: {  	_ =	swait.ge [sflag:s1], $0x3200  }
0x1cf: {  	s30 =	rddreg [dreg:$0x18]  }
0x1d0: {  	s31 =	rddreg [dreg:$0x17];
	s2 =	sadd.s32 $0x1, s30  }
0x1d1: {  	p0 =	sne.s32 s2, s31  }
.Ltmp13:
0x1d2: {  	_ = 	snop;
	(pc) =	sbr.rel @p0 .LBB2_2-.Ltmp13, $4  }
0x1d3: {  	s9 =	simm.s32 $0x80;
	s17 =	simm.s32 $0x980  }
0x1d4: {  	s11 =	simm.s32 $0x400;
	s19 =	simm.s32 $0xA00;
	s13 =	rddreg [dreg:$0xd]  }
0x1d5: {  	s18 =	simm.s32 $0x2;
	[sflag:s1] =	ssyncset.done $0x0;
	s14 =	rddreg [dreg:$0xe]  }
0x1d6: {  	s15 =	simm.s32 $0x1;
	s10 =	rddreg [dreg:$0x12];
	[sflag:s1] =	ssyncadd.s32 $0xFFFFCE00  }
.LBB2_20:
0x1d7: {  	_ =	sfence.sel $0x180000  }
0x1d8: {  	[bflag:$0x0] =	sbarrier.arrive $0xFFFF  }
0x1d9: {  	_ =	strace $0x9000004D  }
0x1da: {  	s0 =	stileid.u32;
	[bflag:$0x2] =	sbarrier.arrive $0xFFFF  }
0x1db: {  	p0 =	sne.s32 s0, $0x0;
	s0 =	rddreg [dreg:$0x5]  }
0x1dc: {  	s0 =	sadd.s32 @!p0 $0x100000, s0  }
0x1dd: {  	[sflag:s0] =	ssyncadd.tile.s32 @!p0 $0x1;
	_ =	shalt  }
.Lfunc_end2:
_tile_overlayer_lowered:
.L_overlay_start_2:
0x1de: {  	(tag) =	ssettag $0x2  }
0x1df: {  	s0 =	rddreg [dreg:$0x0];
	s2 =	stileid.u32  }
0x1e0: {  	s1 =	rddreg [dreg:$0x1];
	p0 =	sne.s32 s2, $0x0  }
0x1e1: {  	s3 =	rddreg [dreg:$0x2];
	[bflag:$0x3] =	sbarrier.arrive $0xFFFF;
	s2 =	simm.s32 @!p0 $0x1C03  }
0x1e2: {  	[timem:s3], [sflag:s2] =	dma.local @!p0 [hbm:s0], s1  }
0x1e3: {  	s0 =	simm.s32 @!p0 $0x3  }
0x1e4: {  	_ =	swait.ge @!p0 [sflag:s0], s1  }
0x1e5: {  	s1 =	ssub.s32 @!p0 $0x0, s1;
	[sflag:s0] =	ssyncset.done @!p0 $0x0  }
0x1e6: {  	[sflag:s0] =	ssyncadd.s32 @!p0 s1  }
0x1e7: {  	[bflag:$0x3] =	sbarrier.arrive $0xFFFF  }
0x1e8: {  	_ =	shalt  }

</sc_bundles>
